<compile_context>
chip_gen: v7x
topology: tpu7x:2x2x1
jax: 0.10.2.dev20260603
libtpu: 0.0.44.dev20260713+nightly
codegen_flags: <defaults>
</compile_context>

<pallas_src>
import jax
import jax.numpy as jnp
from jax import lax
from jax.experimental import pallas as pl
from jax.experimental.pallas import tpu as pltpu
from jax.experimental.pallas import tpu_sc as plsc

N = 10000
NPAD = 10240
E = 320000
EPAD = 327680
D = 128
DH = 256
NC = 2
NS = 16
NW = NC * NS
EPW = EPAD // NW
CH = 128
NCHUNK = EPW // CH
NGROUP = 2
GCHUNK = NCHUNK // NGROUP
TCHUNK = EPAD // CH
K0 = 80
K1 = 80
AGC = 16
NTC0 = NS * K0
RSUB = NPAD // NS
DEGW = 128
BR = 1024


def _sc_deg(dst_hbm, ones_hbm, zeros_hbm, out_hbm, idx_v, ones_v, acc_sh):
    c = lax.axis_index("c")
    s = lax.axis_index("s")
    wid = c * NS + s
    pltpu.sync_copy(ones_hbm, ones_v)
    pltpu.sync_copy(zeros_hbm, acc_sh.at[pl.ds(s * RSUB, RSUB)])
    plsc.subcore_barrier()

    for h in range(NGROUP):
        pltpu.sync_copy(dst_hbm.at[pl.ds(wid * NCHUNK + h * GCHUNK, GCHUNK)], idx_v)

        def body(i, carry):
            pltpu.sync_copy(ones_v, acc_sh.at[idx_v.at[i]], add=True)
            return carry

        lax.fori_loop(0, GCHUNK, body, 0)
    plsc.subcore_barrier()
    pltpu.sync_copy(
        acc_sh.at[pl.ds(s * RSUB, RSUB)],
        out_hbm.at[c, pl.ds(s * RSUB, RSUB)],
    )


def _sc_agg(val_hbm, src_hbm, dst_hbm, zeros_hbm, out_hbm,
            src_v, dst_v, rows_a, rows_b, acc_sh, sem_a, sem_b):
    c = lax.axis_index("c")
    s = lax.axis_index("s")
    pltpu.sync_copy(zeros_hbm, acc_sh.at[pl.ds(s * RSUB, RSUB)])
    plsc.subcore_barrier()

    ngr = jnp.where(c == 0, K0 // AGC, K1 // AGC)
    cbase = jnp.where(c == 0, s * K0, NTC0 + s * K1)

    if True:
        def group(g, carry):
            gb = cbase + g * AGC
            pltpu.sync_copy(src_hbm.at[pl.ds(gb, AGC)], src_v)
            pltpu.sync_copy(dst_hbm.at[pl.ds(gb, AGC)], dst_v)
            pltpu.async_copy(val_hbm.at[src_v.at[0]], rows_a, sem_a)

            def body(k, carry2):
                i0 = 2 * k
                pltpu.async_copy(val_hbm.at[src_v.at[i0 + 1]], rows_b, sem_b)
                pltpu.make_async_copy(val_hbm.at[src_v.at[i0]], rows_a, sem_a).wait()
                pltpu.sync_copy(rows_a, acc_sh.at[dst_v.at[i0]], add=True)
                pltpu.async_copy(val_hbm.at[src_v.at[i0 + 2]], rows_a, sem_a)
                pltpu.make_async_copy(val_hbm.at[src_v.at[i0 + 1]], rows_b, sem_b).wait()
                pltpu.sync_copy(rows_b, acc_sh.at[dst_v.at[i0 + 1]], add=True)
                return carry2

            lax.fori_loop(0, AGC // 2 - 1, body, 0)
            i0 = AGC - 2
            pltpu.async_copy(val_hbm.at[src_v.at[i0 + 1]], rows_b, sem_b)
            pltpu.make_async_copy(val_hbm.at[src_v.at[i0]], rows_a, sem_a).wait()
            pltpu.sync_copy(rows_a, acc_sh.at[dst_v.at[i0]], add=True)
            pltpu.make_async_copy(val_hbm.at[src_v.at[i0 + 1]], rows_b, sem_b).wait()
            pltpu.sync_copy(rows_b, acc_sh.at[dst_v.at[i0 + 1]], add=True)
            return carry

        lax.fori_loop(0, ngr, group, 0)
        plsc.subcore_barrier()
        pltpu.sync_copy(
            acc_sh.at[pl.ds(s * RSUB, RSUB)],
            out_hbm.at[c, pl.ds(s * RSUB, RSUB)],
        )


def _tc_prep(degp_ref, x_ref, d_ref, xs_ref):
    deg = degp_ref[0] + degp_ref[1]
    dv = lax.rsqrt(deg[:, 0:1] + 1.0)
    d_ref[...] = dv
    xs_ref[...] = x_ref[...] * dv


def _tc_mlp(p_ref, xs_ref, d_ref, m_ref, w0_ref, b0_ref, w1_ref, z_ref):
    agg = p_ref[0] + p_ref[1] + xs_ref[...]
    dv = d_ref[...]
    h = jnp.dot(agg * dv, w0_ref[...], preferred_element_type=jnp.float32)
    x1 = jnp.maximum(h + b0_ref[...], 0.0)
    z_ref[...] = jnp.dot(x1 * (dv * m_ref[...]), w1_ref[...],
                         preferred_element_type=jnp.float32)


def _tc_out(q_ref, z_ref, d_ref, b1_ref, o_ref):
    agg = q_ref[0] + q_ref[1] + z_ref[...]
    o_ref[...] = jnp.maximum(agg * d_ref[...] + b1_ref[...], 0.0)


def kernel(x, edge_index, W0, b0, W1, b1):
    f32 = jnp.float32
    ei = edge_index.astype(jnp.int32)
    pad_e = EPAD - E
    ar = jnp.arange(pad_e, dtype=jnp.int32)
    pad_src = ar % N
    pad_dst = N + (ar % (NPAD - N))
    src3 = jnp.concatenate([ei[0], pad_src]).reshape(TCHUNK, CH)
    dst3 = jnp.concatenate([ei[1], pad_dst]).reshape(TCHUNK, CH)
    x_pad = jnp.concatenate([x, jnp.zeros((NPAD - N, D), f32)], axis=0)
    ones_tpl = jnp.zeros((CH, DEGW), f32).at[:, 0].set(1.0)
    zdeg = jnp.zeros((RSUB, DEGW), f32)
    zrow = jnp.zeros((RSUB, D), f32)
    maskc = (jnp.arange(NPAD) < N).astype(f32)[:, None]
    b0r = b0.reshape(1, DH)
    b1r = b1.reshape(1, D)

    mesh = plsc.VectorSubcoreMesh(core_axis_name="c", subcore_axis_name="s")
    deg_call = pl.kernel(
        _sc_deg,
        out_type=jax.ShapeDtypeStruct((NC, NPAD, DEGW), f32),
        mesh=mesh,
        scratch_types=[
            pltpu.VMEM((GCHUNK, CH), jnp.int32),
            pltpu.VMEM((CH, DEGW), f32),
            pltpu.VMEM_SHARED((NPAD, DEGW), f32),
        ],
    )
    agg_call = pl.kernel(
        _sc_agg,
        out_type=jax.ShapeDtypeStruct((NC, NPAD, D), f32),
        mesh=mesh,
        scratch_types=[
            pltpu.VMEM((AGC, CH), jnp.int32),
            pltpu.VMEM((AGC, CH), jnp.int32),
            pltpu.VMEM((CH, D), f32),
            pltpu.VMEM((CH, D), f32),
            pltpu.VMEM_SHARED((NPAD, D), f32),
            pltpu.SemaphoreType.DMA,
            pltpu.SemaphoreType.DMA,
        ],
    )

    grid = (NPAD // BR,)
    row_spec = pl.BlockSpec((BR, D), lambda i: (i, 0))
    col_spec = pl.BlockSpec((BR, 1), lambda i: (i, 0))
    part_spec = pl.BlockSpec((NC, BR, D), lambda i: (0, i, 0))

    degp = deg_call(dst3, ones_tpl, zdeg)

    d_col, xs = pl.pallas_call(
        _tc_prep,
        grid=grid,
        in_specs=[pl.BlockSpec((NC, BR, DEGW), lambda i: (0, i, 0)), row_spec],
        out_specs=[col_spec, row_spec],
        out_shape=[
            jax.ShapeDtypeStruct((NPAD, 1), f32),
            jax.ShapeDtypeStruct((NPAD, D), f32),
        ],
    )(degp, x_pad)

    p = agg_call(xs, src3, dst3, zrow)

    z = pl.pallas_call(
        _tc_mlp,
        grid=grid,
        in_specs=[
            part_spec, row_spec, col_spec, col_spec,
            pl.BlockSpec((D, DH), lambda i: (0, 0)),
            pl.BlockSpec((1, DH), lambda i: (0, 0)),
            pl.BlockSpec((DH, D), lambda i: (0, 0)),
        ],
        out_specs=row_spec,
        out_shape=jax.ShapeDtypeStruct((NPAD, D), f32),
    )(p, xs, d_col, maskc, W0, b0r, W1)

    q = agg_call(z, src3, dst3, zrow)

    out = pl.pallas_call(
        _tc_out,
        grid=grid,
        in_specs=[
            part_spec, row_spec, col_spec,
            pl.BlockSpec((1, D), lambda i: (0, 0)),
        ],
        out_specs=row_spec,
        out_shape=jax.ShapeDtypeStruct((NPAD, D), f32),
    )(q, z, d_col, b1r)

    return out[:N]

# --- scband reference (transcript-rebuilt; emitter-appended) ---
"""Pipeline reference for scband-encoder-42210938585608 (READ-ONLY COPY).

The authoritative reference and input builder live on the scoring server;
editing this copy changes nothing except your own understanding.
"""

import jax, jax.numpy as jnp
import numpy as np

N_NODES = 10000
N_EDGES = 320000
D_IN = 128
D_OUT = 128
D_HID = 2 * D_OUT


def gcn_conv(x, edge_index, W, b):
    # Faithful PyG-style GCNConv: add self-loops, symmetric normalization,
    # linear transform, scatter-add aggregation, bias.
    n = x.shape[0]
    loop = jnp.arange(n, dtype=edge_index.dtype)
    src = jnp.concatenate([edge_index[0], loop])
    dst = jnp.concatenate([edge_index[1], loop])
    ones = jnp.ones(src.shape[0], dtype=x.dtype)
    deg = jnp.zeros((n,), dtype=x.dtype).at[dst].add(ones)
    deg_inv_sqrt = jnp.where(deg > 0, jax.lax.rsqrt(jnp.maximum(deg, 1e-12)), 0.0)
    norm = deg_inv_sqrt[src] * deg_inv_sqrt[dst]
    h = x @ W  # [n, d_out]
    msg = h[src] * norm[:, None]  # gather
    out = jnp.zeros((n, h.shape[1]), dtype=x.dtype).at[dst].add(msg)  # scatter-add
    return out + b


def setup_inputs(seed: int = 0) -> dict:
    key = jax.random.key(seed)
    k_x, k_e, k_w0, k_w1 = jax.random.split(key, 4)
    x = jax.random.normal(k_x, (N_NODES, D_IN), dtype=jnp.float32)
    edge_index = jax.random.randint(k_e, (2, N_EDGES), 0, N_NODES, dtype=jnp.int64)
    # Xavier-uniform initialized linear weights (GCNConv layer weights), zero bias
    lim0 = float(np.sqrt(6.0 / (D_IN + D_HID)))
    W0 = jax.random.uniform(k_w0, (D_IN, D_HID), minval=-lim0, maxval=lim0, dtype=jnp.float32)
    b0 = jnp.zeros((D_HID,), dtype=jnp.float32)
    lim1 = float(np.sqrt(6.0 / (D_HID + D_OUT)))
    W1 = jax.random.uniform(k_w1, (D_HID, D_OUT), minval=-lim1, maxval=lim1, dtype=jnp.float32)
    b1 = jnp.zeros((D_OUT,), dtype=jnp.float32)
    return {"x": x, "edge_index": edge_index, "W0": W0, "b0": b0, "W1": W1, "b1": b1}


def reference(x, edge_index, W0, b0, W1, b1):
    # dropout(p=0.2) is identity at inference time
    x1 = jax.nn.relu(gcn_conv(x, edge_index, W0, b0))
    x2 = jax.nn.relu(gcn_conv(x1, edge_index, W1, b1))
    return x2

if __name__ == "__main__":
    import jax
    _d = setup_inputs()
    print(jax.jit(kernel)(*tuple(_d.values())))

</pallas_src>

<mosaic_0001>
#map = affine_map<(d0, d1) -> (0, 0)>
#map1 = affine_map<(d0, d1) -> (0, 0, 0)>
module attributes {stable_mosaic.version = 14 : i64} {
  func.func @_sc_agg(%arg0: i32, %arg1: i32, %arg2: memref<10240x128xf32, #tpu.memory_space<hbm>>, %arg3: memref<2560x128xi32, #tpu.memory_space<hbm>>, %arg4: memref<2560x128xi32, #tpu.memory_space<hbm>>, %arg5: memref<640x128xf32, #tpu.memory_space<hbm>>, %arg6: memref<2x10240x128xf32, #tpu.memory_space<hbm>>, %arg7: memref<16x128xi32, #tpu.memory_space<vmem>>, %arg8: memref<16x128xi32, #tpu.memory_space<vmem>>, %arg9: memref<128x128xf32, #tpu.memory_space<vmem>>, %arg10: memref<128x128xf32, #tpu.memory_space<vmem>>, %arg11: memref<10240x128xf32, #tpu.memory_space<vmem_shared>>, %arg12: memref<!tpu.dma_semaphore, #tpu.memory_space<semaphore_mem>>, %arg13: memref<!tpu.dma_semaphore, #tpu.memory_space<semaphore_mem>>) attributes {dimension_semantics = [#tpu.dimension_semantics<core_parallel>, #tpu.dimension_semantics<subcore_parallel>], iteration_bounds = array<i64: 2, 16>, scalar_prefetch = 0 : i64, scratch_operands = 7 : i64, tpu.core_type = #tpu.core_type<sc_vector_subcore>, window_params = [{transform_indices = #map}, {transform_indices = #map}, {transform_indices = #map}, {transform_indices = #map}, {transform_indices = #map1}]} {
    %mul3A = arith.constant 640 : i32
    %mul3A_0 = arith.muli %arg1, %mul3A : i32
    "tpu.region"() ({
      %run_scoped3A = tpu.sem_alloc : memref<!tpu.dma_semaphore, #tpu.memory_space<semaphore_mem>>
      %dma_start3A = arith.constant 0 : i32
      %dma_start3A_25 = tpu.memref_slice %arg11[%mul3A_0, %dma_start3A] : memref<10240x128xf32, #tpu.memory_space<vmem_shared>> -> memref<640x128xf32, #tpu.memory_space<vmem_shared>>
      tpu.enqueue_dma source(%arg5 : memref<640x128xf32, #tpu.memory_space<hbm>>) target(%dma_start3A_25 : memref<640x128xf32, #tpu.memory_space<vmem_shared>>) target_semaphore(%run_scoped3A : memref<!tpu.dma_semaphore, #tpu.memory_space<semaphore_mem>>)
      %dma_wait3A = arith.constant 0 : i32
      %dma_wait3A_26 = tpu.memref_slice %arg11[%mul3A_0, %dma_wait3A] : memref<10240x128xf32, #tpu.memory_space<vmem_shared>> -> memref<640x128xf32, #tpu.memory_space<vmem_shared>>
      tpu.wait_dma2 semaphore(%run_scoped3A : memref<!tpu.dma_semaphore, #tpu.memory_space<semaphore_mem>>) src(%arg5 : memref<640x128xf32, #tpu.memory_space<hbm>>) dst(%dma_wait3A_26 : memref<640x128xf32, #tpu.memory_space<vmem_shared>>)
      tpu.yield
    }) : () -> ()
    %barrier3A = arith.constant 0 : index
    tpu.barrier barrier_id(%barrier3A)
    %eq3A = arith.constant 0 : i32
    %eq3A_1 = arith.cmpi eq, %arg0, %eq3A : i32
    %jit3A = arith.constant 5 : i32
    %jit3A_2 = arith.constant 5 : i32
    %select_n3A = arith.select %eq3A_1, %jit3A, %jit3A_2 : i32
    %eq3A_3 = arith.constant 0 : i32
    %eq3A_4 = arith.cmpi eq, %arg0, %eq3A_3 : i32
    %mul3A_5 = arith.constant 80 : i32
    %mul3A_6 = arith.muli %arg1, %mul3A_5 : i32
    %mul3A_7 = arith.constant 80 : i32
    %mul3A_8 = arith.muli %arg1, %mul3A_7 : i32
    %add3A = arith.constant 1280 : i32
    %add3A_9 = arith.addi %add3A, %mul3A_8 : i32
    %select_n3A_10 = arith.select %eq3A_4, %mul3A_6, %add3A_9 : i32
    %while3A = arith.constant 0 : i32
    %while3A_11 = arith.constant 0 : i32
    %while3A_12 = arith.subi %select_n3A, %while3A_11 : i32
    %while3A_13 = arith.addi %while3A_11, %while3A_12 : i32
    %while3A_14 = arith.constant 1 : i32
    %while3A_15 = arith.divsi %while3A_12, %while3A_14 : i32
    %while3A_16 = arith.muli %while3A_15, %while3A_14 : i32
    %while3A_17 = arith.addi %while3A_11, %while3A_16 : i32
    %while3A_18 = arith.constant 1 : i32
    scf.for %while3A_25 = %while3A_11 to %while3A_17 step %while3A_18  : i32 {
      %mul3A_26 = arith.constant 16 : i32
      %mul3A_27 = arith.muli %while3A_25, %mul3A_26 : i32
      %add3A_28 = arith.addi %select_n3A_10, %mul3A_27 : i32
      "tpu.region"() ({
        %run_scoped3A_61 = tpu.sem_alloc : memref<!tpu.dma_semaphore, #tpu.memory_space<semaphore_mem>>
        %dma_start3A_62 = arith.constant 0 : i32
        %dma_start3A_63 = tpu.memref_slice %arg3[%add3A_28, %dma_start3A_62] : memref<2560x128xi32, #tpu.memory_space<hbm>> -> memref<16x128xi32, #tpu.memory_space<hbm>>
        %dma_start3A_64 = arith.constant 0 : i32
        %dma_start3A_65 = tpu.memref_slice %arg3[%add3A_28, %dma_start3A_64] : memref<2560x128xi32, #tpu.memory_space<hbm>> -> memref<16x128xi32, #tpu.memory_space<hbm>>
        tpu.enqueue_dma source(%dma_start3A_65 : memref<16x128xi32, #tpu.memory_space<hbm>>) target(%arg7 : memref<16x128xi32, #tpu.memory_space<vmem>>) target_semaphore(%run_scoped3A_61 : memref<!tpu.dma_semaphore, #tpu.memory_space<semaphore_mem>>)
        %dma_wait3A_66 = arith.constant 0 : i32
        %dma_wait3A_67 = tpu.memref_slice %arg3[%add3A_28, %dma_wait3A_66] : memref<2560x128xi32, #tpu.memory_space<hbm>> -> memref<16x128xi32, #tpu.memory_space<hbm>>
        %dma_wait3A_68 = arith.constant 0 : i32
        %dma_wait3A_69 = tpu.memref_slice %arg3[%add3A_28, %dma_wait3A_68] : memref<2560x128xi32, #tpu.memory_space<hbm>> -> memref<16x128xi32, #tpu.memory_space<hbm>>
        tpu.wait_dma2 semaphore(%run_scoped3A_61 : memref<!tpu.dma_semaphore, #tpu.memory_space<semaphore_mem>>) src(%dma_wait3A_69 : memref<16x128xi32, #tpu.memory_space<hbm>>) dst(%arg7 : memref<16x128xi32, #tpu.memory_space<vmem>>)
        tpu.yield
      }) : () -> ()
      "tpu.region"() ({
        %run_scoped3A_61 = tpu.sem_alloc : memref<!tpu.dma_semaphore, #tpu.memory_space<semaphore_mem>>
        %dma_start3A_62 = arith.constant 0 : i32
        %dma_start3A_63 = tpu.memref_slice %arg4[%add3A_28, %dma_start3A_62] : memref<2560x128xi32, #tpu.memory_space<hbm>> -> memref<16x128xi32, #tpu.memory_space<hbm>>
        %dma_start3A_64 = arith.constant 0 : i32
        %dma_start3A_65 = tpu.memref_slice %arg4[%add3A_28, %dma_start3A_64] : memref<2560x128xi32, #tpu.memory_space<hbm>> -> memref<16x128xi32, #tpu.memory_space<hbm>>
        tpu.enqueue_dma source(%dma_start3A_65 : memref<16x128xi32, #tpu.memory_space<hbm>>) target(%arg8 : memref<16x128xi32, #tpu.memory_space<vmem>>) target_semaphore(%run_scoped3A_61 : memref<!tpu.dma_semaphore, #tpu.memory_space<semaphore_mem>>)
        %dma_wait3A_66 = arith.constant 0 : i32
        %dma_wait3A_67 = tpu.memref_slice %arg4[%add3A_28, %dma_wait3A_66] : memref<2560x128xi32, #tpu.memory_space<hbm>> -> memref<16x128xi32, #tpu.memory_space<hbm>>
        %dma_wait3A_68 = arith.constant 0 : i32
        %dma_wait3A_69 = tpu.memref_slice %arg4[%add3A_28, %dma_wait3A_68] : memref<2560x128xi32, #tpu.memory_space<hbm>> -> memref<16x128xi32, #tpu.memory_space<hbm>>
        tpu.wait_dma2 semaphore(%run_scoped3A_61 : memref<!tpu.dma_semaphore, #tpu.memory_space<semaphore_mem>>) src(%dma_wait3A_69 : memref<16x128xi32, #tpu.memory_space<hbm>>) dst(%arg8 : memref<16x128xi32, #tpu.memory_space<vmem>>)
        tpu.yield
      }) : () -> ()
      %dma_start3A = arith.constant 0 : i32
      %dma_start3A_29 = arith.constant 0 : i32
      %dma_start3A_30 = tpu.memref_slice %arg7[%dma_start3A, %dma_start3A_29] : memref<16x128xi32, #tpu.memory_space<vmem>> -> memref<1x128xi32, #tpu.memory_space<vmem>>
      %dma_start3A_31 = tpu.memref_squeeze %dma_start3A_30 : memref<1x128xi32, #tpu.memory_space<vmem>> -> memref<128xi32, #tpu.memory_space<vmem>>
      %dma_start3A_32 = arith.constant 0 : i32
      %dma_start3A_33 = arith.constant 0 : i32
      %dma_start3A_34 = tpu.memref_slice %arg2[%dma_start3A_32, %dma_start3A_33] : memref<10240x128xf32, #tpu.memory_space<hbm>> -> memref<10240x128xf32, #tpu.memory_space<hbm>>
      tpu.enqueue_indirect_dma source(%dma_start3A_34 : memref<10240x128xf32, #tpu.memory_space<hbm>>) target(%arg9 : memref<128x128xf32, #tpu.memory_space<vmem>>) offsets(%dma_start3A_31 : memref<128xi32, #tpu.memory_space<vmem>>) semaphore(%arg12 : memref<!tpu.dma_semaphore, #tpu.memory_space<semaphore_mem>>)
      %scan3A = arith.constant 0 : i32
      %scan3A_35 = arith.constant 0 : i32
      %scan3A_36 = arith.constant 7 : i32
      %scan3A_37 = arith.addi %scan3A_35, %scan3A_36 : i32
      %scan3A_38 = arith.constant 1 : i32
      scf.for %scan3A_61 = %scan3A_35 to %scan3A_37 step %scan3A_38  : i32 {
        %mul3A_62 = arith.constant 2 : i32
        %mul3A_63 = arith.muli %mul3A_62, %scan3A_61 : i32
        %add3A_64 = arith.constant 1 : i32
        %add3A_65 = arith.addi %mul3A_63, %add3A_64 : i32
        %dma_start3A_66 = arith.constant 0 : i32
        %dma_start3A_67 = tpu.memref_slice %arg7[%add3A_65, %dma_start3A_66] : memref<16x128xi32, #tpu.memory_space<vmem>> -> memref<1x128xi32, #tpu.memory_space<vmem>>
        %dma_start3A_68 = tpu.memref_squeeze %dma_start3A_67 : memref<1x128xi32, #tpu.memory_space<vmem>> -> memref<128xi32, #tpu.memory_space<vmem>>
        %dma_start3A_69 = arith.constant 0 : i32
        %dma_start3A_70 = arith.constant 0 : i32
        %dma_start3A_71 = tpu.memref_slice %arg2[%dma_start3A_69, %dma_start3A_70] : memref<10240x128xf32, #tpu.memory_space<hbm>> -> memref<10240x128xf32, #tpu.memory_space<hbm>>
        tpu.enqueue_indirect_dma source(%dma_start3A_71 : memref<10240x128xf32, #tpu.memory_space<hbm>>) target(%arg10 : memref<128x128xf32, #tpu.memory_space<vmem>>) offsets(%dma_start3A_68 : memref<128xi32, #tpu.memory_space<vmem>>) semaphore(%arg13 : memref<!tpu.dma_semaphore, #tpu.memory_space<semaphore_mem>>)
        %dma_wait3A_72 = arith.constant 0 : i32
        %dma_wait3A_73 = tpu.memref_slice %arg7[%mul3A_63, %dma_wait3A_72] : memref<16x128xi32, #tpu.memory_space<vmem>> -> memref<1x128xi32, #tpu.memory_space<vmem>>
        %dma_wait3A_74 = tpu.memref_squeeze %dma_wait3A_73 : memref<1x128xi32, #tpu.memory_space<vmem>> -> memref<128xi32, #tpu.memory_space<vmem>>
        %dma_wait3A_75 = arith.constant 0 : i32
        %dma_wait3A_76 = arith.constant 0 : i32
        %dma_wait3A_77 = tpu.memref_slice %arg2[%dma_wait3A_75, %dma_wait3A_76] : memref<10240x128xf32, #tpu.memory_space<hbm>> -> memref<10240x128xf32, #tpu.memory_space<hbm>>
        tpu.wait_indirect_dma semaphore(%arg12 : memref<!tpu.dma_semaphore, #tpu.memory_space<semaphore_mem>>) src(%dma_wait3A_77 : memref<10240x128xf32, #tpu.memory_space<hbm>>) dst(%arg9 : memref<128x128xf32, #tpu.memory_space<vmem>>)
        "tpu.region"() ({
          %run_scoped3A_96 = tpu.sem_alloc : memref<!tpu.dma_semaphore, #tpu.memory_space<semaphore_mem>>
          %dma_start3A_97 = arith.constant 0 : i32
          %dma_start3A_98 = tpu.memref_slice %arg8[%mul3A_63, %dma_start3A_97] : memref<16x128xi32, #tpu.memory_space<vmem>> -> memref<1x128xi32, #tpu.memory_space<vmem>>
          %dma_start3A_99 = tpu.memref_squeeze %dma_start3A_98 : memref<1x128xi32, #tpu.memory_space<vmem>> -> memref<128xi32, #tpu.memory_space<vmem>>
          %dma_start3A_100 = arith.constant 0 : i32
          %dma_start3A_101 = arith.constant 0 : i32
          %dma_start3A_102 = tpu.memref_slice %arg11[%dma_start3A_100, %dma_start3A_101] : memref<10240x128xf32, #tpu.memory_space<vmem_shared>> -> memref<10240x128xf32, #tpu.memory_space<vmem_shared>>
          tpu.enqueue_indirect_dma source(%arg9 : memref<128x128xf32, #tpu.memory_space<vmem>>) target(%dma_start3A_102 : memref<10240x128xf32, #tpu.memory_space<vmem_shared>>) offsets(%dma_start3A_99 : memref<128xi32, #tpu.memory_space<vmem>>) semaphore(%run_scoped3A_96 : memref<!tpu.dma_semaphore, #tpu.memory_space<semaphore_mem>>) {add = true}
          %dma_wait3A_103 = arith.constant 0 : i32
          %dma_wait3A_104 = tpu.memref_slice %arg8[%mul3A_63, %dma_wait3A_103] : memref<16x128xi32, #tpu.memory_space<vmem>> -> memref<1x128xi32, #tpu.memory_space<vmem>>
          %dma_wait3A_105 = tpu.memref_squeeze %dma_wait3A_104 : memref<1x128xi32, #tpu.memory_space<vmem>> -> memref<128xi32, #tpu.memory_space<vmem>>
          %dma_wait3A_106 = arith.constant 0 : i32
          %dma_wait3A_107 = arith.constant 0 : i32
          %dma_wait3A_108 = tpu.memref_slice %arg11[%dma_wait3A_106, %dma_wait3A_107] : memref<10240x128xf32, #tpu.memory_space<vmem_shared>> -> memref<10240x128xf32, #tpu.memory_space<vmem_shared>>
          tpu.wait_indirect_dma semaphore(%run_scoped3A_96 : memref<!tpu.dma_semaphore, #tpu.memory_space<semaphore_mem>>) src(%arg9 : memref<128x128xf32, #tpu.memory_space<vmem>>) dst(%dma_wait3A_108 : memref<10240x128xf32, #tpu.memory_space<vmem_shared>>)
          tpu.yield
        }) : () -> ()
        %add3A_78 = arith.constant 2 : i32
        %add3A_79 = arith.addi %mul3A_63, %add3A_78 : i32
        %dma_start3A_80 = arith.constant 0 : i32
        %dma_start3A_81 = tpu.memref_slice %arg7[%add3A_79, %dma_start3A_80] : memref<16x128xi32, #tpu.memory_space<vmem>> -> memref<1x128xi32, #tpu.memory_space<vmem>>
        %dma_start3A_82 = tpu.memref_squeeze %dma_start3A_81 : memref<1x128xi32, #tpu.memory_space<vmem>> -> memref<128xi32, #tpu.memory_space<vmem>>
        %dma_start3A_83 = arith.constant 0 : i32
        %dma_start3A_84 = arith.constant 0 : i32
        %dma_start3A_85 = tpu.memref_slice %arg2[%dma_start3A_83, %dma_start3A_84] : memref<10240x128xf32, #tpu.memory_space<hbm>> -> memref<10240x128xf32, #tpu.memory_space<hbm>>
        tpu.enqueue_indirect_dma source(%dma_start3A_85 : memref<10240x128xf32, #tpu.memory_space<hbm>>) target(%arg9 : memref<128x128xf32, #tpu.memory_space<vmem>>) offsets(%dma_start3A_82 : memref<128xi32, #tpu.memory_space<vmem>>) semaphore(%arg12 : memref<!tpu.dma_semaphore, #tpu.memory_space<semaphore_mem>>)
        %add3A_86 = arith.constant 1 : i32
        %add3A_87 = arith.addi %mul3A_63, %add3A_86 : i32
        %dma_wait3A_88 = arith.constant 0 : i32
        %dma_wait3A_89 = tpu.memref_slice %arg7[%add3A_87, %dma_wait3A_88] : memref<16x128xi32, #tpu.memory_space<vmem>> -> memref<1x128xi32, #tpu.memory_space<vmem>>
        %dma_wait3A_90 = tpu.memref_squeeze %dma_wait3A_89 : memref<1x128xi32, #tpu.memory_space<vmem>> -> memref<128xi32, #tpu.memory_space<vmem>>
        %dma_wait3A_91 = arith.constant 0 : i32
        %dma_wait3A_92 = arith.constant 0 : i32
        %dma_wait3A_93 = tpu.memref_slice %arg2[%dma_wait3A_91, %dma_wait3A_92] : memref<10240x128xf32, #tpu.memory_space<hbm>> -> memref<10240x128xf32, #tpu.memory_space<hbm>>
        tpu.wait_indirect_dma semaphore(%arg13 : memref<!tpu.dma_semaphore, #tpu.memory_space<semaphore_mem>>) src(%dma_wait3A_93 : memref<10240x128xf32, #tpu.memory_space<hbm>>) dst(%arg10 : memref<128x128xf32, #tpu.memory_space<vmem>>)
        %add3A_94 = arith.constant 1 : i32
        %add3A_95 = arith.addi %mul3A_63, %add3A_94 : i32
        "tpu.region"() ({
          %run_scoped3A_96 = tpu.sem_alloc : memref<!tpu.dma_semaphore, #tpu.memory_space<semaphore_mem>>
          %dma_start3A_97 = arith.constant 0 : i32
          %dma_start3A_98 = tpu.memref_slice %arg8[%add3A_95, %dma_start3A_97] : memref<16x128xi32, #tpu.memory_space<vmem>> -> memref<1x128xi32, #tpu.memory_space<vmem>>
          %dma_start3A_99 = tpu.memref_squeeze %dma_start3A_98 : memref<1x128xi32, #tpu.memory_space<vmem>> -> memref<128xi32, #tpu.memory_space<vmem>>
          %dma_start3A_100 = arith.constant 0 : i32
          %dma_start3A_101 = arith.constant 0 : i32
          %dma_start3A_102 = tpu.memref_slice %arg11[%dma_start3A_100, %dma_start3A_101] : memref<10240x128xf32, #tpu.memory_space<vmem_shared>> -> memref<10240x128xf32, #tpu.memory_space<vmem_shared>>
          tpu.enqueue_indirect_dma source(%arg10 : memref<128x128xf32, #tpu.memory_space<vmem>>) target(%dma_start3A_102 : memref<10240x128xf32, #tpu.memory_space<vmem_shared>>) offsets(%dma_start3A_99 : memref<128xi32, #tpu.memory_space<vmem>>) semaphore(%run_scoped3A_96 : memref<!tpu.dma_semaphore, #tpu.memory_space<semaphore_mem>>) {add = true}
          %dma_wait3A_103 = arith.constant 0 : i32
          %dma_wait3A_104 = tpu.memref_slice %arg8[%add3A_95, %dma_wait3A_103] : memref<16x128xi32, #tpu.memory_space<vmem>> -> memref<1x128xi32, #tpu.memory_space<vmem>>
          %dma_wait3A_105 = tpu.memref_squeeze %dma_wait3A_104 : memref<1x128xi32, #tpu.memory_space<vmem>> -> memref<128xi32, #tpu.memory_space<vmem>>
          %dma_wait3A_106 = arith.constant 0 : i32
          %dma_wait3A_107 = arith.constant 0 : i32
          %dma_wait3A_108 = tpu.memref_slice %arg11[%dma_wait3A_106, %dma_wait3A_107] : memref<10240x128xf32, #tpu.memory_space<vmem_shared>> -> memref<10240x128xf32, #tpu.memory_space<vmem_shared>>
          tpu.wait_indirect_dma semaphore(%run_scoped3A_96 : memref<!tpu.dma_semaphore, #tpu.memory_space<semaphore_mem>>) src(%arg10 : memref<128x128xf32, #tpu.memory_space<vmem>>) dst(%dma_wait3A_108 : memref<10240x128xf32, #tpu.memory_space<vmem_shared>>)
          tpu.yield
        }) : () -> ()
      }
      %scan3A_39 = arith.constant 7 : i32
      %dma_start3A_40 = arith.constant 15 : i32
      %dma_start3A_41 = arith.constant 0 : i32
      %dma_start3A_42 = tpu.memref_slice %arg7[%dma_start3A_40, %dma_start3A_41] : memref<16x128xi32, #tpu.memory_space<vmem>> -> memref<1x128xi32, #tpu.memory_space<vmem>>
      %dma_start3A_43 = tpu.memref_squeeze %dma_start3A_42 : memref<1x128xi32, #tpu.memory_space<vmem>> -> memref<128xi32, #tpu.memory_space<vmem>>
      %dma_start3A_44 = arith.constant 0 : i32
      %dma_start3A_45 = arith.constant 0 : i32
      %dma_start3A_46 = tpu.memref_slice %arg2[%dma_start3A_44, %dma_start3A_45] : memref<10240x128xf32, #tpu.memory_space<hbm>> -> memref<10240x128xf32, #tpu.memory_space<hbm>>
      tpu.enqueue_indirect_dma source(%dma_start3A_46 : memref<10240x128xf32, #tpu.memory_space<hbm>>) target(%arg10 : memref<128x128xf32, #tpu.memory_space<vmem>>) offsets(%dma_start3A_43 : memref<128xi32, #tpu.memory_space<vmem>>) semaphore(%arg13 : memref<!tpu.dma_semaphore, #tpu.memory_space<semaphore_mem>>)
      %dma_wait3A = arith.constant 14 : i32
      %dma_wait3A_47 = arith.constant 0 : i32
      %dma_wait3A_48 = tpu.memref_slice %arg7[%dma_wait3A, %dma_wait3A_47] : memref<16x128xi32, #tpu.memory_space<vmem>> -> memref<1x128xi32, #tpu.memory_space<vmem>>
      %dma_wait3A_49 = tpu.memref_squeeze %dma_wait3A_48 : memref<1x128xi32, #tpu.memory_space<vmem>> -> memref<128xi32, #tpu.memory_space<vmem>>
      %dma_wait3A_50 = arith.constant 0 : i32
      %dma_wait3A_51 = arith.constant 0 : i32
      %dma_wait3A_52 = tpu.memref_slice %arg2[%dma_wait3A_50, %dma_wait3A_51] : memref<10240x128xf32, #tpu.memory_space<hbm>> -> memref<10240x128xf32, #tpu.memory_space<hbm>>
      tpu.wait_indirect_dma semaphore(%arg12 : memref<!tpu.dma_semaphore, #tpu.memory_space<semaphore_mem>>) src(%dma_wait3A_52 : memref<10240x128xf32, #tpu.memory_space<hbm>>) dst(%arg9 : memref<128x128xf32, #tpu.memory_space<vmem>>)
      %run_scoped3A = arith.constant 14 : i32
      "tpu.region"() ({
        %run_scoped3A_61 = tpu.sem_alloc : memref<!tpu.dma_semaphore, #tpu.memory_space<semaphore_mem>>
        %dma_start3A_62 = arith.constant 0 : i32
        %dma_start3A_63 = tpu.memref_slice %arg8[%run_scoped3A, %dma_start3A_62] : memref<16x128xi32, #tpu.memory_space<vmem>> -> memref<1x128xi32, #tpu.memory_space<vmem>>
        %dma_start3A_64 = tpu.memref_squeeze %dma_start3A_63 : memref<1x128xi32, #tpu.memory_space<vmem>> -> memref<128xi32, #tpu.memory_space<vmem>>
        %dma_start3A_65 = arith.constant 0 : i32
        %dma_start3A_66 = arith.constant 0 : i32
        %dma_start3A_67 = tpu.memref_slice %arg11[%dma_start3A_65, %dma_start3A_66] : memref<10240x128xf32, #tpu.memory_space<vmem_shared>> -> memref<10240x128xf32, #tpu.memory_space<vmem_shared>>
        tpu.enqueue_indirect_dma source(%arg9 : memref<128x128xf32, #tpu.memory_space<vmem>>) target(%dma_start3A_67 : memref<10240x128xf32, #tpu.memory_space<vmem_shared>>) offsets(%dma_start3A_64 : memref<128xi32, #tpu.memory_space<vmem>>) semaphore(%run_scoped3A_61 : memref<!tpu.dma_semaphore, #tpu.memory_space<semaphore_mem>>) {add = true}
        %dma_wait3A_68 = arith.constant 0 : i32
        %dma_wait3A_69 = tpu.memref_slice %arg8[%run_scoped3A, %dma_wait3A_68] : memref<16x128xi32, #tpu.memory_space<vmem>> -> memref<1x128xi32, #tpu.memory_space<vmem>>
        %dma_wait3A_70 = tpu.memref_squeeze %dma_wait3A_69 : memref<1x128xi32, #tpu.memory_space<vmem>> -> memref<128xi32, #tpu.memory_space<vmem>>
        %dma_wait3A_71 = arith.constant 0 : i32
        %dma_wait3A_72 = arith.constant 0 : i32
        %dma_wait3A_73 = tpu.memref_slice %arg11[%dma_wait3A_71, %dma_wait3A_72] : memref<10240x128xf32, #tpu.memory_space<vmem_shared>> -> memref<10240x128xf32, #tpu.memory_space<vmem_shared>>
        tpu.wait_indirect_dma semaphore(%run_scoped3A_61 : memref<!tpu.dma_semaphore, #tpu.memory_space<semaphore_mem>>) src(%arg9 : memref<128x128xf32, #tpu.memory_space<vmem>>) dst(%dma_wait3A_73 : memref<10240x128xf32, #tpu.memory_space<vmem_shared>>)
        tpu.yield
      }) : () -> ()
      %dma_wait3A_53 = arith.constant 15 : i32
      %dma_wait3A_54 = arith.constant 0 : i32
      %dma_wait3A_55 = tpu.memref_slice %arg7[%dma_wait3A_53, %dma_wait3A_54] : memref<16x128xi32, #tpu.memory_space<vmem>> -> memref<1x128xi32, #tpu.memory_space<vmem>>
      %dma_wait3A_56 = tpu.memref_squeeze %dma_wait3A_55 : memref<1x128xi32, #tpu.memory_space<vmem>> -> memref<128xi32, #tpu.memory_space<vmem>>
      %dma_wait3A_57 = arith.constant 0 : i32
      %dma_wait3A_58 = arith.constant 0 : i32
      %dma_wait3A_59 = tpu.memref_slice %arg2[%dma_wait3A_57, %dma_wait3A_58] : memref<10240x128xf32, #tpu.memory_space<hbm>> -> memref<10240x128xf32, #tpu.memory_space<hbm>>
      tpu.wait_indirect_dma semaphore(%arg13 : memref<!tpu.dma_semaphore, #tpu.memory_space<semaphore_mem>>) src(%dma_wait3A_59 : memref<10240x128xf32, #tpu.memory_space<hbm>>) dst(%arg10 : memref<128x128xf32, #tpu.memory_space<vmem>>)
      %run_scoped3A_60 = arith.constant 15 : i32
      "tpu.region"() ({
        %run_scoped3A_61 = tpu.sem_alloc : memref<!tpu.dma_semaphore, #tpu.memory_space<semaphore_mem>>
        %dma_start3A_62 = arith.constant 0 : i32
        %dma_start3A_63 = tpu.memref_slice %arg8[%run_scoped3A_60, %dma_start3A_62] : memref<16x128xi32, #tpu.memory_space<vmem>> -> memref<1x128xi32, #tpu.memory_space<vmem>>
        %dma_start3A_64 = tpu.memref_squeeze %dma_start3A_63 : memref<1x128xi32, #tpu.memory_space<vmem>> -> memref<128xi32, #tpu.memory_space<vmem>>
        %dma_start3A_65 = arith.constant 0 : i32
        %dma_start3A_66 = arith.constant 0 : i32
        %dma_start3A_67 = tpu.memref_slice %arg11[%dma_start3A_65, %dma_start3A_66] : memref<10240x128xf32, #tpu.memory_space<vmem_shared>> -> memref<10240x128xf32, #tpu.memory_space<vmem_shared>>
        tpu.enqueue_indirect_dma source(%arg10 : memref<128x128xf32, #tpu.memory_space<vmem>>) target(%dma_start3A_67 : memref<10240x128xf32, #tpu.memory_space<vmem_shared>>) offsets(%dma_start3A_64 : memref<128xi32, #tpu.memory_space<vmem>>) semaphore(%run_scoped3A_61 : memref<!tpu.dma_semaphore, #tpu.memory_space<semaphore_mem>>) {add = true}
        %dma_wait3A_68 = arith.constant 0 : i32
        %dma_wait3A_69 = tpu.memref_slice %arg8[%run_scoped3A_60, %dma_wait3A_68] : memref<16x128xi32, #tpu.memory_space<vmem>> -> memref<1x128xi32, #tpu.memory_space<vmem>>
        %dma_wait3A_70 = tpu.memref_squeeze %dma_wait3A_69 : memref<1x128xi32, #tpu.memory_space<vmem>> -> memref<128xi32, #tpu.memory_space<vmem>>
        %dma_wait3A_71 = arith.constant 0 : i32
        %dma_wait3A_72 = arith.constant 0 : i32
        %dma_wait3A_73 = tpu.memref_slice %arg11[%dma_wait3A_71, %dma_wait3A_72] : memref<10240x128xf32, #tpu.memory_space<vmem_shared>> -> memref<10240x128xf32, #tpu.memory_space<vmem_shared>>
        tpu.wait_indirect_dma semaphore(%run_scoped3A_61 : memref<!tpu.dma_semaphore, #tpu.memory_space<semaphore_mem>>) src(%arg10 : memref<128x128xf32, #tpu.memory_space<vmem>>) dst(%dma_wait3A_73 : memref<10240x128xf32, #tpu.memory_space<vmem_shared>>)
        tpu.yield
      }) : () -> ()
    }
    %while3A_19 = arith.constant 1 : i32
    scf.for %while3A_25 = %while3A_17 to %while3A_13 step %while3A_19  : i32 {
      %mul3A_26 = arith.constant 16 : i32
      %mul3A_27 = arith.muli %while3A_25, %mul3A_26 : i32
      %add3A_28 = arith.addi %select_n3A_10, %mul3A_27 : i32
      "tpu.region"() ({
        %run_scoped3A_61 = tpu.sem_alloc : memref<!tpu.dma_semaphore, #tpu.memory_space<semaphore_mem>>
        %dma_start3A_62 = arith.constant 0 : i32
        %dma_start3A_63 = tpu.memref_slice %arg3[%add3A_28, %dma_start3A_62] : memref<2560x128xi32, #tpu.memory_space<hbm>> -> memref<16x128xi32, #tpu.memory_space<hbm>>
        %dma_start3A_64 = arith.constant 0 : i32
        %dma_start3A_65 = tpu.memref_slice %arg3[%add3A_28, %dma_start3A_64] : memref<2560x128xi32, #tpu.memory_space<hbm>> -> memref<16x128xi32, #tpu.memory_space<hbm>>
        tpu.enqueue_dma source(%dma_start3A_65 : memref<16x128xi32, #tpu.memory_space<hbm>>) target(%arg7 : memref<16x128xi32, #tpu.memory_space<vmem>>) target_semaphore(%run_scoped3A_61 : memref<!tpu.dma_semaphore, #tpu.memory_space<semaphore_mem>>)
        %dma_wait3A_66 = arith.constant 0 : i32
        %dma_wait3A_67 = tpu.memref_slice %arg3[%add3A_28, %dma_wait3A_66] : memref<2560x128xi32, #tpu.memory_space<hbm>> -> memref<16x128xi32, #tpu.memory_space<hbm>>
        %dma_wait3A_68 = arith.constant 0 : i32
        %dma_wait3A_69 = tpu.memref_slice %arg3[%add3A_28, %dma_wait3A_68] : memref<2560x128xi32, #tpu.memory_space<hbm>> -> memref<16x128xi32, #tpu.memory_space<hbm>>
        tpu.wait_dma2 semaphore(%run_scoped3A_61 : memref<!tpu.dma_semaphore, #tpu.memory_space<semaphore_mem>>) src(%dma_wait3A_69 : memref<16x128xi32, #tpu.memory_space<hbm>>) dst(%arg7 : memref<16x128xi32, #tpu.memory_space<vmem>>)
        tpu.yield
      }) : () -> ()
      "tpu.region"() ({
        %run_scoped3A_61 = tpu.sem_alloc : memref<!tpu.dma_semaphore, #tpu.memory_space<semaphore_mem>>
        %dma_start3A_62 = arith.constant 0 : i32
        %dma_start3A_63 = tpu.memref_slice %arg4[%add3A_28, %dma_start3A_62] : memref<2560x128xi32, #tpu.memory_space<hbm>> -> memref<16x128xi32, #tpu.memory_space<hbm>>
        %dma_start3A_64 = arith.constant 0 : i32
        %dma_start3A_65 = tpu.memref_slice %arg4[%add3A_28, %dma_start3A_64] : memref<2560x128xi32, #tpu.memory_space<hbm>> -> memref<16x128xi32, #tpu.memory_space<hbm>>
        tpu.enqueue_dma source(%dma_start3A_65 : memref<16x128xi32, #tpu.memory_space<hbm>>) target(%arg8 : memref<16x128xi32, #tpu.memory_space<vmem>>) target_semaphore(%run_scoped3A_61 : memref<!tpu.dma_semaphore, #tpu.memory_space<semaphore_mem>>)
        %dma_wait3A_66 = arith.constant 0 : i32
        %dma_wait3A_67 = tpu.memref_slice %arg4[%add3A_28, %dma_wait3A_66] : memref<2560x128xi32, #tpu.memory_space<hbm>> -> memref<16x128xi32, #tpu.memory_space<hbm>>
        %dma_wait3A_68 = arith.constant 0 : i32
        %dma_wait3A_69 = tpu.memref_slice %arg4[%add3A_28, %dma_wait3A_68] : memref<2560x128xi32, #tpu.memory_space<hbm>> -> memref<16x128xi32, #tpu.memory_space<hbm>>
        tpu.wait_dma2 semaphore(%run_scoped3A_61 : memref<!tpu.dma_semaphore, #tpu.memory_space<semaphore_mem>>) src(%dma_wait3A_69 : memref<16x128xi32, #tpu.memory_space<hbm>>) dst(%arg8 : memref<16x128xi32, #tpu.memory_space<vmem>>)
        tpu.yield
      }) : () -> ()
      %dma_start3A = arith.constant 0 : i32
      %dma_start3A_29 = arith.constant 0 : i32
      %dma_start3A_30 = tpu.memref_slice %arg7[%dma_start3A, %dma_start3A_29] : memref<16x128xi32, #tpu.memory_space<vmem>> -> memref<1x128xi32, #tpu.memory_space<vmem>>
      %dma_start3A_31 = tpu.memref_squeeze %dma_start3A_30 : memref<1x128xi32, #tpu.memory_space<vmem>> -> memref<128xi32, #tpu.memory_space<vmem>>
      %dma_start3A_32 = arith.constant 0 : i32
      %dma_start3A_33 = arith.constant 0 : i32
      %dma_start3A_34 = tpu.memref_slice %arg2[%dma_start3A_32, %dma_start3A_33] : memref<10240x128xf32, #tpu.memory_space<hbm>> -> memref<10240x128xf32, #tpu.memory_space<hbm>>
      tpu.enqueue_indirect_dma source(%dma_start3A_34 : memref<10240x128xf32, #tpu.memory_space<hbm>>) target(%arg9 : memref<128x128xf32, #tpu.memory_space<vmem>>) offsets(%dma_start3A_31 : memref<128xi32, #tpu.memory_space<vmem>>) semaphore(%arg12 : memref<!tpu.dma_semaphore, #tpu.memory_space<semaphore_mem>>)
      %scan3A = arith.constant 0 : i32
      %scan3A_35 = arith.constant 0 : i32
      %scan3A_36 = arith.constant 7 : i32
      %scan3A_37 = arith.addi %scan3A_35, %scan3A_36 : i32
      %scan3A_38 = arith.constant 1 : i32
      scf.for %scan3A_61 = %scan3A_35 to %scan3A_37 step %scan3A_38  : i32 {
        %mul3A_62 = arith.constant 2 : i32
        %mul3A_63 = arith.muli %mul3A_62, %scan3A_61 : i32
        %add3A_64 = arith.constant 1 : i32
        %add3A_65 = arith.addi %mul3A_63, %add3A_64 : i32
        %dma_start3A_66 = arith.constant 0 : i32
        %dma_start3A_67 = tpu.memref_slice %arg7[%add3A_65, %dma_start3A_66] : memref<16x128xi32, #tpu.memory_space<vmem>> -> memref<1x128xi32, #tpu.memory_space<vmem>>
        %dma_start3A_68 = tpu.memref_squeeze %dma_start3A_67 : memref<1x128xi32, #tpu.memory_space<vmem>> -> memref<128xi32, #tpu.memory_space<vmem>>
        %dma_start3A_69 = arith.constant 0 : i32
        %dma_start3A_70 = arith.constant 0 : i32
        %dma_start3A_71 = tpu.memref_slice %arg2[%dma_start3A_69, %dma_start3A_70] : memref<10240x128xf32, #tpu.memory_space<hbm>> -> memref<10240x128xf32, #tpu.memory_space<hbm>>
        tpu.enqueue_indirect_dma source(%dma_start3A_71 : memref<10240x128xf32, #tpu.memory_space<hbm>>) target(%arg10 : memref<128x128xf32, #tpu.memory_space<vmem>>) offsets(%dma_start3A_68 : memref<128xi32, #tpu.memory_space<vmem>>) semaphore(%arg13 : memref<!tpu.dma_semaphore, #tpu.memory_space<semaphore_mem>>)
        %dma_wait3A_72 = arith.constant 0 : i32
        %dma_wait3A_73 = tpu.memref_slice %arg7[%mul3A_63, %dma_wait3A_72] : memref<16x128xi32, #tpu.memory_space<vmem>> -> memref<1x128xi32, #tpu.memory_space<vmem>>
        %dma_wait3A_74 = tpu.memref_squeeze %dma_wait3A_73 : memref<1x128xi32, #tpu.memory_space<vmem>> -> memref<128xi32, #tpu.memory_space<vmem>>
        %dma_wait3A_75 = arith.constant 0 : i32
        %dma_wait3A_76 = arith.constant 0 : i32
        %dma_wait3A_77 = tpu.memref_slice %arg2[%dma_wait3A_75, %dma_wait3A_76] : memref<10240x128xf32, #tpu.memory_space<hbm>> -> memref<10240x128xf32, #tpu.memory_space<hbm>>
        tpu.wait_indirect_dma semaphore(%arg12 : memref<!tpu.dma_semaphore, #tpu.memory_space<semaphore_mem>>) src(%dma_wait3A_77 : memref<10240x128xf32, #tpu.memory_space<hbm>>) dst(%arg9 : memref<128x128xf32, #tpu.memory_space<vmem>>)
        "tpu.region"() ({
          %run_scoped3A_96 = tpu.sem_alloc : memref<!tpu.dma_semaphore, #tpu.memory_space<semaphore_mem>>
          %dma_start3A_97 = arith.constant 0 : i32
          %dma_start3A_98 = tpu.memref_slice %arg8[%mul3A_63, %dma_start3A_97] : memref<16x128xi32, #tpu.memory_space<vmem>> -> memref<1x128xi32, #tpu.memory_space<vmem>>
          %dma_start3A_99 = tpu.memref_squeeze %dma_start3A_98 : memref<1x128xi32, #tpu.memory_space<vmem>> -> memref<128xi32, #tpu.memory_space<vmem>>
          %dma_start3A_100 = arith.constant 0 : i32
          %dma_start3A_101 = arith.constant 0 : i32
          %dma_start3A_102 = tpu.memref_slice %arg11[%dma_start3A_100, %dma_start3A_101] : memref<10240x128xf32, #tpu.memory_space<vmem_shared>> -> memref<10240x128xf32, #tpu.memory_space<vmem_shared>>
          tpu.enqueue_indirect_dma source(%arg9 : memref<128x128xf32, #tpu.memory_space<vmem>>) target(%dma_start3A_102 : memref<10240x128xf32, #tpu.memory_space<vmem_shared>>) offsets(%dma_start3A_99 : memref<128xi32, #tpu.memory_space<vmem>>) semaphore(%run_scoped3A_96 : memref<!tpu.dma_semaphore, #tpu.memory_space<semaphore_mem>>) {add = true}
          %dma_wait3A_103 = arith.constant 0 : i32
          %dma_wait3A_104 = tpu.memref_slice %arg8[%mul3A_63, %dma_wait3A_103] : memref<16x128xi32, #tpu.memory_space<vmem>> -> memref<1x128xi32, #tpu.memory_space<vmem>>
          %dma_wait3A_105 = tpu.memref_squeeze %dma_wait3A_104 : memref<1x128xi32, #tpu.memory_space<vmem>> -> memref<128xi32, #tpu.memory_space<vmem>>
          %dma_wait3A_106 = arith.constant 0 : i32
          %dma_wait3A_107 = arith.constant 0 : i32
          %dma_wait3A_108 = tpu.memref_slice %arg11[%dma_wait3A_106, %dma_wait3A_107] : memref<10240x128xf32, #tpu.memory_space<vmem_shared>> -> memref<10240x128xf32, #tpu.memory_space<vmem_shared>>
          tpu.wait_indirect_dma semaphore(%run_scoped3A_96 : memref<!tpu.dma_semaphore, #tpu.memory_space<semaphore_mem>>) src(%arg9 : memref<128x128xf32, #tpu.memory_space<vmem>>) dst(%dma_wait3A_108 : memref<10240x128xf32, #tpu.memory_space<vmem_shared>>)
          tpu.yield
        }) : () -> ()
        %add3A_78 = arith.constant 2 : i32
        %add3A_79 = arith.addi %mul3A_63, %add3A_78 : i32
        %dma_start3A_80 = arith.constant 0 : i32
        %dma_start3A_81 = tpu.memref_slice %arg7[%add3A_79, %dma_start3A_80] : memref<16x128xi32, #tpu.memory_space<vmem>> -> memref<1x128xi32, #tpu.memory_space<vmem>>
        %dma_start3A_82 = tpu.memref_squeeze %dma_start3A_81 : memref<1x128xi32, #tpu.memory_space<vmem>> -> memref<128xi32, #tpu.memory_space<vmem>>
        %dma_start3A_83 = arith.constant 0 : i32
        %dma_start3A_84 = arith.constant 0 : i32
        %dma_start3A_85 = tpu.memref_slice %arg2[%dma_start3A_83, %dma_start3A_84] : memref<10240x128xf32, #tpu.memory_space<hbm>> -> memref<10240x128xf32, #tpu.memory_space<hbm>>
        tpu.enqueue_indirect_dma source(%dma_start3A_85 : memref<10240x128xf32, #tpu.memory_space<hbm>>) target(%arg9 : memref<128x128xf32, #tpu.memory_space<vmem>>) offsets(%dma_start3A_82 : memref<128xi32, #tpu.memory_space<vmem>>) semaphore(%arg12 : memref<!tpu.dma_semaphore, #tpu.memory_space<semaphore_mem>>)
        %add3A_86 = arith.constant 1 : i32
        %add3A_87 = arith.addi %mul3A_63, %add3A_86 : i32
        %dma_wait3A_88 = arith.constant 0 : i32
        %dma_wait3A_89 = tpu.memref_slice %arg7[%add3A_87, %dma_wait3A_88] : memref<16x128xi32, #tpu.memory_space<vmem>> -> memref<1x128xi32, #tpu.memory_space<vmem>>
        %dma_wait3A_90 = tpu.memref_squeeze %dma_wait3A_89 : memref<1x128xi32, #tpu.memory_space<vmem>> -> memref<128xi32, #tpu.memory_space<vmem>>
        %dma_wait3A_91 = arith.constant 0 : i32
        %dma_wait3A_92 = arith.constant 0 : i32
        %dma_wait3A_93 = tpu.memref_slice %arg2[%dma_wait3A_91, %dma_wait3A_92] : memref<10240x128xf32, #tpu.memory_space<hbm>> -> memref<10240x128xf32, #tpu.memory_space<hbm>>
        tpu.wait_indirect_dma semaphore(%arg13 : memref<!tpu.dma_semaphore, #tpu.memory_space<semaphore_mem>>) src(%dma_wait3A_93 : memref<10240x128xf32, #tpu.memory_space<hbm>>) dst(%arg10 : memref<128x128xf32, #tpu.memory_space<vmem>>)
        %add3A_94 = arith.constant 1 : i32
        %add3A_95 = arith.addi %mul3A_63, %add3A_94 : i32
        "tpu.region"() ({
          %run_scoped3A_96 = tpu.sem_alloc : memref<!tpu.dma_semaphore, #tpu.memory_space<semaphore_mem>>
          %dma_start3A_97 = arith.constant 0 : i32
          %dma_start3A_98 = tpu.memref_slice %arg8[%add3A_95, %dma_start3A_97] : memref<16x128xi32, #tpu.memory_space<vmem>> -> memref<1x128xi32, #tpu.memory_space<vmem>>
          %dma_start3A_99 = tpu.memref_squeeze %dma_start3A_98 : memref<1x128xi32, #tpu.memory_space<vmem>> -> memref<128xi32, #tpu.memory_space<vmem>>
          %dma_start3A_100 = arith.constant 0 : i32
          %dma_start3A_101 = arith.constant 0 : i32
          %dma_start3A_102 = tpu.memref_slice %arg11[%dma_start3A_100, %dma_start3A_101] : memref<10240x128xf32, #tpu.memory_space<vmem_shared>> -> memref<10240x128xf32, #tpu.memory_space<vmem_shared>>
          tpu.enqueue_indirect_dma source(%arg10 : memref<128x128xf32, #tpu.memory_space<vmem>>) target(%dma_start3A_102 : memref<10240x128xf32, #tpu.memory_space<vmem_shared>>) offsets(%dma_start3A_99 : memref<128xi32, #tpu.memory_space<vmem>>) semaphore(%run_scoped3A_96 : memref<!tpu.dma_semaphore, #tpu.memory_space<semaphore_mem>>) {add = true}
          %dma_wait3A_103 = arith.constant 0 : i32
          %dma_wait3A_104 = tpu.memref_slice %arg8[%add3A_95, %dma_wait3A_103] : memref<16x128xi32, #tpu.memory_space<vmem>> -> memref<1x128xi32, #tpu.memory_space<vmem>>
          %dma_wait3A_105 = tpu.memref_squeeze %dma_wait3A_104 : memref<1x128xi32, #tpu.memory_space<vmem>> -> memref<128xi32, #tpu.memory_space<vmem>>
          %dma_wait3A_106 = arith.constant 0 : i32
          %dma_wait3A_107 = arith.constant 0 : i32
          %dma_wait3A_108 = tpu.memref_slice %arg11[%dma_wait3A_106, %dma_wait3A_107] : memref<10240x128xf32, #tpu.memory_space<vmem_shared>> -> memref<10240x128xf32, #tpu.memory_space<vmem_shared>>
          tpu.wait_indirect_dma semaphore(%run_scoped3A_96 : memref<!tpu.dma_semaphore, #tpu.memory_space<semaphore_mem>>) src(%arg10 : memref<128x128xf32, #tpu.memory_space<vmem>>) dst(%dma_wait3A_108 : memref<10240x128xf32, #tpu.memory_space<vmem_shared>>)
          tpu.yield
        }) : () -> ()
      }
      %scan3A_39 = arith.constant 7 : i32
      %dma_start3A_40 = arith.constant 15 : i32
      %dma_start3A_41 = arith.constant 0 : i32
      %dma_start3A_42 = tpu.memref_slice %arg7[%dma_start3A_40, %dma_start3A_41] : memref<16x128xi32, #tpu.memory_space<vmem>> -> memref<1x128xi32, #tpu.memory_space<vmem>>
      %dma_start3A_43 = tpu.memref_squeeze %dma_start3A_42 : memref<1x128xi32, #tpu.memory_space<vmem>> -> memref<128xi32, #tpu.memory_space<vmem>>
      %dma_start3A_44 = arith.constant 0 : i32
      %dma_start3A_45 = arith.constant 0 : i32
      %dma_start3A_46 = tpu.memref_slice %arg2[%dma_start3A_44, %dma_start3A_45] : memref<10240x128xf32, #tpu.memory_space<hbm>> -> memref<10240x128xf32, #tpu.memory_space<hbm>>
      tpu.enqueue_indirect_dma source(%dma_start3A_46 : memref<10240x128xf32, #tpu.memory_space<hbm>>) target(%arg10 : memref<128x128xf32, #tpu.memory_space<vmem>>) offsets(%dma_start3A_43 : memref<128xi32, #tpu.memory_space<vmem>>) semaphore(%arg13 : memref<!tpu.dma_semaphore, #tpu.memory_space<semaphore_mem>>)
      %dma_wait3A = arith.constant 14 : i32
      %dma_wait3A_47 = arith.constant 0 : i32
      %dma_wait3A_48 = tpu.memref_slice %arg7[%dma_wait3A, %dma_wait3A_47] : memref<16x128xi32, #tpu.memory_space<vmem>> -> memref<1x128xi32, #tpu.memory_space<vmem>>
      %dma_wait3A_49 = tpu.memref_squeeze %dma_wait3A_48 : memref<1x128xi32, #tpu.memory_space<vmem>> -> memref<128xi32, #tpu.memory_space<vmem>>
      %dma_wait3A_50 = arith.constant 0 : i32
      %dma_wait3A_51 = arith.constant 0 : i32
      %dma_wait3A_52 = tpu.memref_slice %arg2[%dma_wait3A_50, %dma_wait3A_51] : memref<10240x128xf32, #tpu.memory_space<hbm>> -> memref<10240x128xf32, #tpu.memory_space<hbm>>
      tpu.wait_indirect_dma semaphore(%arg12 : memref<!tpu.dma_semaphore, #tpu.memory_space<semaphore_mem>>) src(%dma_wait3A_52 : memref<10240x128xf32, #tpu.memory_space<hbm>>) dst(%arg9 : memref<128x128xf32, #tpu.memory_space<vmem>>)
      %run_scoped3A = arith.constant 14 : i32
      "tpu.region"() ({
        %run_scoped3A_61 = tpu.sem_alloc : memref<!tpu.dma_semaphore, #tpu.memory_space<semaphore_mem>>
        %dma_start3A_62 = arith.constant 0 : i32
        %dma_start3A_63 = tpu.memref_slice %arg8[%run_scoped3A, %dma_start3A_62] : memref<16x128xi32, #tpu.memory_space<vmem>> -> memref<1x128xi32, #tpu.memory_space<vmem>>
        %dma_start3A_64 = tpu.memref_squeeze %dma_start3A_63 : memref<1x128xi32, #tpu.memory_space<vmem>> -> memref<128xi32, #tpu.memory_space<vmem>>
        %dma_start3A_65 = arith.constant 0 : i32
        %dma_start3A_66 = arith.constant 0 : i32
        %dma_start3A_67 = tpu.memref_slice %arg11[%dma_start3A_65, %dma_start3A_66] : memref<10240x128xf32, #tpu.memory_space<vmem_shared>> -> memref<10240x128xf32, #tpu.memory_space<vmem_shared>>
        tpu.enqueue_indirect_dma source(%arg9 : memref<128x128xf32, #tpu.memory_space<vmem>>) target(%dma_start3A_67 : memref<10240x128xf32, #tpu.memory_space<vmem_shared>>) offsets(%dma_start3A_64 : memref<128xi32, #tpu.memory_space<vmem>>) semaphore(%run_scoped3A_61 : memref<!tpu.dma_semaphore, #tpu.memory_space<semaphore_mem>>) {add = true}
        %dma_wait3A_68 = arith.constant 0 : i32
        %dma_wait3A_69 = tpu.memref_slice %arg8[%run_scoped3A, %dma_wait3A_68] : memref<16x128xi32, #tpu.memory_space<vmem>> -> memref<1x128xi32, #tpu.memory_space<vmem>>
        %dma_wait3A_70 = tpu.memref_squeeze %dma_wait3A_69 : memref<1x128xi32, #tpu.memory_space<vmem>> -> memref<128xi32, #tpu.memory_space<vmem>>
        %dma_wait3A_71 = arith.constant 0 : i32
        %dma_wait3A_72 = arith.constant 0 : i32
        %dma_wait3A_73 = tpu.memref_slice %arg11[%dma_wait3A_71, %dma_wait3A_72] : memref<10240x128xf32, #tpu.memory_space<vmem_shared>> -> memref<10240x128xf32, #tpu.memory_space<vmem_shared>>
        tpu.wait_indirect_dma semaphore(%run_scoped3A_61 : memref<!tpu.dma_semaphore, #tpu.memory_space<semaphore_mem>>) src(%arg9 : memref<128x128xf32, #tpu.memory_space<vmem>>) dst(%dma_wait3A_73 : memref<10240x128xf32, #tpu.memory_space<vmem_shared>>)
        tpu.yield
      }) : () -> ()
      %dma_wait3A_53 = arith.constant 15 : i32
      %dma_wait3A_54 = arith.constant 0 : i32
      %dma_wait3A_55 = tpu.memref_slice %arg7[%dma_wait3A_53, %dma_wait3A_54] : memref<16x128xi32, #tpu.memory_space<vmem>> -> memref<1x128xi32, #tpu.memory_space<vmem>>
      %dma_wait3A_56 = tpu.memref_squeeze %dma_wait3A_55 : memref<1x128xi32, #tpu.memory_space<vmem>> -> memref<128xi32, #tpu.memory_space<vmem>>
      %dma_wait3A_57 = arith.constant 0 : i32
      %dma_wait3A_58 = arith.constant 0 : i32
      %dma_wait3A_59 = tpu.memref_slice %arg2[%dma_wait3A_57, %dma_wait3A_58] : memref<10240x128xf32, #tpu.memory_space<hbm>> -> memref<10240x128xf32, #tpu.memory_space<hbm>>
      tpu.wait_indirect_dma semaphore(%arg13 : memref<!tpu.dma_semaphore, #tpu.memory_space<semaphore_mem>>) src(%dma_wait3A_59 : memref<10240x128xf32, #tpu.memory_space<hbm>>) dst(%arg10 : memref<128x128xf32, #tpu.memory_space<vmem>>)
      %run_scoped3A_60 = arith.constant 15 : i32
      "tpu.region"() ({
        %run_scoped3A_61 = tpu.sem_alloc : memref<!tpu.dma_semaphore, #tpu.memory_space<semaphore_mem>>
        %dma_start3A_62 = arith.constant 0 : i32
        %dma_start3A_63 = tpu.memref_slice %arg8[%run_scoped3A_60, %dma_start3A_62] : memref<16x128xi32, #tpu.memory_space<vmem>> -> memref<1x128xi32, #tpu.memory_space<vmem>>
        %dma_start3A_64 = tpu.memref_squeeze %dma_start3A_63 : memref<1x128xi32, #tpu.memory_space<vmem>> -> memref<128xi32, #tpu.memory_space<vmem>>
        %dma_start3A_65 = arith.constant 0 : i32
        %dma_start3A_66 = arith.constant 0 : i32
        %dma_start3A_67 = tpu.memref_slice %arg11[%dma_start3A_65, %dma_start3A_66] : memref<10240x128xf32, #tpu.memory_space<vmem_shared>> -> memref<10240x128xf32, #tpu.memory_space<vmem_shared>>
        tpu.enqueue_indirect_dma source(%arg10 : memref<128x128xf32, #tpu.memory_space<vmem>>) target(%dma_start3A_67 : memref<10240x128xf32, #tpu.memory_space<vmem_shared>>) offsets(%dma_start3A_64 : memref<128xi32, #tpu.memory_space<vmem>>) semaphore(%run_scoped3A_61 : memref<!tpu.dma_semaphore, #tpu.memory_space<semaphore_mem>>) {add = true}
        %dma_wait3A_68 = arith.constant 0 : i32
        %dma_wait3A_69 = tpu.memref_slice %arg8[%run_scoped3A_60, %dma_wait3A_68] : memref<16x128xi32, #tpu.memory_space<vmem>> -> memref<1x128xi32, #tpu.memory_space<vmem>>
        %dma_wait3A_70 = tpu.memref_squeeze %dma_wait3A_69 : memref<1x128xi32, #tpu.memory_space<vmem>> -> memref<128xi32, #tpu.memory_space<vmem>>
        %dma_wait3A_71 = arith.constant 0 : i32
        %dma_wait3A_72 = arith.constant 0 : i32
        %dma_wait3A_73 = tpu.memref_slice %arg11[%dma_wait3A_71, %dma_wait3A_72] : memref<10240x128xf32, #tpu.memory_space<vmem_shared>> -> memref<10240x128xf32, #tpu.memory_space<vmem_shared>>
        tpu.wait_indirect_dma semaphore(%run_scoped3A_61 : memref<!tpu.dma_semaphore, #tpu.memory_space<semaphore_mem>>) src(%arg10 : memref<128x128xf32, #tpu.memory_space<vmem>>) dst(%dma_wait3A_73 : memref<10240x128xf32, #tpu.memory_space<vmem_shared>>)
        tpu.yield
      }) : () -> ()
    }
    %barrier3A_20 = arith.constant 0 : index
    tpu.barrier barrier_id(%barrier3A_20)
    %mul3A_21 = arith.constant 640 : i32
    %mul3A_22 = arith.muli %arg1, %mul3A_21 : i32
    %mul3A_23 = arith.constant 640 : i32
    %mul3A_24 = arith.muli %arg1, %mul3A_23 : i32
    "tpu.region"() ({
      %run_scoped3A = tpu.sem_alloc : memref<!tpu.dma_semaphore, #tpu.memory_space<semaphore_mem>>
      %dma_start3A = arith.constant 0 : i32
      %dma_start3A_25 = tpu.memref_slice %arg6[%arg0, %mul3A_24, %dma_start3A] : memref<2x10240x128xf32, #tpu.memory_space<hbm>> -> memref<1x640x128xf32, #tpu.memory_space<hbm>>
      %dma_start3A_26 = tpu.memref_squeeze %dma_start3A_25 : memref<1x640x128xf32, #tpu.memory_space<hbm>> -> memref<640x128xf32, #tpu.memory_space<hbm>>
      %dma_start3A_27 = arith.constant 0 : i32
      %dma_start3A_28 = tpu.memref_slice %arg11[%mul3A_22, %dma_start3A_27] : memref<10240x128xf32, #tpu.memory_space<vmem_shared>> -> memref<640x128xf32, #tpu.memory_space<vmem_shared>>
      tpu.enqueue_dma source(%dma_start3A_28 : memref<640x128xf32, #tpu.memory_space<vmem_shared>>) target(%dma_start3A_26 : memref<640x128xf32, #tpu.memory_space<hbm>>) target_semaphore(%run_scoped3A : memref<!tpu.dma_semaphore, #tpu.memory_space<semaphore_mem>>)
      %dma_wait3A = arith.constant 0 : i32
      %dma_wait3A_29 = tpu.memref_slice %arg6[%arg0, %mul3A_24, %dma_wait3A] : memref<2x10240x128xf32, #tpu.memory_space<hbm>> -> memref<1x640x128xf32, #tpu.memory_space<hbm>>
      %dma_wait3A_30 = tpu.memref_squeeze %dma_wait3A_29 : memref<1x640x128xf32, #tpu.memory_space<hbm>> -> memref<640x128xf32, #tpu.memory_space<hbm>>
      %dma_wait3A_31 = arith.constant 0 : i32
      %dma_wait3A_32 = tpu.memref_slice %arg11[%mul3A_22, %dma_wait3A_31] : memref<10240x128xf32, #tpu.memory_space<vmem_shared>> -> memref<640x128xf32, #tpu.memory_space<vmem_shared>>
      tpu.wait_dma2 semaphore(%run_scoped3A : memref<!tpu.dma_semaphore, #tpu.memory_space<semaphore_mem>>) src(%dma_wait3A_32 : memref<640x128xf32, #tpu.memory_space<vmem_shared>>) dst(%dma_wait3A_30 : memref<640x128xf32, #tpu.memory_space<hbm>>)
      tpu.yield
    }) : () -> ()
    return
  }
}

#map = affine_map<(d0, d1) -> (0, 0)>
#map1 = affine_map<(d0, d1) -> (0, 0, 0)>
module attributes {stable_mosaic.version = 14 : i64} {
  func.func @_sc_deg(%arg0: i32, %arg1: i32, %arg2: memref<2560x128xi32, #tpu.memory_space<hbm>>, %arg3: memref<128x128xf32, #tpu.memory_space<hbm>>, %arg4: memref<640x128xf32, #tpu.memory_space<hbm>>, %arg5: memref<2x10240x128xf32, #tpu.memory_space<hbm>>, %arg6: memref<40x128xi32, #tpu.memory_space<vmem>>, %arg7: memref<128x128xf32, #tpu.memory_space<vmem>>, %arg8: memref<10240x128xf32, #tpu.memory_space<vmem_shared>>) attributes {dimension_semantics = [#tpu.dimension_semantics<core_parallel>, #tpu.dimension_semantics<subcore_parallel>], iteration_bounds = array<i64: 2, 16>, scalar_prefetch = 0 : i64, scratch_operands = 3 : i64, tpu.core_type = #tpu.core_type<sc_vector_subcore>, window_params = [{transform_indices = #map}, {transform_indices = #map}, {transform_indices = #map}, {transform_indices = #map1}]} {
    %mul3A = arith.constant 16 : i32
    %mul3A_0 = arith.muli %arg0, %mul3A : i32
    %add3A = arith.addi %mul3A_0, %arg1 : i32
    "tpu.region"() ({
      %run_scoped3A = tpu.sem_alloc : memref<!tpu.dma_semaphore, #tpu.memory_space<semaphore_mem>>
      tpu.enqueue_dma source(%arg3 : memref<128x128xf32, #tpu.memory_space<hbm>>) target(%arg7 : memref<128x128xf32, #tpu.memory_space<vmem>>) target_semaphore(%run_scoped3A : memref<!tpu.dma_semaphore, #tpu.memory_space<semaphore_mem>>)
      tpu.wait_dma2 semaphore(%run_scoped3A : memref<!tpu.dma_semaphore, #tpu.memory_space<semaphore_mem>>) src(%arg3 : memref<128x128xf32, #tpu.memory_space<hbm>>) dst(%arg7 : memref<128x128xf32, #tpu.memory_space<vmem>>)
      tpu.yield
    }) : () -> ()
    %mul3A_1 = arith.constant 640 : i32
    %mul3A_2 = arith.muli %arg1, %mul3A_1 : i32
    "tpu.region"() ({
      %run_scoped3A = tpu.sem_alloc : memref<!tpu.dma_semaphore, #tpu.memory_space<semaphore_mem>>
      %dma_start3A = arith.constant 0 : i32
      %dma_start3A_27 = tpu.memref_slice %arg8[%mul3A_2, %dma_start3A] : memref<10240x128xf32, #tpu.memory_space<vmem_shared>> -> memref<640x128xf32, #tpu.memory_space<vmem_shared>>
      tpu.enqueue_dma source(%arg4 : memref<640x128xf32, #tpu.memory_space<hbm>>) target(%dma_start3A_27 : memref<640x128xf32, #tpu.memory_space<vmem_shared>>) target_semaphore(%run_scoped3A : memref<!tpu.dma_semaphore, #tpu.memory_space<semaphore_mem>>)
      %dma_wait3A = arith.constant 0 : i32
      %dma_wait3A_28 = tpu.memref_slice %arg8[%mul3A_2, %dma_wait3A] : memref<10240x128xf32, #tpu.memory_space<vmem_shared>> -> memref<640x128xf32, #tpu.memory_space<vmem_shared>>
      tpu.wait_dma2 semaphore(%run_scoped3A : memref<!tpu.dma_semaphore, #tpu.memory_space<semaphore_mem>>) src(%arg4 : memref<640x128xf32, #tpu.memory_space<hbm>>) dst(%dma_wait3A_28 : memref<640x128xf32, #tpu.memory_space<vmem_shared>>)
      tpu.yield
    }) : () -> ()
    %barrier3A = arith.constant 0 : index
    tpu.barrier barrier_id(%barrier3A)
    %mul3A_3 = arith.constant 80 : i32
    %mul3A_4 = arith.muli %add3A, %mul3A_3 : i32
    %add3A_5 = arith.constant 0 : i32
    %add3A_6 = arith.addi %mul3A_4, %add3A_5 : i32
    "tpu.region"() ({
      %run_scoped3A = tpu.sem_alloc : memref<!tpu.dma_semaphore, #tpu.memory_space<semaphore_mem>>
      %dma_start3A = arith.constant 0 : i32
      %dma_start3A_27 = tpu.memref_slice %arg2[%add3A_6, %dma_start3A] : memref<2560x128xi32, #tpu.memory_space<hbm>> -> memref<40x128xi32, #tpu.memory_space<hbm>>
      %dma_start3A_28 = arith.constant 0 : i32
      %dma_start3A_29 = tpu.memref_slice %arg2[%add3A_6, %dma_start3A_28] : memref<2560x128xi32, #tpu.memory_space<hbm>> -> memref<40x128xi32, #tpu.memory_space<hbm>>
      tpu.enqueue_dma source(%dma_start3A_29 : memref<40x128xi32, #tpu.memory_space<hbm>>) target(%arg6 : memref<40x128xi32, #tpu.memory_space<vmem>>) target_semaphore(%run_scoped3A : memref<!tpu.dma_semaphore, #tpu.memory_space<semaphore_mem>>)
      %dma_wait3A = arith.constant 0 : i32
      %dma_wait3A_30 = tpu.memref_slice %arg2[%add3A_6, %dma_wait3A] : memref<2560x128xi32, #tpu.memory_space<hbm>> -> memref<40x128xi32, #tpu.memory_space<hbm>>
      %dma_wait3A_31 = arith.constant 0 : i32
      %dma_wait3A_32 = tpu.memref_slice %arg2[%add3A_6, %dma_wait3A_31] : memref<2560x128xi32, #tpu.memory_space<hbm>> -> memref<40x128xi32, #tpu.memory_space<hbm>>
      tpu.wait_dma2 semaphore(%run_scoped3A : memref<!tpu.dma_semaphore, #tpu.memory_space<semaphore_mem>>) src(%dma_wait3A_32 : memref<40x128xi32, #tpu.memory_space<hbm>>) dst(%arg6 : memref<40x128xi32, #tpu.memory_space<vmem>>)
      tpu.yield
    }) : () -> ()
    %scan3A = arith.constant 0 : i32
    %scan3A_7 = arith.constant 0 : i32
    %scan3A_8 = arith.constant 40 : i32
    %scan3A_9 = arith.addi %scan3A_7, %scan3A_8 : i32
    %scan3A_10 = arith.constant 1 : i32
    scf.for %scan3A_27 = %scan3A_7 to %scan3A_9 step %scan3A_10  : i32 {
      "tpu.region"() ({
        %run_scoped3A = tpu.sem_alloc : memref<!tpu.dma_semaphore, #tpu.memory_space<semaphore_mem>>
        %dma_start3A = arith.constant 0 : i32
        %dma_start3A_28 = tpu.memref_slice %arg6[%scan3A_27, %dma_start3A] : memref<40x128xi32, #tpu.memory_space<vmem>> -> memref<1x128xi32, #tpu.memory_space<vmem>>
        %dma_start3A_29 = tpu.memref_squeeze %dma_start3A_28 : memref<1x128xi32, #tpu.memory_space<vmem>> -> memref<128xi32, #tpu.memory_space<vmem>>
        %dma_start3A_30 = arith.constant 0 : i32
        %dma_start3A_31 = arith.constant 0 : i32
        %dma_start3A_32 = tpu.memref_slice %arg8[%dma_start3A_30, %dma_start3A_31] : memref<10240x128xf32, #tpu.memory_space<vmem_shared>> -> memref<10240x128xf32, #tpu.memory_space<vmem_shared>>
        tpu.enqueue_indirect_dma source(%arg7 : memref<128x128xf32, #tpu.memory_space<vmem>>) target(%dma_start3A_32 : memref<10240x128xf32, #tpu.memory_space<vmem_shared>>) offsets(%dma_start3A_29 : memref<128xi32, #tpu.memory_space<vmem>>) semaphore(%run_scoped3A : memref<!tpu.dma_semaphore, #tpu.memory_space<semaphore_mem>>) {add = true}
        %dma_wait3A = arith.constant 0 : i32
        %dma_wait3A_33 = tpu.memref_slice %arg6[%scan3A_27, %dma_wait3A] : memref<40x128xi32, #tpu.memory_space<vmem>> -> memref<1x128xi32, #tpu.memory_space<vmem>>
        %dma_wait3A_34 = tpu.memref_squeeze %dma_wait3A_33 : memref<1x128xi32, #tpu.memory_space<vmem>> -> memref<128xi32, #tpu.memory_space<vmem>>
        %dma_wait3A_35 = arith.constant 0 : i32
        %dma_wait3A_36 = arith.constant 0 : i32
        %dma_wait3A_37 = tpu.memref_slice %arg8[%dma_wait3A_35, %dma_wait3A_36] : memref<10240x128xf32, #tpu.memory_space<vmem_shared>> -> memref<10240x128xf32, #tpu.memory_space<vmem_shared>>
        tpu.wait_indirect_dma semaphore(%run_scoped3A : memref<!tpu.dma_semaphore, #tpu.memory_space<semaphore_mem>>) src(%arg7 : memref<128x128xf32, #tpu.memory_space<vmem>>) dst(%dma_wait3A_37 : memref<10240x128xf32, #tpu.memory_space<vmem_shared>>)
        tpu.yield
      }) : () -> ()
    }
    %scan3A_11 = arith.constant 40 : i32
    %mul3A_12 = arith.constant 80 : i32
    %mul3A_13 = arith.muli %add3A, %mul3A_12 : i32
    %add3A_14 = arith.constant 40 : i32
    %add3A_15 = arith.addi %mul3A_13, %add3A_14 : i32
    "tpu.region"() ({
      %run_scoped3A = tpu.sem_alloc : memref<!tpu.dma_semaphore, #tpu.memory_space<semaphore_mem>>
      %dma_start3A = arith.constant 0 : i32
      %dma_start3A_27 = tpu.memref_slice %arg2[%add3A_15, %dma_start3A] : memref<2560x128xi32, #tpu.memory_space<hbm>> -> memref<40x128xi32, #tpu.memory_space<hbm>>
      %dma_start3A_28 = arith.constant 0 : i32
      %dma_start3A_29 = tpu.memref_slice %arg2[%add3A_15, %dma_start3A_28] : memref<2560x128xi32, #tpu.memory_space<hbm>> -> memref<40x128xi32, #tpu.memory_space<hbm>>
      tpu.enqueue_dma source(%dma_start3A_29 : memref<40x128xi32, #tpu.memory_space<hbm>>) target(%arg6 : memref<40x128xi32, #tpu.memory_space<vmem>>) target_semaphore(%run_scoped3A : memref<!tpu.dma_semaphore, #tpu.memory_space<semaphore_mem>>)
      %dma_wait3A = arith.constant 0 : i32
      %dma_wait3A_30 = tpu.memref_slice %arg2[%add3A_15, %dma_wait3A] : memref<2560x128xi32, #tpu.memory_space<hbm>> -> memref<40x128xi32, #tpu.memory_space<hbm>>
      %dma_wait3A_31 = arith.constant 0 : i32
      %dma_wait3A_32 = tpu.memref_slice %arg2[%add3A_15, %dma_wait3A_31] : memref<2560x128xi32, #tpu.memory_space<hbm>> -> memref<40x128xi32, #tpu.memory_space<hbm>>
      tpu.wait_dma2 semaphore(%run_scoped3A : memref<!tpu.dma_semaphore, #tpu.memory_space<semaphore_mem>>) src(%dma_wait3A_32 : memref<40x128xi32, #tpu.memory_space<hbm>>) dst(%arg6 : memref<40x128xi32, #tpu.memory_space<vmem>>)
      tpu.yield
    }) : () -> ()
    %scan3A_16 = arith.constant 0 : i32
    %scan3A_17 = arith.constant 0 : i32
    %scan3A_18 = arith.constant 40 : i32
    %scan3A_19 = arith.addi %scan3A_17, %scan3A_18 : i32
    %scan3A_20 = arith.constant 1 : i32
    scf.for %scan3A_27 = %scan3A_17 to %scan3A_19 step %scan3A_20  : i32 {
      "tpu.region"() ({
        %run_scoped3A = tpu.sem_alloc : memref<!tpu.dma_semaphore, #tpu.memory_space<semaphore_mem>>
        %dma_start3A = arith.constant 0 : i32
        %dma_start3A_28 = tpu.memref_slice %arg6[%scan3A_27, %dma_start3A] : memref<40x128xi32, #tpu.memory_space<vmem>> -> memref<1x128xi32, #tpu.memory_space<vmem>>
        %dma_start3A_29 = tpu.memref_squeeze %dma_start3A_28 : memref<1x128xi32, #tpu.memory_space<vmem>> -> memref<128xi32, #tpu.memory_space<vmem>>
        %dma_start3A_30 = arith.constant 0 : i32
        %dma_start3A_31 = arith.constant 0 : i32
        %dma_start3A_32 = tpu.memref_slice %arg8[%dma_start3A_30, %dma_start3A_31] : memref<10240x128xf32, #tpu.memory_space<vmem_shared>> -> memref<10240x128xf32, #tpu.memory_space<vmem_shared>>
        tpu.enqueue_indirect_dma source(%arg7 : memref<128x128xf32, #tpu.memory_space<vmem>>) target(%dma_start3A_32 : memref<10240x128xf32, #tpu.memory_space<vmem_shared>>) offsets(%dma_start3A_29 : memref<128xi32, #tpu.memory_space<vmem>>) semaphore(%run_scoped3A : memref<!tpu.dma_semaphore, #tpu.memory_space<semaphore_mem>>) {add = true}
        %dma_wait3A = arith.constant 0 : i32
        %dma_wait3A_33 = tpu.memref_slice %arg6[%scan3A_27, %dma_wait3A] : memref<40x128xi32, #tpu.memory_space<vmem>> -> memref<1x128xi32, #tpu.memory_space<vmem>>
        %dma_wait3A_34 = tpu.memref_squeeze %dma_wait3A_33 : memref<1x128xi32, #tpu.memory_space<vmem>> -> memref<128xi32, #tpu.memory_space<vmem>>
        %dma_wait3A_35 = arith.constant 0 : i32
        %dma_wait3A_36 = arith.constant 0 : i32
        %dma_wait3A_37 = tpu.memref_slice %arg8[%dma_wait3A_35, %dma_wait3A_36] : memref<10240x128xf32, #tpu.memory_space<vmem_shared>> -> memref<10240x128xf32, #tpu.memory_space<vmem_shared>>
        tpu.wait_indirect_dma semaphore(%run_scoped3A : memref<!tpu.dma_semaphore, #tpu.memory_space<semaphore_mem>>) src(%arg7 : memref<128x128xf32, #tpu.memory_space<vmem>>) dst(%dma_wait3A_37 : memref<10240x128xf32, #tpu.memory_space<vmem_shared>>)
        tpu.yield
      }) : () -> ()
    }
    %scan3A_21 = arith.constant 40 : i32
    %barrier3A_22 = arith.constant 0 : index
    tpu.barrier barrier_id(%barrier3A_22)
    %mul3A_23 = arith.constant 640 : i32
    %mul3A_24 = arith.muli %arg1, %mul3A_23 : i32
    %mul3A_25 = arith.constant 640 : i32
    %mul3A_26 = arith.muli %arg1, %mul3A_25 : i32
    "tpu.region"() ({
      %run_scoped3A = tpu.sem_alloc : memref<!tpu.dma_semaphore, #tpu.memory_space<semaphore_mem>>
      %dma_start3A = arith.constant 0 : i32
      %dma_start3A_27 = tpu.memref_slice %arg5[%arg0, %mul3A_26, %dma_start3A] : memref<2x10240x128xf32, #tpu.memory_space<hbm>> -> memref<1x640x128xf32, #tpu.memory_space<hbm>>
      %dma_start3A_28 = tpu.memref_squeeze %dma_start3A_27 : memref<1x640x128xf32, #tpu.memory_space<hbm>> -> memref<640x128xf32, #tpu.memory_space<hbm>>
      %dma_start3A_29 = arith.constant 0 : i32
      %dma_start3A_30 = tpu.memref_slice %arg8[%mul3A_24, %dma_start3A_29] : memref<10240x128xf32, #tpu.memory_space<vmem_shared>> -> memref<640x128xf32, #tpu.memory_space<vmem_shared>>
      tpu.enqueue_dma source(%dma_start3A_30 : memref<640x128xf32, #tpu.memory_space<vmem_shared>>) target(%dma_start3A_28 : memref<640x128xf32, #tpu.memory_space<hbm>>) target_semaphore(%run_scoped3A : memref<!tpu.dma_semaphore, #tpu.memory_space<semaphore_mem>>)
      %dma_wait3A = arith.constant 0 : i32
      %dma_wait3A_31 = tpu.memref_slice %arg5[%arg0, %mul3A_26, %dma_wait3A] : memref<2x10240x128xf32, #tpu.memory_space<hbm>> -> memref<1x640x128xf32, #tpu.memory_space<hbm>>
      %dma_wait3A_32 = tpu.memref_squeeze %dma_wait3A_31 : memref<1x640x128xf32, #tpu.memory_space<hbm>> -> memref<640x128xf32, #tpu.memory_space<hbm>>
      %dma_wait3A_33 = arith.constant 0 : i32
      %dma_wait3A_34 = tpu.memref_slice %arg8[%mul3A_24, %dma_wait3A_33] : memref<10240x128xf32, #tpu.memory_space<vmem_shared>> -> memref<640x128xf32, #tpu.memory_space<vmem_shared>>
      tpu.wait_dma2 semaphore(%run_scoped3A : memref<!tpu.dma_semaphore, #tpu.memory_space<semaphore_mem>>) src(%dma_wait3A_34 : memref<640x128xf32, #tpu.memory_space<vmem_shared>>) dst(%dma_wait3A_32 : memref<640x128xf32, #tpu.memory_space<hbm>>)
      tpu.yield
    }) : () -> ()
    return
  }
}

#map = affine_map<(d0, d1) -> (0, 0)>
#map1 = affine_map<(d0, d1) -> (0, 0, 0)>
module attributes {stable_mosaic.version = 14 : i64} {
  func.func @_sc_agg(%arg0: i32, %arg1: i32, %arg2: memref<10240x128xf32, #tpu.memory_space<hbm>>, %arg3: memref<2560x128xi32, #tpu.memory_space<hbm>>, %arg4: memref<2560x128xi32, #tpu.memory_space<hbm>>, %arg5: memref<640x128xf32, #tpu.memory_space<hbm>>, %arg6: memref<2x10240x128xf32, #tpu.memory_space<hbm>>, %arg7: memref<16x128xi32, #tpu.memory_space<vmem>>, %arg8: memref<16x128xi32, #tpu.memory_space<vmem>>, %arg9: memref<128x128xf32, #tpu.memory_space<vmem>>, %arg10: memref<128x128xf32, #tpu.memory_space<vmem>>, %arg11: memref<10240x128xf32, #tpu.memory_space<vmem_shared>>, %arg12: memref<!tpu.dma_semaphore, #tpu.memory_space<semaphore_mem>>, %arg13: memref<!tpu.dma_semaphore, #tpu.memory_space<semaphore_mem>>) attributes {dimension_semantics = [#tpu.dimension_semantics<core_parallel>, #tpu.dimension_semantics<subcore_parallel>], iteration_bounds = array<i64: 2, 16>, scalar_prefetch = 0 : i64, scratch_operands = 7 : i64, tpu.core_type = #tpu.core_type<sc_vector_subcore>, window_params = [{transform_indices = #map}, {transform_indices = #map}, {transform_indices = #map}, {transform_indices = #map}, {transform_indices = #map1}]} {
    %mul3A = arith.constant 640 : i32
    %mul3A_0 = arith.muli %arg1, %mul3A : i32
    "tpu.region"() ({
      %run_scoped3A = tpu.sem_alloc : memref<!tpu.dma_semaphore, #tpu.memory_space<semaphore_mem>>
      %dma_start3A = arith.constant 0 : i32
      %dma_start3A_25 = tpu.memref_slice %arg11[%mul3A_0, %dma_start3A] : memref<10240x128xf32, #tpu.memory_space<vmem_shared>> -> memref<640x128xf32, #tpu.memory_space<vmem_shared>>
      tpu.enqueue_dma source(%arg5 : memref<640x128xf32, #tpu.memory_space<hbm>>) target(%dma_start3A_25 : memref<640x128xf32, #tpu.memory_space<vmem_shared>>) target_semaphore(%run_scoped3A : memref<!tpu.dma_semaphore, #tpu.memory_space<semaphore_mem>>)
      %dma_wait3A = arith.constant 0 : i32
      %dma_wait3A_26 = tpu.memref_slice %arg11[%mul3A_0, %dma_wait3A] : memref<10240x128xf32, #tpu.memory_space<vmem_shared>> -> memref<640x128xf32, #tpu.memory_space<vmem_shared>>
      tpu.wait_dma2 semaphore(%run_scoped3A : memref<!tpu.dma_semaphore, #tpu.memory_space<semaphore_mem>>) src(%arg5 : memref<640x128xf32, #tpu.memory_space<hbm>>) dst(%dma_wait3A_26 : memref<640x128xf32, #tpu.memory_space<vmem_shared>>)
      tpu.yield
    }) : () -> ()
    %barrier3A = arith.constant 0 : index
    tpu.barrier barrier_id(%barrier3A)
    %eq3A = arith.constant 0 : i32
    %eq3A_1 = arith.cmpi eq, %arg0, %eq3A : i32
    %jit3A = arith.constant 5 : i32
    %jit3A_2 = arith.constant 5 : i32
    %select_n3A = arith.select %eq3A_1, %jit3A, %jit3A_2 : i32
    %eq3A_3 = arith.constant 0 : i32
    %eq3A_4 = arith.cmpi eq, %arg0, %eq3A_3 : i32
    %mul3A_5 = arith.constant 80 : i32
    %mul3A_6 = arith.muli %arg1, %mul3A_5 : i32
    %mul3A_7 = arith.constant 80 : i32
    %mul3A_8 = arith.muli %arg1, %mul3A_7 : i32
    %add3A = arith.constant 1280 : i32
    %add3A_9 = arith.addi %add3A, %mul3A_8 : i32
    %select_n3A_10 = arith.select %eq3A_4, %mul3A_6, %add3A_9 : i32
    %while3A = arith.constant 0 : i32
    %while3A_11 = arith.constant 0 : i32
    %while3A_12 = arith.subi %select_n3A, %while3A_11 : i32
    %while3A_13 = arith.addi %while3A_11, %while3A_12 : i32
    %while3A_14 = arith.constant 1 : i32
    %while3A_15 = arith.divsi %while3A_12, %while3A_14 : i32
    %while3A_16 = arith.muli %while3A_15, %while3A_14 : i32
    %while3A_17 = arith.addi %while3A_11, %while3A_16 : i32
    %while3A_18 = arith.constant 1 : i32
    scf.for %while3A_25 = %while3A_11 to %while3A_17 step %while3A_18  : i32 {
      %mul3A_26 = arith.constant 16 : i32
      %mul3A_27 = arith.muli %while3A_25, %mul3A_26 : i32
      %add3A_28 = arith.addi %select_n3A_10, %mul3A_27 : i32
      "tpu.region"() ({
        %run_scoped3A_61 = tpu.sem_alloc : memref<!tpu.dma_semaphore, #tpu.memory_space<semaphore_mem>>
        %dma_start3A_62 = arith.constant 0 : i32
        %dma_start3A_63 = tpu.memref_slice %arg3[%add3A_28, %dma_start3A_62] : memref<2560x128xi32, #tpu.memory_space<hbm>> -> memref<16x128xi32, #tpu.memory_space<hbm>>
        %dma_start3A_64 = arith.constant 0 : i32
        %dma_start3A_65 = tpu.memref_slice %arg3[%add3A_28, %dma_start3A_64] : memref<2560x128xi32, #tpu.memory_space<hbm>> -> memref<16x128xi32, #tpu.memory_space<hbm>>
        tpu.enqueue_dma source(%dma_start3A_65 : memref<16x128xi32, #tpu.memory_space<hbm>>) target(%arg7 : memref<16x128xi32, #tpu.memory_space<vmem>>) target_semaphore(%run_scoped3A_61 : memref<!tpu.dma_semaphore, #tpu.memory_space<semaphore_mem>>)
        %dma_wait3A_66 = arith.constant 0 : i32
        %dma_wait3A_67 = tpu.memref_slice %arg3[%add3A_28, %dma_wait3A_66] : memref<2560x128xi32, #tpu.memory_space<hbm>> -> memref<16x128xi32, #tpu.memory_space<hbm>>
        %dma_wait3A_68 = arith.constant 0 : i32
        %dma_wait3A_69 = tpu.memref_slice %arg3[%add3A_28, %dma_wait3A_68] : memref<2560x128xi32, #tpu.memory_space<hbm>> -> memref<16x128xi32, #tpu.memory_space<hbm>>
        tpu.wait_dma2 semaphore(%run_scoped3A_61 : memref<!tpu.dma_semaphore, #tpu.memory_space<semaphore_mem>>) src(%dma_wait3A_69 : memref<16x128xi32, #tpu.memory_space<hbm>>) dst(%arg7 : memref<16x128xi32, #tpu.memory_space<vmem>>)
        tpu.yield
      }) : () -> ()
      "tpu.region"() ({
        %run_scoped3A_61 = tpu.sem_alloc : memref<!tpu.dma_semaphore, #tpu.memory_space<semaphore_mem>>
        %dma_start3A_62 = arith.constant 0 : i32
        %dma_start3A_63 = tpu.memref_slice %arg4[%add3A_28, %dma_start3A_62] : memref<2560x128xi32, #tpu.memory_space<hbm>> -> memref<16x128xi32, #tpu.memory_space<hbm>>
        %dma_start3A_64 = arith.constant 0 : i32
        %dma_start3A_65 = tpu.memref_slice %arg4[%add3A_28, %dma_start3A_64] : memref<2560x128xi32, #tpu.memory_space<hbm>> -> memref<16x128xi32, #tpu.memory_space<hbm>>
        tpu.enqueue_dma source(%dma_start3A_65 : memref<16x128xi32, #tpu.memory_space<hbm>>) target(%arg8 : memref<16x128xi32, #tpu.memory_space<vmem>>) target_semaphore(%run_scoped3A_61 : memref<!tpu.dma_semaphore, #tpu.memory_space<semaphore_mem>>)
        %dma_wait3A_66 = arith.constant 0 : i32
        %dma_wait3A_67 = tpu.memref_slice %arg4[%add3A_28, %dma_wait3A_66] : memref<2560x128xi32, #tpu.memory_space<hbm>> -> memref<16x128xi32, #tpu.memory_space<hbm>>
        %dma_wait3A_68 = arith.constant 0 : i32
        %dma_wait3A_69 = tpu.memref_slice %arg4[%add3A_28, %dma_wait3A_68] : memref<2560x128xi32, #tpu.memory_space<hbm>> -> memref<16x128xi32, #tpu.memory_space<hbm>>
        tpu.wait_dma2 semaphore(%run_scoped3A_61 : memref<!tpu.dma_semaphore, #tpu.memory_space<semaphore_mem>>) src(%dma_wait3A_69 : memref<16x128xi32, #tpu.memory_space<hbm>>) dst(%arg8 : memref<16x128xi32, #tpu.memory_space<vmem>>)
        tpu.yield
      }) : () -> ()
      %dma_start3A = arith.constant 0 : i32
      %dma_start3A_29 = arith.constant 0 : i32
      %dma_start3A_30 = tpu.memref_slice %arg7[%dma_start3A, %dma_start3A_29] : memref<16x128xi32, #tpu.memory_space<vmem>> -> memref<1x128xi32, #tpu.memory_space<vmem>>
      %dma_start3A_31 = tpu.memref_squeeze %dma_start3A_30 : memref<1x128xi32, #tpu.memory_space<vmem>> -> memref<128xi32, #tpu.memory_space<vmem>>
      %dma_start3A_32 = arith.constant 0 : i32
      %dma_start3A_33 = arith.constant 0 : i32
      %dma_start3A_34 = tpu.memref_slice %arg2[%dma_start3A_32, %dma_start3A_33] : memref<10240x128xf32, #tpu.memory_space<hbm>> -> memref<10240x128xf32, #tpu.memory_space<hbm>>
      tpu.enqueue_indirect_dma source(%dma_start3A_34 : memref<10240x128xf32, #tpu.memory_space<hbm>>) target(%arg9 : memref<128x128xf32, #tpu.memory_space<vmem>>) offsets(%dma_start3A_31 : memref<128xi32, #tpu.memory_space<vmem>>) semaphore(%arg12 : memref<!tpu.dma_semaphore, #tpu.memory_space<semaphore_mem>>)
      %scan3A = arith.constant 0 : i32
      %scan3A_35 = arith.constant 0 : i32
      %scan3A_36 = arith.constant 7 : i32
      %scan3A_37 = arith.addi %scan3A_35, %scan3A_36 : i32
      %scan3A_38 = arith.constant 1 : i32
      scf.for %scan3A_61 = %scan3A_35 to %scan3A_37 step %scan3A_38  : i32 {
        %mul3A_62 = arith.constant 2 : i32
        %mul3A_63 = arith.muli %mul3A_62, %scan3A_61 : i32
        %add3A_64 = arith.constant 1 : i32
        %add3A_65 = arith.addi %mul3A_63, %add3A_64 : i32
        %dma_start3A_66 = arith.constant 0 : i32
        %dma_start3A_67 = tpu.memref_slice %arg7[%add3A_65, %dma_start3A_66] : memref<16x128xi32, #tpu.memory_space<vmem>> -> memref<1x128xi32, #tpu.memory_space<vmem>>
        %dma_start3A_68 = tpu.memref_squeeze %dma_start3A_67 : memref<1x128xi32, #tpu.memory_space<vmem>> -> memref<128xi32, #tpu.memory_space<vmem>>
        %dma_start3A_69 = arith.constant 0 : i32
        %dma_start3A_70 = arith.constant 0 : i32
        %dma_start3A_71 = tpu.memref_slice %arg2[%dma_start3A_69, %dma_start3A_70] : memref<10240x128xf32, #tpu.memory_space<hbm>> -> memref<10240x128xf32, #tpu.memory_space<hbm>>
        tpu.enqueue_indirect_dma source(%dma_start3A_71 : memref<10240x128xf32, #tpu.memory_space<hbm>>) target(%arg10 : memref<128x128xf32, #tpu.memory_space<vmem>>) offsets(%dma_start3A_68 : memref<128xi32, #tpu.memory_space<vmem>>) semaphore(%arg13 : memref<!tpu.dma_semaphore, #tpu.memory_space<semaphore_mem>>)
        %dma_wait3A_72 = arith.constant 0 : i32
        %dma_wait3A_73 = tpu.memref_slice %arg7[%mul3A_63, %dma_wait3A_72] : memref<16x128xi32, #tpu.memory_space<vmem>> -> memref<1x128xi32, #tpu.memory_space<vmem>>
        %dma_wait3A_74 = tpu.memref_squeeze %dma_wait3A_73 : memref<1x128xi32, #tpu.memory_space<vmem>> -> memref<128xi32, #tpu.memory_space<vmem>>
        %dma_wait3A_75 = arith.constant 0 : i32
        %dma_wait3A_76 = arith.constant 0 : i32
        %dma_wait3A_77 = tpu.memref_slice %arg2[%dma_wait3A_75, %dma_wait3A_76] : memref<10240x128xf32, #tpu.memory_space<hbm>> -> memref<10240x128xf32, #tpu.memory_space<hbm>>
        tpu.wait_indirect_dma semaphore(%arg12 : memref<!tpu.dma_semaphore, #tpu.memory_space<semaphore_mem>>) src(%dma_wait3A_77 : memref<10240x128xf32, #tpu.memory_space<hbm>>) dst(%arg9 : memref<128x128xf32, #tpu.memory_space<vmem>>)
        "tpu.region"() ({
          %run_scoped3A_96 = tpu.sem_alloc : memref<!tpu.dma_semaphore, #tpu.memory_space<semaphore_mem>>
          %dma_start3A_97 = arith.constant 0 : i32
          %dma_start3A_98 = tpu.memref_slice %arg8[%mul3A_63, %dma_start3A_97] : memref<16x128xi32, #tpu.memory_space<vmem>> -> memref<1x128xi32, #tpu.memory_space<vmem>>
          %dma_start3A_99 = tpu.memref_squeeze %dma_start3A_98 : memref<1x128xi32, #tpu.memory_space<vmem>> -> memref<128xi32, #tpu.memory_space<vmem>>
          %dma_start3A_100 = arith.constant 0 : i32
          %dma_start3A_101 = arith.constant 0 : i32
          %dma_start3A_102 = tpu.memref_slice %arg11[%dma_start3A_100, %dma_start3A_101] : memref<10240x128xf32, #tpu.memory_space<vmem_shared>> -> memref<10240x128xf32, #tpu.memory_space<vmem_shared>>
          tpu.enqueue_indirect_dma source(%arg9 : memref<128x128xf32, #tpu.memory_space<vmem>>) target(%dma_start3A_102 : memref<10240x128xf32, #tpu.memory_space<vmem_shared>>) offsets(%dma_start3A_99 : memref<128xi32, #tpu.memory_space<vmem>>) semaphore(%run_scoped3A_96 : memref<!tpu.dma_semaphore, #tpu.memory_space<semaphore_mem>>) {add = true}
          %dma_wait3A_103 = arith.constant 0 : i32
          %dma_wait3A_104 = tpu.memref_slice %arg8[%mul3A_63, %dma_wait3A_103] : memref<16x128xi32, #tpu.memory_space<vmem>> -> memref<1x128xi32, #tpu.memory_space<vmem>>
          %dma_wait3A_105 = tpu.memref_squeeze %dma_wait3A_104 : memref<1x128xi32, #tpu.memory_space<vmem>> -> memref<128xi32, #tpu.memory_space<vmem>>
          %dma_wait3A_106 = arith.constant 0 : i32
          %dma_wait3A_107 = arith.constant 0 : i32
          %dma_wait3A_108 = tpu.memref_slice %arg11[%dma_wait3A_106, %dma_wait3A_107] : memref<10240x128xf32, #tpu.memory_space<vmem_shared>> -> memref<10240x128xf32, #tpu.memory_space<vmem_shared>>
          tpu.wait_indirect_dma semaphore(%run_scoped3A_96 : memref<!tpu.dma_semaphore, #tpu.memory_space<semaphore_mem>>) src(%arg9 : memref<128x128xf32, #tpu.memory_space<vmem>>) dst(%dma_wait3A_108 : memref<10240x128xf32, #tpu.memory_space<vmem_shared>>)
          tpu.yield
        }) : () -> ()
        %add3A_78 = arith.constant 2 : i32
        %add3A_79 = arith.addi %mul3A_63, %add3A_78 : i32
        %dma_start3A_80 = arith.constant 0 : i32
        %dma_start3A_81 = tpu.memref_slice %arg7[%add3A_79, %dma_start3A_80] : memref<16x128xi32, #tpu.memory_space<vmem>> -> memref<1x128xi32, #tpu.memory_space<vmem>>
        %dma_start3A_82 = tpu.memref_squeeze %dma_start3A_81 : memref<1x128xi32, #tpu.memory_space<vmem>> -> memref<128xi32, #tpu.memory_space<vmem>>
        %dma_start3A_83 = arith.constant 0 : i32
        %dma_start3A_84 = arith.constant 0 : i32
        %dma_start3A_85 = tpu.memref_slice %arg2[%dma_start3A_83, %dma_start3A_84] : memref<10240x128xf32, #tpu.memory_space<hbm>> -> memref<10240x128xf32, #tpu.memory_space<hbm>>
        tpu.enqueue_indirect_dma source(%dma_start3A_85 : memref<10240x128xf32, #tpu.memory_space<hbm>>) target(%arg9 : memref<128x128xf32, #tpu.memory_space<vmem>>) offsets(%dma_start3A_82 : memref<128xi32, #tpu.memory_space<vmem>>) semaphore(%arg12 : memref<!tpu.dma_semaphore, #tpu.memory_space<semaphore_mem>>)
        %add3A_86 = arith.constant 1 : i32
        %add3A_87 = arith.addi %mul3A_63, %add3A_86 : i32
        %dma_wait3A_88 = arith.constant 0 : i32
        %dma_wait3A_89 = tpu.memref_slice %arg7[%add3A_87, %dma_wait3A_88] : memref<16x128xi32, #tpu.memory_space<vmem>> -> memref<1x128xi32, #tpu.memory_space<vmem>>
        %dma_wait3A_90 = tpu.memref_squeeze %dma_wait3A_89 : memref<1x128xi32, #tpu.memory_space<vmem>> -> memref<128xi32, #tpu.memory_space<vmem>>
        %dma_wait3A_91 = arith.constant 0 : i32
        %dma_wait3A_92 = arith.constant 0 : i32
        %dma_wait3A_93 = tpu.memref_slice %arg2[%dma_wait3A_91, %dma_wait3A_92] : memref<10240x128xf32, #tpu.memory_space<hbm>> -> memref<10240x128xf32, #tpu.memory_space<hbm>>
        tpu.wait_indirect_dma semaphore(%arg13 : memref<!tpu.dma_semaphore, #tpu.memory_space<semaphore_mem>>) src(%dma_wait3A_93 : memref<10240x128xf32, #tpu.memory_space<hbm>>) dst(%arg10 : memref<128x128xf32, #tpu.memory_space<vmem>>)
        %add3A_94 = arith.constant 1 : i32
        %add3A_95 = arith.addi %mul3A_63, %add3A_94 : i32
        "tpu.region"() ({
          %run_scoped3A_96 = tpu.sem_alloc : memref<!tpu.dma_semaphore, #tpu.memory_space<semaphore_mem>>
          %dma_start3A_97 = arith.constant 0 : i32
          %dma_start3A_98 = tpu.memref_slice %arg8[%add3A_95, %dma_start3A_97] : memref<16x128xi32, #tpu.memory_space<vmem>> -> memref<1x128xi32, #tpu.memory_space<vmem>>
          %dma_start3A_99 = tpu.memref_squeeze %dma_start3A_98 : memref<1x128xi32, #tpu.memory_space<vmem>> -> memref<128xi32, #tpu.memory_space<vmem>>
          %dma_start3A_100 = arith.constant 0 : i32
          %dma_start3A_101 = arith.constant 0 : i32
          %dma_start3A_102 = tpu.memref_slice %arg11[%dma_start3A_100, %dma_start3A_101] : memref<10240x128xf32, #tpu.memory_space<vmem_shared>> -> memref<10240x128xf32, #tpu.memory_space<vmem_shared>>
          tpu.enqueue_indirect_dma source(%arg10 : memref<128x128xf32, #tpu.memory_space<vmem>>) target(%dma_start3A_102 : memref<10240x128xf32, #tpu.memory_space<vmem_shared>>) offsets(%dma_start3A_99 : memref<128xi32, #tpu.memory_space<vmem>>) semaphore(%run_scoped3A_96 : memref<!tpu.dma_semaphore, #tpu.memory_space<semaphore_mem>>) {add = true}
          %dma_wait3A_103 = arith.constant 0 : i32
          %dma_wait3A_104 = tpu.memref_slice %arg8[%add3A_95, %dma_wait3A_103] : memref<16x128xi32, #tpu.memory_space<vmem>> -> memref<1x128xi32, #tpu.memory_space<vmem>>
          %dma_wait3A_105 = tpu.memref_squeeze %dma_wait3A_104 : memref<1x128xi32, #tpu.memory_space<vmem>> -> memref<128xi32, #tpu.memory_space<vmem>>
          %dma_wait3A_106 = arith.constant 0 : i32
          %dma_wait3A_107 = arith.constant 0 : i32
          %dma_wait3A_108 = tpu.memref_slice %arg11[%dma_wait3A_106, %dma_wait3A_107] : memref<10240x128xf32, #tpu.memory_space<vmem_shared>> -> memref<10240x128xf32, #tpu.memory_space<vmem_shared>>
          tpu.wait_indirect_dma semaphore(%run_scoped3A_96 : memref<!tpu.dma_semaphore, #tpu.memory_space<semaphore_mem>>) src(%arg10 : memref<128x128xf32, #tpu.memory_space<vmem>>) dst(%dma_wait3A_108 : memref<10240x128xf32, #tpu.memory_space<vmem_shared>>)
          tpu.yield
        }) : () -> ()
      }
      %scan3A_39 = arith.constant 7 : i32
      %dma_start3A_40 = arith.constant 15 : i32
      %dma_start3A_41 = arith.constant 0 : i32
      %dma_start3A_42 = tpu.memref_slice %arg7[%dma_start3A_40, %dma_start3A_41] : memref<16x128xi32, #tpu.memory_space<vmem>> -> memref<1x128xi32, #tpu.memory_space<vmem>>
      %dma_start3A_43 = tpu.memref_squeeze %dma_start3A_42 : memref<1x128xi32, #tpu.memory_space<vmem>> -> memref<128xi32, #tpu.memory_space<vmem>>
      %dma_start3A_44 = arith.constant 0 : i32
      %dma_start3A_45 = arith.constant 0 : i32
      %dma_start3A_46 = tpu.memref_slice %arg2[%dma_start3A_44, %dma_start3A_45] : memref<10240x128xf32, #tpu.memory_space<hbm>> -> memref<10240x128xf32, #tpu.memory_space<hbm>>
      tpu.enqueue_indirect_dma source(%dma_start3A_46 : memref<10240x128xf32, #tpu.memory_space<hbm>>) target(%arg10 : memref<128x128xf32, #tpu.memory_space<vmem>>) offsets(%dma_start3A_43 : memref<128xi32, #tpu.memory_space<vmem>>) semaphore(%arg13 : memref<!tpu.dma_semaphore, #tpu.memory_space<semaphore_mem>>)
      %dma_wait3A = arith.constant 14 : i32
      %dma_wait3A_47 = arith.constant 0 : i32
      %dma_wait3A_48 = tpu.memref_slice %arg7[%dma_wait3A, %dma_wait3A_47] : memref<16x128xi32, #tpu.memory_space<vmem>> -> memref<1x128xi32, #tpu.memory_space<vmem>>
      %dma_wait3A_49 = tpu.memref_squeeze %dma_wait3A_48 : memref<1x128xi32, #tpu.memory_space<vmem>> -> memref<128xi32, #tpu.memory_space<vmem>>
      %dma_wait3A_50 = arith.constant 0 : i32
      %dma_wait3A_51 = arith.constant 0 : i32
      %dma_wait3A_52 = tpu.memref_slice %arg2[%dma_wait3A_50, %dma_wait3A_51] : memref<10240x128xf32, #tpu.memory_space<hbm>> -> memref<10240x128xf32, #tpu.memory_space<hbm>>
      tpu.wait_indirect_dma semaphore(%arg12 : memref<!tpu.dma_semaphore, #tpu.memory_space<semaphore_mem>>) src(%dma_wait3A_52 : memref<10240x128xf32, #tpu.memory_space<hbm>>) dst(%arg9 : memref<128x128xf32, #tpu.memory_space<vmem>>)
      %run_scoped3A = arith.constant 14 : i32
      "tpu.region"() ({
        %run_scoped3A_61 = tpu.sem_alloc : memref<!tpu.dma_semaphore, #tpu.memory_space<semaphore_mem>>
        %dma_start3A_62 = arith.constant 0 : i32
        %dma_start3A_63 = tpu.memref_slice %arg8[%run_scoped3A, %dma_start3A_62] : memref<16x128xi32, #tpu.memory_space<vmem>> -> memref<1x128xi32, #tpu.memory_space<vmem>>
        %dma_start3A_64 = tpu.memref_squeeze %dma_start3A_63 : memref<1x128xi32, #tpu.memory_space<vmem>> -> memref<128xi32, #tpu.memory_space<vmem>>
        %dma_start3A_65 = arith.constant 0 : i32
        %dma_start3A_66 = arith.constant 0 : i32
        %dma_start3A_67 = tpu.memref_slice %arg11[%dma_start3A_65, %dma_start3A_66] : memref<10240x128xf32, #tpu.memory_space<vmem_shared>> -> memref<10240x128xf32, #tpu.memory_space<vmem_shared>>
        tpu.enqueue_indirect_dma source(%arg9 : memref<128x128xf32, #tpu.memory_space<vmem>>) target(%dma_start3A_67 : memref<10240x128xf32, #tpu.memory_space<vmem_shared>>) offsets(%dma_start3A_64 : memref<128xi32, #tpu.memory_space<vmem>>) semaphore(%run_scoped3A_61 : memref<!tpu.dma_semaphore, #tpu.memory_space<semaphore_mem>>) {add = true}
        %dma_wait3A_68 = arith.constant 0 : i32
        %dma_wait3A_69 = tpu.memref_slice %arg8[%run_scoped3A, %dma_wait3A_68] : memref<16x128xi32, #tpu.memory_space<vmem>> -> memref<1x128xi32, #tpu.memory_space<vmem>>
        %dma_wait3A_70 = tpu.memref_squeeze %dma_wait3A_69 : memref<1x128xi32, #tpu.memory_space<vmem>> -> memref<128xi32, #tpu.memory_space<vmem>>
        %dma_wait3A_71 = arith.constant 0 : i32
        %dma_wait3A_72 = arith.constant 0 : i32
        %dma_wait3A_73 = tpu.memref_slice %arg11[%dma_wait3A_71, %dma_wait3A_72] : memref<10240x128xf32, #tpu.memory_space<vmem_shared>> -> memref<10240x128xf32, #tpu.memory_space<vmem_shared>>
        tpu.wait_indirect_dma semaphore(%run_scoped3A_61 : memref<!tpu.dma_semaphore, #tpu.memory_space<semaphore_mem>>) src(%arg9 : memref<128x128xf32, #tpu.memory_space<vmem>>) dst(%dma_wait3A_73 : memref<10240x128xf32, #tpu.memory_space<vmem_shared>>)
        tpu.yield
      }) : () -> ()
      %dma_wait3A_53 = arith.constant 15 : i32
      %dma_wait3A_54 = arith.constant 0 : i32
      %dma_wait3A_55 = tpu.memref_slice %arg7[%dma_wait3A_53, %dma_wait3A_54] : memref<16x128xi32, #tpu.memory_space<vmem>> -> memref<1x128xi32, #tpu.memory_space<vmem>>
      %dma_wait3A_56 = tpu.memref_squeeze %dma_wait3A_55 : memref<1x128xi32, #tpu.memory_space<vmem>> -> memref<128xi32, #tpu.memory_space<vmem>>
      %dma_wait3A_57 = arith.constant 0 : i32
      %dma_wait3A_58 = arith.constant 0 : i32
      %dma_wait3A_59 = tpu.memref_slice %arg2[%dma_wait3A_57, %dma_wait3A_58] : memref<10240x128xf32, #tpu.memory_space<hbm>> -> memref<10240x128xf32, #tpu.memory_space<hbm>>
      tpu.wait_indirect_dma semaphore(%arg13 : memref<!tpu.dma_semaphore, #tpu.memory_space<semaphore_mem>>) src(%dma_wait3A_59 : memref<10240x128xf32, #tpu.memory_space<hbm>>) dst(%arg10 : memref<128x128xf32, #tpu.memory_space<vmem>>)
      %run_scoped3A_60 = arith.constant 15 : i32
      "tpu.region"() ({
        %run_scoped3A_61 = tpu.sem_alloc : memref<!tpu.dma_semaphore, #tpu.memory_space<semaphore_mem>>
        %dma_start3A_62 = arith.constant 0 : i32
        %dma_start3A_63 = tpu.memref_slice %arg8[%run_scoped3A_60, %dma_start3A_62] : memref<16x128xi32, #tpu.memory_space<vmem>> -> memref<1x128xi32, #tpu.memory_space<vmem>>
        %dma_start3A_64 = tpu.memref_squeeze %dma_start3A_63 : memref<1x128xi32, #tpu.memory_space<vmem>> -> memref<128xi32, #tpu.memory_space<vmem>>
        %dma_start3A_65 = arith.constant 0 : i32
        %dma_start3A_66 = arith.constant 0 : i32
        %dma_start3A_67 = tpu.memref_slice %arg11[%dma_start3A_65, %dma_start3A_66] : memref<10240x128xf32, #tpu.memory_space<vmem_shared>> -> memref<10240x128xf32, #tpu.memory_space<vmem_shared>>
        tpu.enqueue_indirect_dma source(%arg10 : memref<128x128xf32, #tpu.memory_space<vmem>>) target(%dma_start3A_67 : memref<10240x128xf32, #tpu.memory_space<vmem_shared>>) offsets(%dma_start3A_64 : memref<128xi32, #tpu.memory_space<vmem>>) semaphore(%run_scoped3A_61 : memref<!tpu.dma_semaphore, #tpu.memory_space<semaphore_mem>>) {add = true}
        %dma_wait3A_68 = arith.constant 0 : i32
        %dma_wait3A_69 = tpu.memref_slice %arg8[%run_scoped3A_60, %dma_wait3A_68] : memref<16x128xi32, #tpu.memory_space<vmem>> -> memref<1x128xi32, #tpu.memory_space<vmem>>
        %dma_wait3A_70 = tpu.memref_squeeze %dma_wait3A_69 : memref<1x128xi32, #tpu.memory_space<vmem>> -> memref<128xi32, #tpu.memory_space<vmem>>
        %dma_wait3A_71 = arith.constant 0 : i32
        %dma_wait3A_72 = arith.constant 0 : i32
        %dma_wait3A_73 = tpu.memref_slice %arg11[%dma_wait3A_71, %dma_wait3A_72] : memref<10240x128xf32, #tpu.memory_space<vmem_shared>> -> memref<10240x128xf32, #tpu.memory_space<vmem_shared>>
        tpu.wait_indirect_dma semaphore(%run_scoped3A_61 : memref<!tpu.dma_semaphore, #tpu.memory_space<semaphore_mem>>) src(%arg10 : memref<128x128xf32, #tpu.memory_space<vmem>>) dst(%dma_wait3A_73 : memref<10240x128xf32, #tpu.memory_space<vmem_shared>>)
        tpu.yield
      }) : () -> ()
    }
    %while3A_19 = arith.constant 1 : i32
    scf.for %while3A_25 = %while3A_17 to %while3A_13 step %while3A_19  : i32 {
      %mul3A_26 = arith.constant 16 : i32
      %mul3A_27 = arith.muli %while3A_25, %mul3A_26 : i32
      %add3A_28 = arith.addi %select_n3A_10, %mul3A_27 : i32
      "tpu.region"() ({
        %run_scoped3A_61 = tpu.sem_alloc : memref<!tpu.dma_semaphore, #tpu.memory_space<semaphore_mem>>
        %dma_start3A_62 = arith.constant 0 : i32
        %dma_start3A_63 = tpu.memref_slice %arg3[%add3A_28, %dma_start3A_62] : memref<2560x128xi32, #tpu.memory_space<hbm>> -> memref<16x128xi32, #tpu.memory_space<hbm>>
        %dma_start3A_64 = arith.constant 0 : i32
        %dma_start3A_65 = tpu.memref_slice %arg3[%add3A_28, %dma_start3A_64] : memref<2560x128xi32, #tpu.memory_space<hbm>> -> memref<16x128xi32, #tpu.memory_space<hbm>>
        tpu.enqueue_dma source(%dma_start3A_65 : memref<16x128xi32, #tpu.memory_space<hbm>>) target(%arg7 : memref<16x128xi32, #tpu.memory_space<vmem>>) target_semaphore(%run_scoped3A_61 : memref<!tpu.dma_semaphore, #tpu.memory_space<semaphore_mem>>)
        %dma_wait3A_66 = arith.constant 0 : i32
        %dma_wait3A_67 = tpu.memref_slice %arg3[%add3A_28, %dma_wait3A_66] : memref<2560x128xi32, #tpu.memory_space<hbm>> -> memref<16x128xi32, #tpu.memory_space<hbm>>
        %dma_wait3A_68 = arith.constant 0 : i32
        %dma_wait3A_69 = tpu.memref_slice %arg3[%add3A_28, %dma_wait3A_68] : memref<2560x128xi32, #tpu.memory_space<hbm>> -> memref<16x128xi32, #tpu.memory_space<hbm>>
        tpu.wait_dma2 semaphore(%run_scoped3A_61 : memref<!tpu.dma_semaphore, #tpu.memory_space<semaphore_mem>>) src(%dma_wait3A_69 : memref<16x128xi32, #tpu.memory_space<hbm>>) dst(%arg7 : memref<16x128xi32, #tpu.memory_space<vmem>>)
        tpu.yield
      }) : () -> ()
      "tpu.region"() ({
        %run_scoped3A_61 = tpu.sem_alloc : memref<!tpu.dma_semaphore, #tpu.memory_space<semaphore_mem>>
        %dma_start3A_62 = arith.constant 0 : i32
        %dma_start3A_63 = tpu.memref_slice %arg4[%add3A_28, %dma_start3A_62] : memref<2560x128xi32, #tpu.memory_space<hbm>> -> memref<16x128xi32, #tpu.memory_space<hbm>>
        %dma_start3A_64 = arith.constant 0 : i32
        %dma_start3A_65 = tpu.memref_slice %arg4[%add3A_28, %dma_start3A_64] : memref<2560x128xi32, #tpu.memory_space<hbm>> -> memref<16x128xi32, #tpu.memory_space<hbm>>
        tpu.enqueue_dma source(%dma_start3A_65 : memref<16x128xi32, #tpu.memory_space<hbm>>) target(%arg8 : memref<16x128xi32, #tpu.memory_space<vmem>>) target_semaphore(%run_scoped3A_61 : memref<!tpu.dma_semaphore, #tpu.memory_space<semaphore_mem>>)
        %dma_wait3A_66 = arith.constant 0 : i32
        %dma_wait3A_67 = tpu.memref_slice %arg4[%add3A_28, %dma_wait3A_66] : memref<2560x128xi32, #tpu.memory_space<hbm>> -> memref<16x128xi32, #tpu.memory_space<hbm>>
        %dma_wait3A_68 = arith.constant 0 : i32
        %dma_wait3A_69 = tpu.memref_slice %arg4[%add3A_28, %dma_wait3A_68] : memref<2560x128xi32, #tpu.memory_space<hbm>> -> memref<16x128xi32, #tpu.memory_space<hbm>>
        tpu.wait_dma2 semaphore(%run_scoped3A_61 : memref<!tpu.dma_semaphore, #tpu.memory_space<semaphore_mem>>) src(%dma_wait3A_69 : memref<16x128xi32, #tpu.memory_space<hbm>>) dst(%arg8 : memref<16x128xi32, #tpu.memory_space<vmem>>)
        tpu.yield
      }) : () -> ()
      %dma_start3A = arith.constant 0 : i32
      %dma_start3A_29 = arith.constant 0 : i32
      %dma_start3A_30 = tpu.memref_slice %arg7[%dma_start3A, %dma_start3A_29] : memref<16x128xi32, #tpu.memory_space<vmem>> -> memref<1x128xi32, #tpu.memory_space<vmem>>
      %dma_start3A_31 = tpu.memref_squeeze %dma_start3A_30 : memref<1x128xi32, #tpu.memory_space<vmem>> -> memref<128xi32, #tpu.memory_space<vmem>>
      %dma_start3A_32 = arith.constant 0 : i32
      %dma_start3A_33 = arith.constant 0 : i32
      %dma_start3A_34 = tpu.memref_slice %arg2[%dma_start3A_32, %dma_start3A_33] : memref<10240x128xf32, #tpu.memory_space<hbm>> -> memref<10240x128xf32, #tpu.memory_space<hbm>>
      tpu.enqueue_indirect_dma source(%dma_start3A_34 : memref<10240x128xf32, #tpu.memory_space<hbm>>) target(%arg9 : memref<128x128xf32, #tpu.memory_space<vmem>>) offsets(%dma_start3A_31 : memref<128xi32, #tpu.memory_space<vmem>>) semaphore(%arg12 : memref<!tpu.dma_semaphore, #tpu.memory_space<semaphore_mem>>)
      %scan3A = arith.constant 0 : i32
      %scan3A_35 = arith.constant 0 : i32
      %scan3A_36 = arith.constant 7 : i32
      %scan3A_37 = arith.addi %scan3A_35, %scan3A_36 : i32
      %scan3A_38 = arith.constant 1 : i32
      scf.for %scan3A_61 = %scan3A_35 to %scan3A_37 step %scan3A_38  : i32 {
        %mul3A_62 = arith.constant 2 : i32
        %mul3A_63 = arith.muli %mul3A_62, %scan3A_61 : i32
        %add3A_64 = arith.constant 1 : i32
        %add3A_65 = arith.addi %mul3A_63, %add3A_64 : i32
        %dma_start3A_66 = arith.constant 0 : i32
        %dma_start3A_67 = tpu.memref_slice %arg7[%add3A_65, %dma_start3A_66] : memref<16x128xi32, #tpu.memory_space<vmem>> -> memref<1x128xi32, #tpu.memory_space<vmem>>
        %dma_start3A_68 = tpu.memref_squeeze %dma_start3A_67 : memref<1x128xi32, #tpu.memory_space<vmem>> -> memref<128xi32, #tpu.memory_space<vmem>>
        %dma_start3A_69 = arith.constant 0 : i32
        %dma_start3A_70 = arith.constant 0 : i32
        %dma_start3A_71 = tpu.memref_slice %arg2[%dma_start3A_69, %dma_start3A_70] : memref<10240x128xf32, #tpu.memory_space<hbm>> -> memref<10240x128xf32, #tpu.memory_space<hbm>>
        tpu.enqueue_indirect_dma source(%dma_start3A_71 : memref<10240x128xf32, #tpu.memory_space<hbm>>) target(%arg10 : memref<128x128xf32, #tpu.memory_space<vmem>>) offsets(%dma_start3A_68 : memref<128xi32, #tpu.memory_space<vmem>>) semaphore(%arg13 : memref<!tpu.dma_semaphore, #tpu.memory_space<semaphore_mem>>)
        %dma_wait3A_72 = arith.constant 0 : i32
        %dma_wait3A_73 = tpu.memref_slice %arg7[%mul3A_63, %dma_wait3A_72] : memref<16x128xi32, #tpu.memory_space<vmem>> -> memref<1x128xi32, #tpu.memory_space<vmem>>
        %dma_wait3A_74 = tpu.memref_squeeze %dma_wait3A_73 : memref<1x128xi32, #tpu.memory_space<vmem>> -> memref<128xi32, #tpu.memory_space<vmem>>
        %dma_wait3A_75 = arith.constant 0 : i32
        %dma_wait3A_76 = arith.constant 0 : i32
        %dma_wait3A_77 = tpu.memref_slice %arg2[%dma_wait3A_75, %dma_wait3A_76] : memref<10240x128xf32, #tpu.memory_space<hbm>> -> memref<10240x128xf32, #tpu.memory_space<hbm>>
        tpu.wait_indirect_dma semaphore(%arg12 : memref<!tpu.dma_semaphore, #tpu.memory_space<semaphore_mem>>) src(%dma_wait3A_77 : memref<10240x128xf32, #tpu.memory_space<hbm>>) dst(%arg9 : memref<128x128xf32, #tpu.memory_space<vmem>>)
        "tpu.region"() ({
          %run_scoped3A_96 = tpu.sem_alloc : memref<!tpu.dma_semaphore, #tpu.memory_space<semaphore_mem>>
          %dma_start3A_97 = arith.constant 0 : i32
          %dma_start3A_98 = tpu.memref_slice %arg8[%mul3A_63, %dma_start3A_97] : memref<16x128xi32, #tpu.memory_space<vmem>> -> memref<1x128xi32, #tpu.memory_space<vmem>>
          %dma_start3A_99 = tpu.memref_squeeze %dma_start3A_98 : memref<1x128xi32, #tpu.memory_space<vmem>> -> memref<128xi32, #tpu.memory_space<vmem>>
          %dma_start3A_100 = arith.constant 0 : i32
          %dma_start3A_101 = arith.constant 0 : i32
          %dma_start3A_102 = tpu.memref_slice %arg11[%dma_start3A_100, %dma_start3A_101] : memref<10240x128xf32, #tpu.memory_space<vmem_shared>> -> memref<10240x128xf32, #tpu.memory_space<vmem_shared>>
          tpu.enqueue_indirect_dma source(%arg9 : memref<128x128xf32, #tpu.memory_space<vmem>>) target(%dma_start3A_102 : memref<10240x128xf32, #tpu.memory_space<vmem_shared>>) offsets(%dma_start3A_99 : memref<128xi32, #tpu.memory_space<vmem>>) semaphore(%run_scoped3A_96 : memref<!tpu.dma_semaphore, #tpu.memory_space<semaphore_mem>>) {add = true}
          %dma_wait3A_103 = arith.constant 0 : i32
          %dma_wait3A_104 = tpu.memref_slice %arg8[%mul3A_63, %dma_wait3A_103] : memref<16x128xi32, #tpu.memory_space<vmem>> -> memref<1x128xi32, #tpu.memory_space<vmem>>
          %dma_wait3A_105 = tpu.memref_squeeze %dma_wait3A_104 : memref<1x128xi32, #tpu.memory_space<vmem>> -> memref<128xi32, #tpu.memory_space<vmem>>
          %dma_wait3A_106 = arith.constant 0 : i32
          %dma_wait3A_107 = arith.constant 0 : i32
          %dma_wait3A_108 = tpu.memref_slice %arg11[%dma_wait3A_106, %dma_wait3A_107] : memref<10240x128xf32, #tpu.memory_space<vmem_shared>> -> memref<10240x128xf32, #tpu.memory_space<vmem_shared>>
          tpu.wait_indirect_dma semaphore(%run_scoped3A_96 : memref<!tpu.dma_semaphore, #tpu.memory_space<semaphore_mem>>) src(%arg9 : memref<128x128xf32, #tpu.memory_space<vmem>>) dst(%dma_wait3A_108 : memref<10240x128xf32, #tpu.memory_space<vmem_shared>>)
          tpu.yield
        }) : () -> ()
        %add3A_78 = arith.constant 2 : i32
        %add3A_79 = arith.addi %mul3A_63, %add3A_78 : i32
        %dma_start3A_80 = arith.constant 0 : i32
        %dma_start3A_81 = tpu.memref_slice %arg7[%add3A_79, %dma_start3A_80] : memref<16x128xi32, #tpu.memory_space<vmem>> -> memref<1x128xi32, #tpu.memory_space<vmem>>
        %dma_start3A_82 = tpu.memref_squeeze %dma_start3A_81 : memref<1x128xi32, #tpu.memory_space<vmem>> -> memref<128xi32, #tpu.memory_space<vmem>>
        %dma_start3A_83 = arith.constant 0 : i32
        %dma_start3A_84 = arith.constant 0 : i32
        %dma_start3A_85 = tpu.memref_slice %arg2[%dma_start3A_83, %dma_start3A_84] : memref<10240x128xf32, #tpu.memory_space<hbm>> -> memref<10240x128xf32, #tpu.memory_space<hbm>>
        tpu.enqueue_indirect_dma source(%dma_start3A_85 : memref<10240x128xf32, #tpu.memory_space<hbm>>) target(%arg9 : memref<128x128xf32, #tpu.memory_space<vmem>>) offsets(%dma_start3A_82 : memref<128xi32, #tpu.memory_space<vmem>>) semaphore(%arg12 : memref<!tpu.dma_semaphore, #tpu.memory_space<semaphore_mem>>)
        %add3A_86 = arith.constant 1 : i32
        %add3A_87 = arith.addi %mul3A_63, %add3A_86 : i32
        %dma_wait3A_88 = arith.constant 0 : i32
        %dma_wait3A_89 = tpu.memref_slice %arg7[%add3A_87, %dma_wait3A_88] : memref<16x128xi32, #tpu.memory_space<vmem>> -> memref<1x128xi32, #tpu.memory_space<vmem>>
        %dma_wait3A_90 = tpu.memref_squeeze %dma_wait3A_89 : memref<1x128xi32, #tpu.memory_space<vmem>> -> memref<128xi32, #tpu.memory_space<vmem>>
        %dma_wait3A_91 = arith.constant 0 : i32
        %dma_wait3A_92 = arith.constant 0 : i32
        %dma_wait3A_93 = tpu.memref_slice %arg2[%dma_wait3A_91, %dma_wait3A_92] : memref<10240x128xf32, #tpu.memory_space<hbm>> -> memref<10240x128xf32, #tpu.memory_space<hbm>>
        tpu.wait_indirect_dma semaphore(%arg13 : memref<!tpu.dma_semaphore, #tpu.memory_space<semaphore_mem>>) src(%dma_wait3A_93 : memref<10240x128xf32, #tpu.memory_space<hbm>>) dst(%arg10 : memref<128x128xf32, #tpu.memory_space<vmem>>)
        %add3A_94 = arith.constant 1 : i32
        %add3A_95 = arith.addi %mul3A_63, %add3A_94 : i32
        "tpu.region"() ({
          %run_scoped3A_96 = tpu.sem_alloc : memref<!tpu.dma_semaphore, #tpu.memory_space<semaphore_mem>>
          %dma_start3A_97 = arith.constant 0 : i32
          %dma_start3A_98 = tpu.memref_slice %arg8[%add3A_95, %dma_start3A_97] : memref<16x128xi32, #tpu.memory_space<vmem>> -> memref<1x128xi32, #tpu.memory_space<vmem>>
          %dma_start3A_99 = tpu.memref_squeeze %dma_start3A_98 : memref<1x128xi32, #tpu.memory_space<vmem>> -> memref<128xi32, #tpu.memory_space<vmem>>
          %dma_start3A_100 = arith.constant 0 : i32
          %dma_start3A_101 = arith.constant 0 : i32
          %dma_start3A_102 = tpu.memref_slice %arg11[%dma_start3A_100, %dma_start3A_101] : memref<10240x128xf32, #tpu.memory_space<vmem_shared>> -> memref<10240x128xf32, #tpu.memory_space<vmem_shared>>
          tpu.enqueue_indirect_dma source(%arg10 : memref<128x128xf32, #tpu.memory_space<vmem>>) target(%dma_start3A_102 : memref<10240x128xf32, #tpu.memory_space<vmem_shared>>) offsets(%dma_start3A_99 : memref<128xi32, #tpu.memory_space<vmem>>) semaphore(%run_scoped3A_96 : memref<!tpu.dma_semaphore, #tpu.memory_space<semaphore_mem>>) {add = true}
          %dma_wait3A_103 = arith.constant 0 : i32
          %dma_wait3A_104 = tpu.memref_slice %arg8[%add3A_95, %dma_wait3A_103] : memref<16x128xi32, #tpu.memory_space<vmem>> -> memref<1x128xi32, #tpu.memory_space<vmem>>
          %dma_wait3A_105 = tpu.memref_squeeze %dma_wait3A_104 : memref<1x128xi32, #tpu.memory_space<vmem>> -> memref<128xi32, #tpu.memory_space<vmem>>
          %dma_wait3A_106 = arith.constant 0 : i32
          %dma_wait3A_107 = arith.constant 0 : i32
          %dma_wait3A_108 = tpu.memref_slice %arg11[%dma_wait3A_106, %dma_wait3A_107] : memref<10240x128xf32, #tpu.memory_space<vmem_shared>> -> memref<10240x128xf32, #tpu.memory_space<vmem_shared>>
          tpu.wait_indirect_dma semaphore(%run_scoped3A_96 : memref<!tpu.dma_semaphore, #tpu.memory_space<semaphore_mem>>) src(%arg10 : memref<128x128xf32, #tpu.memory_space<vmem>>) dst(%dma_wait3A_108 : memref<10240x128xf32, #tpu.memory_space<vmem_shared>>)
          tpu.yield
        }) : () -> ()
      }
      %scan3A_39 = arith.constant 7 : i32
      %dma_start3A_40 = arith.constant 15 : i32
      %dma_start3A_41 = arith.constant 0 : i32
      %dma_start3A_42 = tpu.memref_slice %arg7[%dma_start3A_40, %dma_start3A_41] : memref<16x128xi32, #tpu.memory_space<vmem>> -> memref<1x128xi32, #tpu.memory_space<vmem>>
      %dma_start3A_43 = tpu.memref_squeeze %dma_start3A_42 : memref<1x128xi32, #tpu.memory_space<vmem>> -> memref<128xi32, #tpu.memory_space<vmem>>
      %dma_start3A_44 = arith.constant 0 : i32
      %dma_start3A_45 = arith.constant 0 : i32
      %dma_start3A_46 = tpu.memref_slice %arg2[%dma_start3A_44, %dma_start3A_45] : memref<10240x128xf32, #tpu.memory_space<hbm>> -> memref<10240x128xf32, #tpu.memory_space<hbm>>
      tpu.enqueue_indirect_dma source(%dma_start3A_46 : memref<10240x128xf32, #tpu.memory_space<hbm>>) target(%arg10 : memref<128x128xf32, #tpu.memory_space<vmem>>) offsets(%dma_start3A_43 : memref<128xi32, #tpu.memory_space<vmem>>) semaphore(%arg13 : memref<!tpu.dma_semaphore, #tpu.memory_space<semaphore_mem>>)
      %dma_wait3A = arith.constant 14 : i32
      %dma_wait3A_47 = arith.constant 0 : i32
      %dma_wait3A_48 = tpu.memref_slice %arg7[%dma_wait3A, %dma_wait3A_47] : memref<16x128xi32, #tpu.memory_space<vmem>> -> memref<1x128xi32, #tpu.memory_space<vmem>>
      %dma_wait3A_49 = tpu.memref_squeeze %dma_wait3A_48 : memref<1x128xi32, #tpu.memory_space<vmem>> -> memref<128xi32, #tpu.memory_space<vmem>>
      %dma_wait3A_50 = arith.constant 0 : i32
      %dma_wait3A_51 = arith.constant 0 : i32
      %dma_wait3A_52 = tpu.memref_slice %arg2[%dma_wait3A_50, %dma_wait3A_51] : memref<10240x128xf32, #tpu.memory_space<hbm>> -> memref<10240x128xf32, #tpu.memory_space<hbm>>
      tpu.wait_indirect_dma semaphore(%arg12 : memref<!tpu.dma_semaphore, #tpu.memory_space<semaphore_mem>>) src(%dma_wait3A_52 : memref<10240x128xf32, #tpu.memory_space<hbm>>) dst(%arg9 : memref<128x128xf32, #tpu.memory_space<vmem>>)
      %run_scoped3A = arith.constant 14 : i32
      "tpu.region"() ({
        %run_scoped3A_61 = tpu.sem_alloc : memref<!tpu.dma_semaphore, #tpu.memory_space<semaphore_mem>>
        %dma_start3A_62 = arith.constant 0 : i32
        %dma_start3A_63 = tpu.memref_slice %arg8[%run_scoped3A, %dma_start3A_62] : memref<16x128xi32, #tpu.memory_space<vmem>> -> memref<1x128xi32, #tpu.memory_space<vmem>>
        %dma_start3A_64 = tpu.memref_squeeze %dma_start3A_63 : memref<1x128xi32, #tpu.memory_space<vmem>> -> memref<128xi32, #tpu.memory_space<vmem>>
        %dma_start3A_65 = arith.constant 0 : i32
        %dma_start3A_66 = arith.constant 0 : i32
        %dma_start3A_67 = tpu.memref_slice %arg11[%dma_start3A_65, %dma_start3A_66] : memref<10240x128xf32, #tpu.memory_space<vmem_shared>> -> memref<10240x128xf32, #tpu.memory_space<vmem_shared>>
        tpu.enqueue_indirect_dma source(%arg9 : memref<128x128xf32, #tpu.memory_space<vmem>>) target(%dma_start3A_67 : memref<10240x128xf32, #tpu.memory_space<vmem_shared>>) offsets(%dma_start3A_64 : memref<128xi32, #tpu.memory_space<vmem>>) semaphore(%run_scoped3A_61 : memref<!tpu.dma_semaphore, #tpu.memory_space<semaphore_mem>>) {add = true}
        %dma_wait3A_68 = arith.constant 0 : i32
        %dma_wait3A_69 = tpu.memref_slice %arg8[%run_scoped3A, %dma_wait3A_68] : memref<16x128xi32, #tpu.memory_space<vmem>> -> memref<1x128xi32, #tpu.memory_space<vmem>>
        %dma_wait3A_70 = tpu.memref_squeeze %dma_wait3A_69 : memref<1x128xi32, #tpu.memory_space<vmem>> -> memref<128xi32, #tpu.memory_space<vmem>>
        %dma_wait3A_71 = arith.constant 0 : i32
        %dma_wait3A_72 = arith.constant 0 : i32
        %dma_wait3A_73 = tpu.memref_slice %arg11[%dma_wait3A_71, %dma_wait3A_72] : memref<10240x128xf32, #tpu.memory_space<vmem_shared>> -> memref<10240x128xf32, #tpu.memory_space<vmem_shared>>
        tpu.wait_indirect_dma semaphore(%run_scoped3A_61 : memref<!tpu.dma_semaphore, #tpu.memory_space<semaphore_mem>>) src(%arg9 : memref<128x128xf32, #tpu.memory_space<vmem>>) dst(%dma_wait3A_73 : memref<10240x128xf32, #tpu.memory_space<vmem_shared>>)
        tpu.yield
      }) : () -> ()
      %dma_wait3A_53 = arith.constant 15 : i32
      %dma_wait3A_54 = arith.constant 0 : i32
      %dma_wait3A_55 = tpu.memref_slice %arg7[%dma_wait3A_53, %dma_wait3A_54] : memref<16x128xi32, #tpu.memory_space<vmem>> -> memref<1x128xi32, #tpu.memory_space<vmem>>
      %dma_wait3A_56 = tpu.memref_squeeze %dma_wait3A_55 : memref<1x128xi32, #tpu.memory_space<vmem>> -> memref<128xi32, #tpu.memory_space<vmem>>
      %dma_wait3A_57 = arith.constant 0 : i32
      %dma_wait3A_58 = arith.constant 0 : i32
      %dma_wait3A_59 = tpu.memref_slice %arg2[%dma_wait3A_57, %dma_wait3A_58] : memref<10240x128xf32, #tpu.memory_space<hbm>> -> memref<10240x128xf32, #tpu.memory_space<hbm>>
      tpu.wait_indirect_dma semaphore(%arg13 : memref<!tpu.dma_semaphore, #tpu.memory_space<semaphore_mem>>) src(%dma_wait3A_59 : memref<10240x128xf32, #tpu.memory_space<hbm>>) dst(%arg10 : memref<128x128xf32, #tpu.memory_space<vmem>>)
      %run_scoped3A_60 = arith.constant 15 : i32
      "tpu.region"() ({
        %run_scoped3A_61 = tpu.sem_alloc : memref<!tpu.dma_semaphore, #tpu.memory_space<semaphore_mem>>
        %dma_start3A_62 = arith.constant 0 : i32
        %dma_start3A_63 = tpu.memref_slice %arg8[%run_scoped3A_60, %dma_start3A_62] : memref<16x128xi32, #tpu.memory_space<vmem>> -> memref<1x128xi32, #tpu.memory_space<vmem>>
        %dma_start3A_64 = tpu.memref_squeeze %dma_start3A_63 : memref<1x128xi32, #tpu.memory_space<vmem>> -> memref<128xi32, #tpu.memory_space<vmem>>
        %dma_start3A_65 = arith.constant 0 : i32
        %dma_start3A_66 = arith.constant 0 : i32
        %dma_start3A_67 = tpu.memref_slice %arg11[%dma_start3A_65, %dma_start3A_66] : memref<10240x128xf32, #tpu.memory_space<vmem_shared>> -> memref<10240x128xf32, #tpu.memory_space<vmem_shared>>
        tpu.enqueue_indirect_dma source(%arg10 : memref<128x128xf32, #tpu.memory_space<vmem>>) target(%dma_start3A_67 : memref<10240x128xf32, #tpu.memory_space<vmem_shared>>) offsets(%dma_start3A_64 : memref<128xi32, #tpu.memory_space<vmem>>) semaphore(%run_scoped3A_61 : memref<!tpu.dma_semaphore, #tpu.memory_space<semaphore_mem>>) {add = true}
        %dma_wait3A_68 = arith.constant 0 : i32
        %dma_wait3A_69 = tpu.memref_slice %arg8[%run_scoped3A_60, %dma_wait3A_68] : memref<16x128xi32, #tpu.memory_space<vmem>> -> memref<1x128xi32, #tpu.memory_space<vmem>>
        %dma_wait3A_70 = tpu.memref_squeeze %dma_wait3A_69 : memref<1x128xi32, #tpu.memory_space<vmem>> -> memref<128xi32, #tpu.memory_space<vmem>>
        %dma_wait3A_71 = arith.constant 0 : i32
        %dma_wait3A_72 = arith.constant 0 : i32
        %dma_wait3A_73 = tpu.memref_slice %arg11[%dma_wait3A_71, %dma_wait3A_72] : memref<10240x128xf32, #tpu.memory_space<vmem_shared>> -> memref<10240x128xf32, #tpu.memory_space<vmem_shared>>
        tpu.wait_indirect_dma semaphore(%run_scoped3A_61 : memref<!tpu.dma_semaphore, #tpu.memory_space<semaphore_mem>>) src(%arg10 : memref<128x128xf32, #tpu.memory_space<vmem>>) dst(%dma_wait3A_73 : memref<10240x128xf32, #tpu.memory_space<vmem_shared>>)
        tpu.yield
      }) : () -> ()
    }
    %barrier3A_20 = arith.constant 0 : index
    tpu.barrier barrier_id(%barrier3A_20)
    %mul3A_21 = arith.constant 640 : i32
    %mul3A_22 = arith.muli %arg1, %mul3A_21 : i32
    %mul3A_23 = arith.constant 640 : i32
    %mul3A_24 = arith.muli %arg1, %mul3A_23 : i32
    "tpu.region"() ({
      %run_scoped3A = tpu.sem_alloc : memref<!tpu.dma_semaphore, #tpu.memory_space<semaphore_mem>>
      %dma_start3A = arith.constant 0 : i32
      %dma_start3A_25 = tpu.memref_slice %arg6[%arg0, %mul3A_24, %dma_start3A] : memref<2x10240x128xf32, #tpu.memory_space<hbm>> -> memref<1x640x128xf32, #tpu.memory_space<hbm>>
      %dma_start3A_26 = tpu.memref_squeeze %dma_start3A_25 : memref<1x640x128xf32, #tpu.memory_space<hbm>> -> memref<640x128xf32, #tpu.memory_space<hbm>>
      %dma_start3A_27 = arith.constant 0 : i32
      %dma_start3A_28 = tpu.memref_slice %arg11[%mul3A_22, %dma_start3A_27] : memref<10240x128xf32, #tpu.memory_space<vmem_shared>> -> memref<640x128xf32, #tpu.memory_space<vmem_shared>>
      tpu.enqueue_dma source(%dma_start3A_28 : memref<640x128xf32, #tpu.memory_space<vmem_shared>>) target(%dma_start3A_26 : memref<640x128xf32, #tpu.memory_space<hbm>>) target_semaphore(%run_scoped3A : memref<!tpu.dma_semaphore, #tpu.memory_space<semaphore_mem>>)
      %dma_wait3A = arith.constant 0 : i32
      %dma_wait3A_29 = tpu.memref_slice %arg6[%arg0, %mul3A_24, %dma_wait3A] : memref<2x10240x128xf32, #tpu.memory_space<hbm>> -> memref<1x640x128xf32, #tpu.memory_space<hbm>>
      %dma_wait3A_30 = tpu.memref_squeeze %dma_wait3A_29 : memref<1x640x128xf32, #tpu.memory_space<hbm>> -> memref<640x128xf32, #tpu.memory_space<hbm>>
      %dma_wait3A_31 = arith.constant 0 : i32
      %dma_wait3A_32 = tpu.memref_slice %arg11[%mul3A_22, %dma_wait3A_31] : memref<10240x128xf32, #tpu.memory_space<vmem_shared>> -> memref<640x128xf32, #tpu.memory_space<vmem_shared>>
      tpu.wait_dma2 semaphore(%run_scoped3A : memref<!tpu.dma_semaphore, #tpu.memory_space<semaphore_mem>>) src(%dma_wait3A_32 : memref<640x128xf32, #tpu.memory_space<vmem_shared>>) dst(%dma_wait3A_30 : memref<640x128xf32, #tpu.memory_space<hbm>>)
      tpu.yield
    }) : () -> ()
    return
  }
}

module attributes {stable_mosaic.version = 14 : i64} {
  func.func @_tc_prep(%arg0: i32, %arg1: memref<2x1024x128xf32, #tpu.memory_space<vmem>>, %arg2: memref<1024x128xf32, #tpu.memory_space<vmem>>, %arg3: memref<1024x1xf32, #tpu.memory_space<vmem>>, %arg4: memref<1024x128xf32, #tpu.memory_space<vmem>>) attributes {dimension_semantics = [#tpu.dimension_semantics<arbitrary>], iteration_bounds = array<i64: 10>, scalar_prefetch = 0 : i64, scratch_operands = 0 : i64, tpu.core_type = #tpu.core_type<tc>, window_params = [{transform_indices = @transform_0, window_bounds = array<i64: 2, 1024, 128>}, {transform_indices = @transform_1, window_bounds = array<i64: 1024, 128>}, {transform_indices = @transform_2, window_bounds = array<i64: 1024, 1>}, {transform_indices = @transform_3, window_bounds = array<i64: 1024, 128>}]} {
    %get3A = arith.constant 0 : index
    %get3A_0 = arith.constant 0 : index
    %get3A_1 = arith.constant 0 : index
    %get3A_2 = vector.load %arg1[%get3A, %get3A_0, %get3A_1] : memref<2x1024x128xf32, #tpu.memory_space<vmem>>, vector<1x1024x128xf32>
    %get3A_3 = vector.shape_cast %get3A_2 : vector<1x1024x128xf32> to vector<1024x128xf32>
    %get3A_4 = arith.constant 1 : index
    %get3A_5 = arith.constant 0 : index
    %get3A_6 = arith.constant 0 : index
    %get3A_7 = vector.load %arg1[%get3A_4, %get3A_5, %get3A_6] : memref<2x1024x128xf32, #tpu.memory_space<vmem>>, vector<1x1024x128xf32>
    %get3A_8 = vector.shape_cast %get3A_7 : vector<1x1024x128xf32> to vector<1024x128xf32>
    %add3A = arith.addf %get3A_3, %get3A_8 : vector<1024x128xf32>
    %slice3A = vector.extract_strided_slice %add3A {offsets = [0, 0], sizes = [1024, 1], strides = [1, 1]} : vector<1024x128xf32> to vector<1024x1xf32>
    %add3A_9 = arith.constant 1.000000e+00 : f32
    %add3A_10 = vector.broadcast %add3A_9 : f32 to vector<1024x1xf32>
    %add3A_11 = arith.addf %slice3A, %add3A_10 : vector<1024x1xf32>
    %rsqrt3A = math.rsqrt %add3A_11 : vector<1024x1xf32>
    %swap3A = arith.constant 0 : index
    %swap3A_12 = arith.constant 0 : index
    %swap3A_13 = vector.load %arg3[%swap3A, %swap3A_12] : memref<1024x1xf32, #tpu.memory_space<vmem>>, vector<1024x1xf32>
    tpu.vector_store %arg3[%swap3A, %swap3A_12], %rsqrt3A {strides = array<i32>} : memref<1024x1xf32, #tpu.memory_space<vmem>>, vector<1024x1xf32>,
    %get3A_14 = arith.constant 0 : index
    %get3A_15 = arith.constant 0 : index
    %get3A_16 = vector.load %arg2[%get3A_14, %get3A_15] : memref<1024x128xf32, #tpu.memory_space<vmem>>, vector<1024x128xf32>
    %mul3A = vector.broadcast %rsqrt3A : vector<1024x1xf32> to vector<1024x128xf32>
    %mul3A_17 = arith.mulf %get3A_16, %mul3A : vector<1024x128xf32>
    %swap3A_18 = arith.constant 0 : index
    %swap3A_19 = arith.constant 0 : index
    %swap3A_20 = vector.load %arg4[%swap3A_18, %swap3A_19] : memref<1024x128xf32, #tpu.memory_space<vmem>>, vector<1024x128xf32>
    tpu.vector_store %arg4[%swap3A_18, %swap3A_19], %mul3A_17 {strides = array<i32>} : memref<1024x128xf32, #tpu.memory_space<vmem>>, vector<1024x128xf32>,
    return
  }
  func.func @transform_0(%arg0: i32) -> (i32, i32, i32) {
    %c0_i32 = arith.constant 0 : i32
    %c0_i32_0 = arith.constant 0 : i32
    %c0_i32_1 = arith.constant 0 : i32
    return %c0_i32, %arg0, %c0_i32_0 : i32, i32, i32
  }
  func.func @transform_1(%arg0: i32) -> (i32, i32) {
    %c0_i32 = arith.constant 0 : i32
    %c0_i32_0 = arith.constant 0 : i32
    return %arg0, %c0_i32 : i32, i32
  }
  func.func @transform_2(%arg0: i32) -> (i32, i32) {
    %c0_i32 = arith.constant 0 : i32
    %c0_i32_0 = arith.constant 0 : i32
    return %arg0, %c0_i32 : i32, i32
  }
  func.func @transform_3(%arg0: i32) -> (i32, i32) {
    %c0_i32 = arith.constant 0 : i32
    %c0_i32_0 = arith.constant 0 : i32
    return %arg0, %c0_i32 : i32, i32
  }
}

module attributes {stable_mosaic.version = 14 : i64} {
  func.func @_tc_out(%arg0: i32, %arg1: memref<2x1024x128xf32, #tpu.memory_space<vmem>>, %arg2: memref<1024x128xf32, #tpu.memory_space<vmem>>, %arg3: memref<1024x1xf32, #tpu.memory_space<vmem>>, %arg4: memref<1x128xf32, #tpu.memory_space<vmem>>, %arg5: memref<1024x128xf32, #tpu.memory_space<vmem>>) attributes {dimension_semantics = [#tpu.dimension_semantics<arbitrary>], iteration_bounds = array<i64: 10>, scalar_prefetch = 0 : i64, scratch_operands = 0 : i64, tpu.core_type = #tpu.core_type<tc>, window_params = [{transform_indices = @transform_0, window_bounds = array<i64: 2, 1024, 128>}, {transform_indices = @transform_1, window_bounds = array<i64: 1024, 128>}, {transform_indices = @transform_2, window_bounds = array<i64: 1024, 1>}, {pipeline_mode = #tpu.pipeline_mode<synchronous>, transform_indices = @transform_3, window_bounds = array<i64: 1, 128>}, {transform_indices = @transform_4, window_bounds = array<i64: 1024, 128>}]} {
    %get3A = arith.constant 0 : index
    %get3A_0 = arith.constant 0 : index
    %get3A_1 = arith.constant 0 : index
    %get3A_2 = vector.load %arg1[%get3A, %get3A_0, %get3A_1] : memref<2x1024x128xf32, #tpu.memory_space<vmem>>, vector<1x1024x128xf32>
    %get3A_3 = vector.shape_cast %get3A_2 : vector<1x1024x128xf32> to vector<1024x128xf32>
    %get3A_4 = arith.constant 1 : index
    %get3A_5 = arith.constant 0 : index
    %get3A_6 = arith.constant 0 : index
    %get3A_7 = vector.load %arg1[%get3A_4, %get3A_5, %get3A_6] : memref<2x1024x128xf32, #tpu.memory_space<vmem>>, vector<1x1024x128xf32>
    %get3A_8 = vector.shape_cast %get3A_7 : vector<1x1024x128xf32> to vector<1024x128xf32>
    %add3A = arith.addf %get3A_3, %get3A_8 : vector<1024x128xf32>
    %get3A_9 = arith.constant 0 : index
    %get3A_10 = arith.constant 0 : index
    %get3A_11 = vector.load %arg2[%get3A_9, %get3A_10] : memref<1024x128xf32, #tpu.memory_space<vmem>>, vector<1024x128xf32>
    %add3A_12 = arith.addf %add3A, %get3A_11 : vector<1024x128xf32>
    %get3A_13 = arith.constant 0 : index
    %get3A_14 = arith.constant 0 : index
    %get3A_15 = vector.load %arg3[%get3A_13, %get3A_14] : memref<1024x1xf32, #tpu.memory_space<vmem>>, vector<1024x1xf32>
    %mul3A = vector.broadcast %get3A_15 : vector<1024x1xf32> to vector<1024x128xf32>
    %mul3A_16 = arith.mulf %add3A_12, %mul3A : vector<1024x128xf32>
    %get3A_17 = arith.constant 0 : index
    %get3A_18 = arith.constant 0 : index
    %get3A_19 = vector.load %arg4[%get3A_17, %get3A_18] : memref<1x128xf32, #tpu.memory_space<vmem>>, vector<1x128xf32>
    %add3A_20 = vector.broadcast %get3A_19 : vector<1x128xf32> to vector<1024x128xf32>
    %add3A_21 = arith.addf %mul3A_16, %add3A_20 : vector<1024x128xf32>
    %max3A = arith.constant 0.000000e+00 : f32
    %max3A_22 = vector.broadcast %max3A : f32 to vector<1024x128xf32>
    %max3A_23 = arith.maximumf %add3A_21, %max3A_22 : vector<1024x128xf32>
    %swap3A = arith.constant 0 : index
    %swap3A_24 = arith.constant 0 : index
    %swap3A_25 = vector.load %arg5[%swap3A, %swap3A_24] : memref<1024x128xf32, #tpu.memory_space<vmem>>, vector<1024x128xf32>
    tpu.vector_store %arg5[%swap3A, %swap3A_24], %max3A_23 {strides = array<i32>} : memref<1024x128xf32, #tpu.memory_space<vmem>>, vector<1024x128xf32>,
    return
  }
  func.func @transform_0(%arg0: i32) -> (i32, i32, i32) {
    %c0_i32 = arith.constant 0 : i32
    %c0_i32_0 = arith.constant 0 : i32
    %c0_i32_1 = arith.constant 0 : i32
    return %c0_i32, %arg0, %c0_i32_0 : i32, i32, i32
  }
  func.func @transform_1(%arg0: i32) -> (i32, i32) {
    %c0_i32 = arith.constant 0 : i32
    %c0_i32_0 = arith.constant 0 : i32
    return %arg0, %c0_i32 : i32, i32
  }
  func.func @transform_2(%arg0: i32) -> (i32, i32) {
    %c0_i32 = arith.constant 0 : i32
    %c0_i32_0 = arith.constant 0 : i32
    return %arg0, %c0_i32 : i32, i32
  }
  func.func @transform_3(%arg0: i32) -> (i32, i32) {
    %c0_i32 = arith.constant 0 : i32
    %c0_i32_0 = arith.constant 0 : i32
    %c0_i32_1 = arith.constant 0 : i32
    return %c0_i32, %c0_i32_0 : i32, i32
  }
  func.func @transform_4(%arg0: i32) -> (i32, i32) {
    %c0_i32 = arith.constant 0 : i32
    %c0_i32_0 = arith.constant 0 : i32
    return %arg0, %c0_i32 : i32, i32
  }
}

module attributes {stable_mosaic.version = 14 : i64} {
  func.func @_tc_mlp(%arg0: i32, %arg1: memref<2x1024x128xf32, #tpu.memory_space<vmem>>, %arg2: memref<1024x128xf32, #tpu.memory_space<vmem>>, %arg3: memref<1024x1xf32, #tpu.memory_space<vmem>>, %arg4: memref<1024x1xf32, #tpu.memory_space<vmem>>, %arg5: memref<128x256xf32, #tpu.memory_space<vmem>>, %arg6: memref<1x256xf32, #tpu.memory_space<vmem>>, %arg7: memref<256x128xf32, #tpu.memory_space<vmem>>, %arg8: memref<1024x128xf32, #tpu.memory_space<vmem>>) attributes {dimension_semantics = [#tpu.dimension_semantics<arbitrary>], iteration_bounds = array<i64: 10>, scalar_prefetch = 0 : i64, scratch_operands = 0 : i64, tpu.core_type = #tpu.core_type<tc>, window_params = [{transform_indices = @transform_0, window_bounds = array<i64: 2, 1024, 128>}, {transform_indices = @transform_1, window_bounds = array<i64: 1024, 128>}, {transform_indices = @transform_2, window_bounds = array<i64: 1024, 1>}, {transform_indices = @transform_3, window_bounds = array<i64: 1024, 1>}, {pipeline_mode = #tpu.pipeline_mode<synchronous>, transform_indices = @transform_4, window_bounds = array<i64: 128, 256>}, {pipeline_mode = #tpu.pipeline_mode<synchronous>, transform_indices = @transform_5, window_bounds = array<i64: 1, 256>}, {pipeline_mode = #tpu.pipeline_mode<synchronous>, transform_indices = @transform_6, window_bounds = array<i64: 256, 128>}, {transform_indices = @transform_7, window_bounds = array<i64: 1024, 128>}]} {
    %get3A = arith.constant 0 : index
    %get3A_0 = arith.constant 0 : index
    %get3A_1 = arith.constant 0 : index
    %get3A_2 = vector.load %arg1[%get3A, %get3A_0, %get3A_1] : memref<2x1024x128xf32, #tpu.memory_space<vmem>>, vector<1x1024x128xf32>
    %get3A_3 = vector.shape_cast %get3A_2 : vector<1x1024x128xf32> to vector<1024x128xf32>
    %get3A_4 = arith.constant 1 : index
    %get3A_5 = arith.constant 0 : index
    %get3A_6 = arith.constant 0 : index
    %get3A_7 = vector.load %arg1[%get3A_4, %get3A_5, %get3A_6] : memref<2x1024x128xf32, #tpu.memory_space<vmem>>, vector<1x1024x128xf32>
    %get3A_8 = vector.shape_cast %get3A_7 : vector<1x1024x128xf32> to vector<1024x128xf32>
    %add3A = arith.addf %get3A_3, %get3A_8 : vector<1024x128xf32>
    %get3A_9 = arith.constant 0 : index
    %get3A_10 = arith.constant 0 : index
    %get3A_11 = vector.load %arg2[%get3A_9, %get3A_10] : memref<1024x128xf32, #tpu.memory_space<vmem>>, vector<1024x128xf32>
    %add3A_12 = arith.addf %add3A, %get3A_11 : vector<1024x128xf32>
    %get3A_13 = arith.constant 0 : index
    %get3A_14 = arith.constant 0 : index
    %get3A_15 = vector.load %arg3[%get3A_13, %get3A_14] : memref<1024x1xf32, #tpu.memory_space<vmem>>, vector<1024x1xf32>
    %mul3A = vector.broadcast %get3A_15 : vector<1024x1xf32> to vector<1024x128xf32>
    %mul3A_16 = arith.mulf %add3A_12, %mul3A : vector<1024x128xf32>
    %get3A_17 = arith.constant 0 : index
    %get3A_18 = arith.constant 0 : index
    %get3A_19 = vector.load %arg5[%get3A_17, %get3A_18] : memref<128x256xf32, #tpu.memory_space<vmem>>, vector<128x256xf32>
    %dot_general3A = arith.constant dense<0.000000e+00> : vector<1024x256xf32>
    %dot_general3A_20 = tpu.matmul %mul3A_16, %get3A_19, %dot_general3A {dimension_numbers = #tpu.dot_dimension_numbers<[1], [0], [0], [1], [0, 0, 1, 1], [], []>, transpose_lhs_hint = false} : vector<1024x128xf32>, vector<128x256xf32>, vector<1024x256xf32> -> vector<1024x256xf32>
    %get3A_21 = arith.constant 0 : index
    %get3A_22 = arith.constant 0 : index
    %get3A_23 = vector.load %arg6[%get3A_21, %get3A_22] : memref<1x256xf32, #tpu.memory_space<vmem>>, vector<1x256xf32>
    %add3A_24 = vector.broadcast %get3A_23 : vector<1x256xf32> to vector<1024x256xf32>
    %add3A_25 = arith.addf %dot_general3A_20, %add3A_24 : vector<1024x256xf32>
    %max3A = arith.constant 0.000000e+00 : f32
    %max3A_26 = vector.broadcast %max3A : f32 to vector<1024x256xf32>
    %max3A_27 = arith.maximumf %add3A_25, %max3A_26 : vector<1024x256xf32>
    %get3A_28 = arith.constant 0 : index
    %get3A_29 = arith.constant 0 : index
    %get3A_30 = vector.load %arg4[%get3A_28, %get3A_29] : memref<1024x1xf32, #tpu.memory_space<vmem>>, vector<1024x1xf32>
    %mul3A_31 = arith.mulf %get3A_15, %get3A_30 : vector<1024x1xf32>
    %mul3A_32 = vector.broadcast %mul3A_31 : vector<1024x1xf32> to vector<1024x256xf32>
    %mul3A_33 = arith.mulf %max3A_27, %mul3A_32 : vector<1024x256xf32>
    %get3A_34 = arith.constant 0 : index
    %get3A_35 = arith.constant 0 : index
    %get3A_36 = vector.load %arg7[%get3A_34, %get3A_35] : memref<256x128xf32, #tpu.memory_space<vmem>>, vector<256x128xf32>
    %dot_general3A_37 = arith.constant dense<0.000000e+00> : vector<1024x128xf32>
    %dot_general3A_38 = tpu.matmul %mul3A_33, %get3A_36, %dot_general3A_37 {dimension_numbers = #tpu.dot_dimension_numbers<[1], [0], [0], [1], [0, 0, 1, 1], [], []>, transpose_lhs_hint = false} : vector<1024x256xf32>, vector<256x128xf32>, vector<1024x128xf32> -> vector<1024x128xf32>
    %swap3A = arith.constant 0 : index
    %swap3A_39 = arith.constant 0 : index
    %swap3A_40 = vector.load %arg8[%swap3A, %swap3A_39] : memref<1024x128xf32, #tpu.memory_space<vmem>>, vector<1024x128xf32>
    tpu.vector_store %arg8[%swap3A, %swap3A_39], %dot_general3A_38 {strides = array<i32>} : memref<1024x128xf32, #tpu.memory_space<vmem>>, vector<1024x128xf32>,
    return
  }
  func.func @transform_0(%arg0: i32) -> (i32, i32, i32) {
    %c0_i32 = arith.constant 0 : i32
    %c0_i32_0 = arith.constant 0 : i32
    %c0_i32_1 = arith.constant 0 : i32
    return %c0_i32, %arg0, %c0_i32_0 : i32, i32, i32
  }
  func.func @transform_1(%arg0: i32) -> (i32, i32) {
    %c0_i32 = arith.constant 0 : i32
    %c0_i32_0 = arith.constant 0 : i32
    return %arg0, %c0_i32 : i32, i32
  }
  func.func @transform_2(%arg0: i32) -> (i32, i32) {
    %c0_i32 = arith.constant 0 : i32
    %c0_i32_0 = arith.constant 0 : i32
    return %arg0, %c0_i32 : i32, i32
  }
  func.func @transform_3(%arg0: i32) -> (i32, i32) {
    %c0_i32 = arith.constant 0 : i32
    %c0_i32_0 = arith.constant 0 : i32
    return %arg0, %c0_i32 : i32, i32
  }
  func.func @transform_4(%arg0: i32) -> (i32, i32) {
    %c0_i32 = arith.constant 0 : i32
    %c0_i32_0 = arith.constant 0 : i32
    %c0_i32_1 = arith.constant 0 : i32
    return %c0_i32, %c0_i32_0 : i32, i32
  }
  func.func @transform_5(%arg0: i32) -> (i32, i32) {
    %c0_i32 = arith.constant 0 : i32
    %c0_i32_0 = arith.constant 0 : i32
    %c0_i32_1 = arith.constant 0 : i32
    return %c0_i32, %c0_i32_0 : i32, i32
  }
  func.func @transform_6(%arg0: i32) -> (i32, i32) {
    %c0_i32 = arith.constant 0 : i32
    %c0_i32_0 = arith.constant 0 : i32
    %c0_i32_1 = arith.constant 0 : i32
    return %c0_i32, %c0_i32_0 : i32, i32
  }
  func.func @transform_7(%arg0: i32) -> (i32, i32) {
    %c0_i32 = arith.constant 0 : i32
    %c0_i32_0 = arith.constant 0 : i32
    return %arg0, %c0_i32 : i32, i32
  }
}

</mosaic_0001>

<sc_bundles>
// kernel: kernel.11.cloned.1.call-start
scs
__scs_entry_jumppad:
0x0: {  	(pc) =	sbr.rel $0x88, $3  }
0x1: {  	(tag) =	ssettag $0x0;
	lr =	simm.s32 $0x1  }
0x2: {  	[smem:$0x3F9B] =	sst lr;
	_ =	strace $0xD0000000  }
0x3: {  	_ = 	snop  }
0x4: {  	_ = 	snop  }
0x5: {  	_ = 	snop  }
0x6: {  	_ = 	snop  }
0x7: {  	_ = 	snop  }
__scs_overlays_trampoline_lowered:
0x8: {  	[smem:$0x3FAA] =	sst s0  }
0x9: {  	[smem:$0x3FAB] =	sst s1  }
0xa: {  	[smem:$0x3FAC] =	sst s2  }
0xb: {  	[smem:$0x3FAD] =	sst s3  }
0xc: {  	[smem:$0x3FAE] =	sst s4  }
0xd: {  	[smem:$0x3FAF] =	sst s5  }
0xe: {  	[smem:$0x3FB0] =	sst s6  }
0xf: {  	[smem:$0x3FB1] =	sst s7  }
0x10: {  	[smem:$0x3FB2] =	sst s8  }
0x11: {  	[smem:$0x3FB3] =	sst s9;
	s0 =	simm.s32 @!p0 $0x0  }
0x12: {  	s1 =	sld [smem:$0x3F99];
	s0 =	simm.s32 @p0 $0x1  }
0x13: {  	[smem:$0x3FB4] =	sst s0;
	s0 =	simm.s32 @!p1 $0x0  }
0x14: {  	s2 =	sld [smem:$0x3F98];
	s0 =	simm.s32 @p1 $0x1  }
0x15: {  	[smem:$0x3FB5] =	sst s0;
	s0 =	simm.s32 @!p2 $0x0  }
0x16: {  	s3 =	sld [smem:$0x3FDB];
	s0 =	simm.s32 @p2 $0x1  }
0x17: {  	s4 =	simm.s32 $0x1BF5;
	[smem:$0x3FB7] =	sst s0  }
0x18: {  	s0 =	sld [smem:$0x3F9A];
	_ =	swait.ge [sflag:s4], $0x0  }
0x19: {  	s7 =	sld [smem:$0x3F9B]  }
0x1a: {  	s8 =	sadd.s32 $0xFFFFE003, lr  }
0x1b: {  	s9 =	sadd.s32 $0xFFFFFEF7, lr;
	s5 =	simm.s32 $0xFFFFFFFF;
	p2 =	slt.u32 s8, $0xFFFFF086  }
0x1c: {  	p1 =	slt.u32 s9, $0xF7A;
	s5 =	simm.s32 @!p2 $0x0  }
0x1d: {  	s5 =	simm.s32 @p1 $0x1;
	p0 =	seq.s32 s7, s2  }
0x1e: {  	s7 =	smul.u32 @!p0 $0xF7A, s2;
	p2 =	seq.s32 @!p0 s5, $0x0  }
0x1f: {  	s9 =	smul.u32 $0xF7A, s1;
	s8 =	simm.s32 @!p0 $0x1BF5;
	p2 =	por !p2, p0  }
0x20: {  	[sflag:s8] =	ssyncset.s32 @!p0 $0xFFFFF086;
	s6 =	sadd.s32 @!p0 s3, s7;
	s7 =	simm.s32 @!p0 $0x108  }
0x21: {  	s3 =	sadd.s32 s3, s9;
	s6 =	sadd.s32 @!p0 $0x88, s6;
	s7 =	simm.s32 @p2 $0x1082  }
0x22: {  	[simem:s7], [sflag:s8] =	dma.local @!p0 [hbm:s6], $0xF7A  }
0x23: {  	s9 =	sor.u32 $0xD0000000, s2;
	s6 =	simm.s32 $0x108;
	_ =	swait.ge @!p0 [sflag:s8], $0x0  }
0x24: {  	s3 =	sadd.s32 $0x88, s3;
	s6 =	simm.s32 @!p1 $0x1082;
	[sflag:s4] =	ssyncset.s32 $0xFFFFF086  }
0x25: {  	[simem:s6], [sflag:s4] =	dma.local [hbm:s3], $0xF7A  }
0x26: {  	[smem:$0x3F9B] =	sst s1;
	(tag) =	ssettag s2;
	_ =	strace s9  }
0x27: {  	s1 =	sld [smem:$0x3FAB]  }
0x28: {  	s2 =	sld [smem:$0x3FAC]  }
0x29: {  	s4 =	sld [smem:$0x3FAE]  }
0x2a: {  	p0 =	seq.s32 s5, $0x0;
	s5 =	sld [smem:$0x3FAF]  }
0x2b: {  	s6 =	sld [smem:$0x3FB0]  }
0x2c: {  	s7 =	sld [smem:$0x3FB1]  }
0x2d: {  	s3 =	simm.s32 $0x108;
	s8 =	sld [smem:$0x3FB2]  }
0x2e: {  	s3 =	simm.s32 @!p0 $0x1082;
	s9 =	sld [smem:$0x3FB3]  }
0x2f: {  	lr =	sadd.s32 s0, s3;
	s0 =	sld [smem:$0x3FAA]  }
0x30: {  	s3 =	sld [smem:$0x3FAD]  }
0x31: {  	[smem:$0x3FB6] =	sst s10  }
0x32: {  	s10 =	sld [smem:$0x3FB4];
	_ =	sdelay $0x3  }
0x33: {  	p0 =	seq.s32 s10, $0x1;
	s10 =	sld [smem:$0x3FB6];
	_ =	sdelay $0x3  }
0x34: {  	[smem:$0x3FB6] =	sst s10  }
0x35: {  	s10 =	sld [smem:$0x3FB5];
	_ =	sdelay $0x3  }
0x36: {  	p1 =	seq.s32 s10, $0x1;
	s10 =	sld [smem:$0x3FB6];
	_ =	sdelay $0x3  }
0x37: {  	[smem:$0x3FB6] =	sst s10  }
0x38: {  	s10 =	sld [smem:$0x3FB7]  }
0x39: {  	_ = 	snop;
	(pc) =	sbr.ind lr, $3  }
0x3a: {  	_ = 	snop  }
0x3b: {  	_ = 	snop  }
0x3c: {  	p2 =	seq.s32 s10, $0x1;
	s10 =	sld [smem:$0x3FB6]  }
0x3d: {  	_ =	shalt  }
0x3e: {  	_ =	shalt  }
0x3f: {  	_ =	shalt  }
0x40: {  	_ =	shalt  }
0x41: {  	_ =	shalt  }
0x42: {  	_ =	shalt  }
0x43: {  	_ =	shalt  }
0x44: {  	_ =	shalt  }
0x45: {  	_ =	shalt  }
0x46: {  	_ =	shalt  }
0x47: {  	_ =	shalt  }
0x48: {  	_ =	shalt  }
0x49: {  	_ =	shalt  }
0x4a: {  	_ =	shalt  }
0x4b: {  	_ =	shalt  }
0x4c: {  	_ =	shalt  }
0x4d: {  	_ =	shalt  }
0x4e: {  	_ =	shalt  }
0x4f: {  	_ =	shalt  }
0x50: {  	_ =	shalt  }
0x51: {  	_ =	shalt  }
0x52: {  	_ =	shalt  }
0x53: {  	_ =	shalt  }
0x54: {  	_ =	shalt  }
0x55: {  	_ =	shalt  }
0x56: {  	_ =	shalt  }
0x57: {  	_ =	shalt  }
0x58: {  	_ =	shalt  }
0x59: {  	_ =	shalt  }
0x5a: {  	_ =	shalt  }
0x5b: {  	_ =	shalt  }
0x5c: {  	_ =	shalt  }
0x5d: {  	_ =	shalt  }
0x5e: {  	_ =	shalt  }
0x5f: {  	_ =	shalt  }
0x60: {  	_ =	shalt  }
0x61: {  	_ =	shalt  }
0x62: {  	_ =	shalt  }
0x63: {  	_ =	shalt  }
0x64: {  	_ =	shalt  }
0x65: {  	_ =	shalt  }
0x66: {  	_ =	shalt  }
0x67: {  	_ =	shalt  }
0x68: {  	_ =	shalt  }
0x69: {  	_ =	shalt  }
0x6a: {  	_ =	shalt  }
0x6b: {  	_ =	shalt  }
0x6c: {  	_ =	shalt  }
0x6d: {  	_ =	shalt  }
0x6e: {  	_ =	shalt  }
0x6f: {  	_ =	shalt  }
0x70: {  	_ =	shalt  }
0x71: {  	_ =	shalt  }
0x72: {  	_ =	shalt  }
0x73: {  	_ =	shalt  }
0x74: {  	_ =	shalt  }
0x75: {  	_ =	shalt  }
0x76: {  	_ =	shalt  }
0x77: {  	_ =	shalt  }
0x78: {  	_ =	shalt  }
0x79: {  	_ =	shalt  }
0x7a: {  	_ =	shalt  }
0x7b: {  	_ =	shalt  }
0x7c: {  	_ =	shalt  }
0x7d: {  	_ =	shalt  }
0x7e: {  	_ =	shalt  }
0x7f: {  	_ =	shalt  }
0x80: {  	_ =	shalt  }
0x81: {  	_ =	shalt  }
0x82: {  	_ =	shalt  }
0x83: {  	_ =	shalt  }
0x84: {  	_ =	shalt  }
0x85: {  	_ =	shalt  }
0x86: {  	_ =	shalt  }
0x87: {  	_ =	shalt  }
.Lfunc_end0:
.L_simem_size_0:
called_computation.1_lowered:
.L_overlay_start_0:
0x88: {  	s2 =	sld [smem:$0x3FD9]  }
0x89: {  	s3 =	sld [smem:$0x3FFE];
	_ =	sdelay $0x1  }
0x8a: {  	s1 =	srdreg.scid  }
0x8b: {  	s0 =	sand.u32 $0x1, s1  }
0x8c: {  	s17 =	sshll.u32 s0, $0xA;
	s2 =	sadd.s32 s3, s2  }
0x8d: {  	s2 =	sadd.s32 s2, s17  }
0x8e: {  	[smem:$0x3FC2] =	sst s2  }
0x8f: {  	_ = 	snop  }
0x90: {  	s2 =	sld [smem:$0x3FD0];
	(tm) =	ssettm $0x1  }
0x91: {  	s18 =	sld [smem:$0x3FFB];
	_ =	sdelay $0x3  }
0x92: {  	_ =	strace s18  }
0x93: {  	s3 =	sld [smem:$0x3FFC];
	_ =	sdelay $0x3  }
0x94: {  	_ =	strace s3  }
0x95: {  	s3 =	sld [smem:$0x3FFD];
	_ =	sdelay $0x3  }
0x96: {  	_ =	strace s3  }
0x97: {  	_ =	strace $0x8FFFFFFF  }
0x98: {  	s19 =	sld [smem:$0x3FDB];
	_ =	sdelay $0x1  }
0x99: {  	s4 =	simm.s32 $_scs_section_size  }
0x9a: {  	s5 =	simm.s32 $_size__tile_overlayer_lowered;
	s6 =	simm.s32 $_tile_overlayer_lowered  }
0x9b: {  	s22 =	simm.s32 $0x1BFF;
	s21 =	sshll.u32 s6, $0x1;
	s3 =	sadd.s32 s4, s19  }
0x9c: {  	s7 =	simm.s32 $0x0;
	s20 =	sshll.u32 s5, $0x1;
	s5 =	sadd.s32 s21, s3  }
0x9d: {  	[timem:s7], [sflag:s22] =	dma.local [hbm:s5], s20  }
0x9e: {  	_ =	swait.ge [sflag:s22], s20  }
0x9f: {  	s4 =	ssub.s32 $0x0, s20;
	[sflag:s22] =	ssyncset.done $0x0  }
0xa0: {  	[sflag:s22] =	ssyncadd.s32 s4;
	_ =	sdelay $0x1  }
0xa1: {  	s23 =	simm.s32 $0x1B8B  }
0xa2: {  	_ =	swait.ge [sflag:s23], $0x1  }
0xa3: {  	[sflag:s23] =	ssyncset.done $0x0  }
0xa4: {  	s25 =	simm.s32 $0x1B8E;
	s24 =	sld [smem:$0x3FFE];
	[sflag:s23] =	ssyncadd.s32 $0xFFFFFFFF  }
0xa5: {  	s26 =	simm.s32 $execute0_lowered;
	[smem:$0x3FD2] =	sst s25  }
0xa6: {  	s5 =	sshll.u32 s26, $0x1;
	_ =	strace $0x80000049;
	[dreg:$0x1] =	wrdreg $0xFFFFFFFF  }
0xa7: {  	s28 =	simm.s32 $_size_execute0_lowered;
	s3 =	sadd.s32 s3, s5;
	[dreg:$0x0] =	wrdreg $0x0  }
0xa8: {  	s5 =	sshll.u32 s28, $0x1;
	[dreg:$0x2] =	wrdreg s3  }
0xa9: {  	[dreg:$0x3] =	wrdreg s5  }
0xaa: {  	[dreg:$0x4] =	wrdreg $0xC0  }
0xab: {  	_ =	task [dreg:s7], $0x5FFFF  }
0xac: {  	[dreg:$0x1] =	wrdreg $0xFFFFFFFF  }
0xad: {  	[dreg:$0x0] =	wrdreg $0x60  }
0xae: {  	[dreg:$0x2] =	wrdreg s24  }
0xaf: {  	[dreg:$0x3] =	wrdreg s2  }
0xb0: {  	[dreg:$0x4] =	wrdreg $0x90000  }
0xb1: {  	[dreg:$0x5] =	wrdreg $0x9  }
0xb2: {  	_ =	task.clear_ibuf [dreg:s7], $0x6FFFF;
	_ =	strace $0x90000049  }
0xb3: {  	s29 =	simm.s32 $0x9;
	_ =	strace $0x8000004B  }
0xb4: {  	_ =	swait.ge [sflag:s29], $0x1  }
0xb5: {  	[sflag:s29] =	ssyncadd.s32 $0xFFFFFFFF  }
0xb6: {  	_ =	strace $0x9000004B  }
0xb7: {  	_ =	sfence  }
0xb8: {  	s30 =	sld [smem:$0x0];
	_ =	sdelay $0x2  }
0xb9: {  	s31 =	sshll.u32 s1, $0xD;
	s1 =	sshrl.u32 s1, $0x2  }
0xba: {  	s3 =	sand.u32 $0x4000, s31;
	s1 =	sadd.s32 s1, s30  }
0xbb: {  	s0 =	sor.u32 s3, s0;
	s1 =	sshll.u32 s1, $0x11  }
0xbc: {  	s0 =	sor.u32 s1, s0  }
0xbd: {  	s0 =	sadd.s32 $0x8F2B, s0  }
0xbe: {  	[sflag:s0] =	ssyncadd.remote.s32 $0x1  }
0xbf: {  	_ =	sfence.sel $0xFFFF  }
0xc0: {  	[dreg:$0x0] =	wrdreg $0xFFFFFFFF;
	(pc) =	sbr.abs _section_cstart, $3  }
0xc1: {  	[dreg:$0x1] =	wrdreg $0xFFFFFFFF  }
0xc2: {  	_ =	task.clear_ibuf [dreg:s7], $0x2FFFF;
	_ =	strace $0x9FFFFFFF  }
0xc3: {  	(tm) =	ssettm $0x7FFFFFFF  }
tec
execute0_lowered:
.L_overlay_start_1:
0x0: {  	(tag) =	ssettag $0x1  }
0x1: {  	s0 =	rddreg [dreg:$0x0]  }
0x2: {  	s1 =	rddreg [dreg:$0x1]  }
0x3: {  	s3 =	srdreg.scid;
	s10 =	stileid.u32  }
0x4: {  	s2 =	rddreg [dreg:$0x2];
	s13 =	simm.s32 $0x100;
	s14 =	simm.s32 $0x880  }
0x5: {  	s16 =	simm.s32 $0x180;
	s17 =	simm.s32 $0x900;
	s18 =	simm.s32 $0x200  }
0x6: {  	s20 =	simm.s32 $0x980;
	s5 =	sand.u32 $0x1, s3;
	s3 =	simm.s32 $0x0  }
0x7: {  	s21 =	simm.s32 $0x280;
	s9 =	sadd.s32 $0xC200, s0;
	[smem:$0x7FF] =	sst s3  }
0x8: {  	s22 =	simm.s32 $0xA00;
	_ =	strace $0x8000004A;
	[dreg:$0x12] =	wrdreg s9  }
0x9: {  	s23 =	simm.s32 $0x300;
	s28 =	simm.s32 $0x680;
	[dreg:$0x6] =	wrdreg s13  }
0xa: {  	s29 =	simm.s32 $0xE00;
	s4 =	smul.u32 $0x2800, s10;
	[dreg:$0x7] =	wrdreg s14  }
0xb: {  	s30 =	simm.s32 $0x700;
	s8 =	smul.u32 $0x14000, s10;
	[dreg:$0x8] =	wrdreg s16  }
0xc: {  	s31 =	simm.s32 $0xE80;
	s26 =	smul.u32 $0x50000, s10;
	[dreg:$0x9] =	wrdreg s17  }
0xd: {  	s15 =	sshll.u32 s10, $0x6;
	s10 =	simm.s32 $0x3;
	[dreg:$0xa] =	wrdreg s18  }
0xe: {  	s6 =	smul.u32 $0x140000, s5;
	p0 =	seq.s32 s5, $0x0;
	[dreg:$0xb] =	wrdreg s20  }
0xf: {  	s5 =	ssub.s32 $0x2, s5;
	s7 =	sadd.s32 $0x28000, s4;
	[dreg:$0xc] =	wrdreg s21  }
0x10: {  	s25 =	sshrl.u32 s5, $0x1;
	s12 =	sshrl.u32 s26, $0x2;
	[dreg:$0xd] =	wrdreg s22  }
0x11: {  	[dreg:$0xe] =	wrdreg s23;
	s13 =	simm.s32 $0x1000;
	s14 =	simm.s32 $0x5000  }
0x12: {  	s26 =	simm.s32 $0xB00;
	s16 =	simm.s32 $0x2;
	s17 =	simm.s32 $0x400  }
0x13: {  	s18 =	simm.s32 $0xB80;
	s20 =	simm.s32 $0xC00;
	s21 =	simm.s32 $0x500  }
0x14: {  	s22 =	simm.s32 $0xC80;
	s23 =	simm.s32 $0x580;
	s9 =	simm.s32 $0x0  }
0x15: {  	s7 =	smov.u32 @p0 s4;
	s6 =	sadd.s32 s8, s6;
	s4 =	sadd.s32 $0xEA00, s0  }
0x16: {  	s5 =	ssub.s32 s5, s25;
	s25 =	simm.s32 $0x380;
	[dreg:$0x11] =	wrdreg s26  }
0x17: {  	s26 =	simm.s32 $0xD80;
	s7 =	sshrl.u32 s7, $0x3;
	s6 =	sshrl.u32 s6, $0x3  }
0x18: {  	s19 =	smax.u32 s5, $0x1;
	[dreg:$0x10] =	wrdreg s25;
	s25 =	simm.s32 $0x600  }
0x19: {  	s5 =	simm.s32 $0xF80;
	s24 =	sadd.s32 s7, s0;
	s0 =	sadd.s32 s6, s0  }
0x1a: {  	s1 =	sadd.s32 s7, s1;
	s6 =	sadd.s32 s12, s2;
	[dreg:$0x15] =	wrdreg s19  }
0x1b: {  	s7 =	sor.u32 $0x1C03, s15;
	s12 =	simm.s32 $0x80;
	[dreg:$0x4] =	wrdreg s1  }
0x1c: {  	s15 =	simm.s32 $0x1;
	s11 =	sadd.s32 $0x1A00, s24;
	[dreg:$0x13] =	wrdreg s7  }
0x1d: {  	s19 =	simm.s32 $0x480;
	s0 =	sadd.s32 $0x36A00, s0;
	[dreg:$0x5] =	wrdreg s11  }
0x1e: {  	s8 =	sshrl.u32 s6, $0x3;
	s24 =	simm.s32 $0xA80;
	[dreg:$0x14] =	wrdreg s0  }
0x1f: {  	s1 =	simm.s32 $0x780;
	s11 =	simm.s32 $0x800;
	[dreg:$0xf] =	wrdreg s24  }
0x20: {  	s24 =	simm.s32 $0xD00;
	s0 =	simm.s32 $0xF00;
	[dreg:$0x16] =	wrdreg s8  }
.LBB2_1:
0x21: {  	[dreg:$0x17] =	wrdreg s9  }
0x22: {  	s6 =	rddreg [dreg:$0x12]  }
0x23: {  	[spmem:s8], [sflag:s7] =	dma.local [hbm:s6], $0x2800  }
0x24: {  	_ =	swait.ge [sflag:s10], $0x2800  }
0x25: {  	[sflag:s10] =	ssyncset.done $0x0  }
0x26: {  	[sflag:s10] =	ssyncadd.s32 $0xFFFFD800  }
0x27: {  	[bflag:$0x0] =	sbarrier.arrive $0xFFFF  }
0x28: {  	s8 =	rddreg [dreg:$0x5]  }
0x29: {  	s6 =	sadd.s32 $0x0, s8  }
0x2a: {  	[tilespmem:s3], [sflag:$0x3] =	stream.linear.gather [hbm4b:s6+s3], $0x800, $0x38;
	[tilespmem:$0x1D000] =	vst v63  }
0x2b: {  	_ =	swait.ge [sflag:s10], $0x800  }
0x2c: {  	s9 =	rddreg [dreg:$0x4];
	[sflag:s10] =	ssyncset.done $0x0  }
0x2d: {  	[sflag:s10] =	ssyncadd.s32 $0xFFFFF800;
	s6 =	sadd.s32 $0x0, s9  }
0x2e: {  	[tilespmem:s11], [sflag:$0x3] =	stream.linear.gather [hbm4b:s6+s3], $0x800, $0x38;
	[tilespmem:$0x1D000] =	vst v63  }
0x2f: {  	_ =	swait.ge [sflag:s10], $0x800  }
0x30: {  	[sflag:s10] =	ssyncset.done $0x0  }
0x31: {  	[sflag:s10] =	ssyncadd.s32 $0xFFFFF800  }
0x32: {  	[tilespmem:s13], [sflag:$0x1] =	stream.indirect.gather [hbm4b:s4+s12], $0x80, s3, s12, $0xb8;
	[tilespmem:$0x1D000] =	vst v63  }
0x33: {  	_ = 	snop  }
0x34: {  	[tilespmem:s14], [sflag:$0x2] =	stream.indirect.gather [hbm4b:s4+s12], $0x80, s12, s12, $0xb8;
	[tilespmem:$0x1D000] =	vst v63  }
0x35: {  	_ =	swait.ge [sflag:s15], $0x4000  }
0x36: {  	[sflag:s15] =	ssyncset.done $0x0  }
0x37: {  	[sflag:s15] =	ssyncadd.s32 $0xFFFFC000  }
0x38: {  	[spmem:s2] =	stream.indirect.scatter.add.f32 [tilespmem:s13], [sflag:$0x3], $0x80, s11, s12, $0xb8;
	[tilespmem:$0x1D000] =	vst v63  }
0x39: {  	_ =	swait.ge [sflag:s10], $0x4000  }
0x3a: {  	[sflag:s10] =	ssyncset.done $0x0  }
0x3b: {  	s7 =	rddreg [dreg:$0x6];
	[sflag:s10] =	ssyncadd.s32 $0xFFFFC000  }
0x3c: {  	[tilespmem:s13], [sflag:$0x1] =	stream.indirect.gather [hbm4b:s4+s12], $0x80, s7, s12, $0xb8;
	[tilespmem:$0x1D000] =	vst v63  }
0x3d: {  	_ =	swait.ge [sflag:s16], $0x4000  }
0x3e: {  	[sflag:s16] =	ssyncset.done $0x0  }
0x3f: {  	s8 =	rddreg [dreg:$0x7];
	[sflag:s16] =	ssyncadd.s32 $0xFFFFC000  }
0x40: {  	[spmem:s2] =	stream.indirect.scatter.add.f32 [tilespmem:s14], [sflag:$0x3], $0x80, s8, s12, $0xb8;
	[tilespmem:$0x1D000] =	vst v63  }
0x41: {  	_ =	swait.ge [sflag:s10], $0x4000  }
0x42: {  	[sflag:s10] =	ssyncset.done $0x0  }
0x43: {  	s9 =	rddreg [dreg:$0x8];
	[sflag:s10] =	ssyncadd.s32 $0xFFFFC000  }
0x44: {  	[tilespmem:s14], [sflag:$0x2] =	stream.indirect.gather [hbm4b:s4+s12], $0x80, s9, s12, $0xb8;
	[tilespmem:$0x1D000] =	vst v63  }
0x45: {  	_ =	swait.ge [sflag:s15], $0x4000  }
0x46: {  	[sflag:s15] =	ssyncset.done $0x0  }
0x47: {  	s7 =	rddreg [dreg:$0x9];
	[sflag:s15] =	ssyncadd.s32 $0xFFFFC000  }
0x48: {  	[spmem:s2] =	stream.indirect.scatter.add.f32 [tilespmem:s13], [sflag:$0x3], $0x80, s7, s12, $0xb8;
	[tilespmem:$0x1D000] =	vst v63  }
0x49: {  	_ =	swait.ge [sflag:s10], $0x4000  }
0x4a: {  	[sflag:s10] =	ssyncset.done $0x0  }
0x4b: {  	s8 =	rddreg [dreg:$0xa];
	[sflag:s10] =	ssyncadd.s32 $0xFFFFC000  }
0x4c: {  	[tilespmem:s13], [sflag:$0x1] =	stream.indirect.gather [hbm4b:s4+s12], $0x80, s8, s12, $0xb8;
	[tilespmem:$0x1D000] =	vst v63  }
0x4d: {  	_ =	swait.ge [sflag:s16], $0x4000  }
0x4e: {  	[sflag:s16] =	ssyncset.done $0x0  }
0x4f: {  	s9 =	rddreg [dreg:$0xb];
	[sflag:s16] =	ssyncadd.s32 $0xFFFFC000  }
0x50: {  	[spmem:s2] =	stream.indirect.scatter.add.f32 [tilespmem:s14], [sflag:$0x3], $0x80, s9, s12, $0xb8;
	[tilespmem:$0x1D000] =	vst v63  }
0x51: {  	_ =	swait.ge [sflag:s10], $0x4000  }
0x52: {  	[sflag:s10] =	ssyncset.done $0x0  }
0x53: {  	s7 =	rddreg [dreg:$0xc];
	[sflag:s10] =	ssyncadd.s32 $0xFFFFC000  }
0x54: {  	[tilespmem:s14], [sflag:$0x2] =	stream.indirect.gather [hbm4b:s4+s12], $0x80, s7, s12, $0xb8;
	[tilespmem:$0x1D000] =	vst v63  }
0x55: {  	_ =	swait.ge [sflag:s15], $0x4000  }
0x56: {  	[sflag:s15] =	ssyncset.done $0x0  }
0x57: {  	s8 =	rddreg [dreg:$0xd];
	[sflag:s15] =	ssyncadd.s32 $0xFFFFC000  }
0x58: {  	[spmem:s2] =	stream.indirect.scatter.add.f32 [tilespmem:s13], [sflag:$0x3], $0x80, s8, s12, $0xb8;
	[tilespmem:$0x1D000] =	vst v63  }
0x59: {  	_ =	swait.ge [sflag:s10], $0x4000  }
0x5a: {  	[sflag:s10] =	ssyncset.done $0x0  }
0x5b: {  	s9 =	rddreg [dreg:$0xe];
	[sflag:s10] =	ssyncadd.s32 $0xFFFFC000  }
0x5c: {  	[tilespmem:s13], [sflag:$0x1] =	stream.indirect.gather [hbm4b:s4+s12], $0x80, s9, s12, $0xb8;
	[tilespmem:$0x1D000] =	vst v63  }
0x5d: {  	_ =	swait.ge [sflag:s16], $0x4000  }
0x5e: {  	[sflag:s16] =	ssyncset.done $0x0  }
0x5f: {  	s7 =	rddreg [dreg:$0xf];
	[sflag:s16] =	ssyncadd.s32 $0xFFFFC000  }
0x60: {  	[spmem:s2] =	stream.indirect.scatter.add.f32 [tilespmem:s14], [sflag:$0x3], $0x80, s7, s12, $0xb8;
	[tilespmem:$0x1D000] =	vst v63  }
0x61: {  	_ =	swait.ge [sflag:s10], $0x4000  }
0x62: {  	[sflag:s10] =	ssyncset.done $0x0  }
0x63: {  	s8 =	rddreg [dreg:$0x10];
	[sflag:s10] =	ssyncadd.s32 $0xFFFFC000  }
0x64: {  	[tilespmem:s14], [sflag:$0x2] =	stream.indirect.gather [hbm4b:s4+s12], $0x80, s8, s12, $0xb8;
	[tilespmem:$0x1D000] =	vst v63  }
0x65: {  	_ =	swait.ge [sflag:s15], $0x4000  }
0x66: {  	[sflag:s15] =	ssyncset.done $0x0  }
0x67: {  	s9 =	rddreg [dreg:$0x11];
	[sflag:s15] =	ssyncadd.s32 $0xFFFFC000  }
0x68: {  	[spmem:s2] =	stream.indirect.scatter.add.f32 [tilespmem:s13], [sflag:$0x3], $0x80, s9, s12, $0xb8;
	[tilespmem:$0x1D000] =	vst v63  }
0x69: {  	_ =	swait.ge [sflag:s10], $0x4000  }
0x6a: {  	[sflag:s10] =	ssyncset.done $0x0  }
0x6b: {  	[sflag:s10] =	ssyncadd.s32 $0xFFFFC000  }
0x6c: {  	[tilespmem:s13], [sflag:$0x1] =	stream.indirect.gather [hbm4b:s4+s12], $0x80, s17, s12, $0xb8;
	[tilespmem:$0x1D000] =	vst v63  }
0x6d: {  	_ =	swait.ge [sflag:s16], $0x4000  }
0x6e: {  	[sflag:s16] =	ssyncset.done $0x0  }
0x6f: {  	[sflag:s16] =	ssyncadd.s32 $0xFFFFC000  }
0x70: {  	[spmem:s2] =	stream.indirect.scatter.add.f32 [tilespmem:s14], [sflag:$0x3], $0x80, s18, s12, $0xb8;
	[tilespmem:$0x1D000] =	vst v63  }
0x71: {  	_ =	swait.ge [sflag:s10], $0x4000  }
0x72: {  	[sflag:s10] =	ssyncset.done $0x0  }
0x73: {  	[sflag:s10] =	ssyncadd.s32 $0xFFFFC000  }
0x74: {  	[tilespmem:s14], [sflag:$0x2] =	stream.indirect.gather [hbm4b:s4+s12], $0x80, s19, s12, $0xb8;
	[tilespmem:$0x1D000] =	vst v63  }
0x75: {  	_ =	swait.ge [sflag:s15], $0x4000  }
0x76: {  	[sflag:s15] =	ssyncset.done $0x0  }
0x77: {  	[sflag:s15] =	ssyncadd.s32 $0xFFFFC000  }
0x78: {  	[spmem:s2] =	stream.indirect.scatter.add.f32 [tilespmem:s13], [sflag:$0x3], $0x80, s20, s12, $0xb8;
	[tilespmem:$0x1D000] =	vst v63  }
0x79: {  	_ =	swait.ge [sflag:s10], $0x4000  }
0x7a: {  	[sflag:s10] =	ssyncset.done $0x0  }
0x7b: {  	[sflag:s10] =	ssyncadd.s32 $0xFFFFC000  }
0x7c: {  	[tilespmem:s13], [sflag:$0x1] =	stream.indirect.gather [hbm4b:s4+s12], $0x80, s21, s12, $0xb8;
	[tilespmem:$0x1D000] =	vst v63  }
0x7d: {  	_ =	swait.ge [sflag:s16], $0x4000  }
0x7e: {  	[sflag:s16] =	ssyncset.done $0x0  }
0x7f: {  	[sflag:s16] =	ssyncadd.s32 $0xFFFFC000  }
0x80: {  	[spmem:s2] =	stream.indirect.scatter.add.f32 [tilespmem:s14], [sflag:$0x3], $0x80, s22, s12, $0xb8;
	[tilespmem:$0x1D000] =	vst v63  }
0x81: {  	_ =	swait.ge [sflag:s10], $0x4000  }
0x82: {  	[sflag:s10] =	ssyncset.done $0x0  }
0x83: {  	[sflag:s10] =	ssyncadd.s32 $0xFFFFC000  }
0x84: {  	[tilespmem:s14], [sflag:$0x2] =	stream.indirect.gather [hbm4b:s4+s12], $0x80, s23, s12, $0xb8;
	[tilespmem:$0x1D000] =	vst v63  }
0x85: {  	_ =	swait.ge [sflag:s15], $0x4000  }
0x86: {  	[sflag:s15] =	ssyncset.done $0x0  }
0x87: {  	[sflag:s15] =	ssyncadd.s32 $0xFFFFC000  }
0x88: {  	[spmem:s2] =	stream.indirect.scatter.add.f32 [tilespmem:s13], [sflag:$0x3], $0x80, s24, s12, $0xb8;
	[tilespmem:$0x1D000] =	vst v63  }
0x89: {  	_ =	swait.ge [sflag:s10], $0x4000  }
0x8a: {  	[sflag:s10] =	ssyncset.done $0x0  }
0x8b: {  	[sflag:s10] =	ssyncadd.s32 $0xFFFFC000  }
0x8c: {  	[tilespmem:s13], [sflag:$0x1] =	stream.indirect.gather [hbm4b:s4+s12], $0x80, s25, s12, $0xb8;
	[tilespmem:$0x1D000] =	vst v63  }
0x8d: {  	_ =	swait.ge [sflag:s16], $0x4000  }
0x8e: {  	[sflag:s16] =	ssyncset.done $0x0  }
0x8f: {  	[sflag:s16] =	ssyncadd.s32 $0xFFFFC000  }
0x90: {  	[spmem:s2] =	stream.indirect.scatter.add.f32 [tilespmem:s14], [sflag:$0x3], $0x80, s26, s12, $0xb8;
	[tilespmem:$0x1D000] =	vst v63  }
0x91: {  	_ =	swait.ge [sflag:s10], $0x4000  }
0x92: {  	[sflag:s10] =	ssyncset.done $0x0  }
0x93: {  	[sflag:s10] =	ssyncadd.s32 $0xFFFFC000  }
0x94: {  	[tilespmem:s14], [sflag:$0x2] =	stream.indirect.gather [hbm4b:s4+s12], $0x80, s28, s12, $0xb8;
	[tilespmem:$0x1D000] =	vst v63  }
0x95: {  	_ =	swait.ge [sflag:s15], $0x4000  }
0x96: {  	[sflag:s15] =	ssyncset.done $0x0  }
0x97: {  	[sflag:s15] =	ssyncadd.s32 $0xFFFFC000  }
0x98: {  	[spmem:s2] =	stream.indirect.scatter.add.f32 [tilespmem:s13], [sflag:$0x3], $0x80, s29, s12, $0xb8;
	[tilespmem:$0x1D000] =	vst v63  }
0x99: {  	_ =	swait.ge [sflag:s10], $0x4000  }
0x9a: {  	[sflag:s10] =	ssyncset.done $0x0  }
0x9b: {  	[sflag:s10] =	ssyncadd.s32 $0xFFFFC000  }
0x9c: {  	[tilespmem:s13], [sflag:$0x1] =	stream.indirect.gather [hbm4b:s4+s12], $0x80, s30, s12, $0xb8;
	[tilespmem:$0x1D000] =	vst v63  }
0x9d: {  	_ =	swait.ge [sflag:s16], $0x4000  }
0x9e: {  	[sflag:s16] =	ssyncset.done $0x0  }
0x9f: {  	[sflag:s16] =	ssyncadd.s32 $0xFFFFC000  }
0xa0: {  	[spmem:s2] =	stream.indirect.scatter.add.f32 [tilespmem:s14], [sflag:$0x3], $0x80, s31, s12, $0xb8;
	[tilespmem:$0x1D000] =	vst v63  }
0xa1: {  	_ =	swait.ge [sflag:s10], $0x4000  }
0xa2: {  	[sflag:s10] =	ssyncset.done $0x0  }
0xa3: {  	[sflag:s10] =	ssyncadd.s32 $0xFFFFC000  }
0xa4: {  	[tilespmem:s14], [sflag:$0x2] =	stream.indirect.gather [hbm4b:s4+s12], $0x80, s1, s12, $0xb8;
	[tilespmem:$0x1D000] =	vst v63  }
0xa5: {  	_ =	swait.ge [sflag:s15], $0x4000  }
0xa6: {  	[sflag:s15] =	ssyncset.done $0x0  }
0xa7: {  	[sflag:s15] =	ssyncadd.s32 $0xFFFFC000  }
0xa8: {  	[spmem:s2] =	stream.indirect.scatter.add.f32 [tilespmem:s13], [sflag:$0x3], $0x80, s0, s12, $0xb8;
	[tilespmem:$0x1D000] =	vst v63  }
0xa9: {  	_ =	swait.ge [sflag:s10], $0x4000  }
0xaa: {  	[sflag:s10] =	ssyncset.done $0x0  }
0xab: {  	[sflag:s10] =	ssyncadd.s32 $0xFFFFC000  }
0xac: {  	_ =	swait.ge [sflag:s16], $0x4000  }
0xad: {  	[sflag:s16] =	ssyncset.done $0x0  }
0xae: {  	[sflag:s16] =	ssyncadd.s32 $0xFFFFC000  }
0xaf: {  	[spmem:s2] =	stream.indirect.scatter.add.f32 [tilespmem:s14], [sflag:$0x3], $0x80, s5, s12, $0xb8;
	[tilespmem:$0x1D000] =	vst v63  }
0xb0: {  	s6 =	simm.s32 $0x200;
	_ =	swait.ge [sflag:s10], $0x4000  }
0xb1: {  	s8 =	simm.s32 $0x100;
	s9 =	rddreg [dreg:$0x5];
	[sflag:s10] =	ssyncset.done $0x0  }
.LBB2_2:
0xb2: {  	[sflag:s10] =	ssyncadd.s32 $0xFFFFC000;
	s9 =	sadd.s32 s8, s9  }
0xb3: {  	[tilespmem:s3], [sflag:$0x3] =	stream.linear.gather [hbm4b:s9+s3], $0x800, $0x38;
	[tilespmem:$0x1D000] =	vst v63  }
0xb4: {  	_ =	swait.ge [sflag:s10], $0x800  }
0xb5: {  	s9 =	rddreg [dreg:$0x4];
	[sflag:s10] =	ssyncset.done $0x0  }
0xb6: {  	[sflag:s10] =	ssyncadd.s32 $0xFFFFF800;
	s9 =	sadd.s32 s8, s9  }
0xb7: {  	[tilespmem:s11], [sflag:$0x3] =	stream.linear.gather [hbm4b:s9+s3], $0x800, $0x38;
	[tilespmem:$0x1D000] =	vst v63  }
0xb8: {  	_ =	swait.ge [sflag:s10], $0x800  }
0xb9: {  	[sflag:s10] =	ssyncset.done $0x0  }
0xba: {  	[sflag:s10] =	ssyncadd.s32 $0xFFFFF800  }
0xbb: {  	[tilespmem:s13], [sflag:$0x1] =	stream.indirect.gather [hbm4b:s4+s12], $0x80, s3, s12, $0xb8;
	[tilespmem:$0x1D000] =	vst v63  }
0xbc: {  	_ = 	snop  }
0xbd: {  	[tilespmem:s14], [sflag:$0x2] =	stream.indirect.gather [hbm4b:s4+s12], $0x80, s12, s12, $0xb8;
	[tilespmem:$0x1D000] =	vst v63  }
0xbe: {  	_ =	swait.ge [sflag:s15], $0x4000  }
0xbf: {  	[sflag:s15] =	ssyncset.done $0x0  }
0xc0: {  	[sflag:s15] =	ssyncadd.s32 $0xFFFFC000  }
0xc1: {  	[spmem:s2] =	stream.indirect.scatter.add.f32 [tilespmem:s13], [sflag:$0x3], $0x80, s11, s12, $0xb8;
	[tilespmem:$0x1D000] =	vst v63  }
0xc2: {  	_ =	swait.ge [sflag:s10], $0x4000  }
0xc3: {  	[sflag:s10] =	ssyncset.done $0x0  }
0xc4: {  	s9 =	rddreg [dreg:$0x6];
	[sflag:s10] =	ssyncadd.s32 $0xFFFFC000  }
0xc5: {  	[tilespmem:s13], [sflag:$0x1] =	stream.indirect.gather [hbm4b:s4+s12], $0x80, s9, s12, $0xb8;
	[tilespmem:$0x1D000] =	vst v63  }
0xc6: {  	_ =	swait.ge [sflag:s16], $0x4000  }
0xc7: {  	[sflag:s16] =	ssyncset.done $0x0  }
0xc8: {  	s9 =	rddreg [dreg:$0x7];
	[sflag:s16] =	ssyncadd.s32 $0xFFFFC000  }
0xc9: {  	[spmem:s2] =	stream.indirect.scatter.add.f32 [tilespmem:s14], [sflag:$0x3], $0x80, s9, s12, $0xb8;
	[tilespmem:$0x1D000] =	vst v63  }
0xca: {  	_ =	swait.ge [sflag:s10], $0x4000  }
0xcb: {  	[sflag:s10] =	ssyncset.done $0x0  }
0xcc: {  	s9 =	rddreg [dreg:$0x8];
	[sflag:s10] =	ssyncadd.s32 $0xFFFFC000  }
0xcd: {  	[tilespmem:s14], [sflag:$0x2] =	stream.indirect.gather [hbm4b:s4+s12], $0x80, s9, s12, $0xb8;
	[tilespmem:$0x1D000] =	vst v63  }
0xce: {  	_ =	swait.ge [sflag:s15], $0x4000  }
0xcf: {  	[sflag:s15] =	ssyncset.done $0x0  }
0xd0: {  	s9 =	rddreg [dreg:$0x9];
	[sflag:s15] =	ssyncadd.s32 $0xFFFFC000  }
0xd1: {  	[spmem:s2] =	stream.indirect.scatter.add.f32 [tilespmem:s13], [sflag:$0x3], $0x80, s9, s12, $0xb8;
	[tilespmem:$0x1D000] =	vst v63  }
0xd2: {  	_ =	swait.ge [sflag:s10], $0x4000  }
0xd3: {  	[sflag:s10] =	ssyncset.done $0x0  }
0xd4: {  	s9 =	rddreg [dreg:$0xa];
	[sflag:s10] =	ssyncadd.s32 $0xFFFFC000  }
0xd5: {  	[tilespmem:s13], [sflag:$0x1] =	stream.indirect.gather [hbm4b:s4+s12], $0x80, s9, s12, $0xb8;
	[tilespmem:$0x1D000] =	vst v63  }
0xd6: {  	_ =	swait.ge [sflag:s16], $0x4000  }
0xd7: {  	[sflag:s16] =	ssyncset.done $0x0  }
0xd8: {  	s9 =	rddreg [dreg:$0xb];
	[sflag:s16] =	ssyncadd.s32 $0xFFFFC000  }
0xd9: {  	[spmem:s2] =	stream.indirect.scatter.add.f32 [tilespmem:s14], [sflag:$0x3], $0x80, s9, s12, $0xb8;
	[tilespmem:$0x1D000] =	vst v63  }
0xda: {  	_ =	swait.ge [sflag:s10], $0x4000  }
0xdb: {  	[sflag:s10] =	ssyncset.done $0x0  }
0xdc: {  	s9 =	rddreg [dreg:$0xc];
	[sflag:s10] =	ssyncadd.s32 $0xFFFFC000  }
0xdd: {  	[tilespmem:s14], [sflag:$0x2] =	stream.indirect.gather [hbm4b:s4+s12], $0x80, s9, s12, $0xb8;
	[tilespmem:$0x1D000] =	vst v63  }
0xde: {  	_ =	swait.ge [sflag:s15], $0x4000  }
0xdf: {  	[sflag:s15] =	ssyncset.done $0x0  }
0xe0: {  	s9 =	rddreg [dreg:$0xd];
	[sflag:s15] =	ssyncadd.s32 $0xFFFFC000  }
0xe1: {  	[spmem:s2] =	stream.indirect.scatter.add.f32 [tilespmem:s13], [sflag:$0x3], $0x80, s9, s12, $0xb8;
	[tilespmem:$0x1D000] =	vst v63  }
0xe2: {  	_ =	swait.ge [sflag:s10], $0x4000  }
0xe3: {  	[sflag:s10] =	ssyncset.done $0x0  }
0xe4: {  	s9 =	rddreg [dreg:$0xe];
	[sflag:s10] =	ssyncadd.s32 $0xFFFFC000  }
0xe5: {  	[tilespmem:s13], [sflag:$0x1] =	stream.indirect.gather [hbm4b:s4+s12], $0x80, s9, s12, $0xb8;
	[tilespmem:$0x1D000] =	vst v63  }
0xe6: {  	_ =	swait.ge [sflag:s16], $0x4000  }
0xe7: {  	[sflag:s16] =	ssyncset.done $0x0  }
0xe8: {  	s9 =	rddreg [dreg:$0xf];
	[sflag:s16] =	ssyncadd.s32 $0xFFFFC000  }
0xe9: {  	[spmem:s2] =	stream.indirect.scatter.add.f32 [tilespmem:s14], [sflag:$0x3], $0x80, s9, s12, $0xb8;
	[tilespmem:$0x1D000] =	vst v63  }
0xea: {  	_ =	swait.ge [sflag:s10], $0x4000  }
0xeb: {  	[sflag:s10] =	ssyncset.done $0x0  }
0xec: {  	s9 =	rddreg [dreg:$0x10];
	[sflag:s10] =	ssyncadd.s32 $0xFFFFC000  }
0xed: {  	[tilespmem:s14], [sflag:$0x2] =	stream.indirect.gather [hbm4b:s4+s12], $0x80, s9, s12, $0xb8;
	[tilespmem:$0x1D000] =	vst v63  }
0xee: {  	_ =	swait.ge [sflag:s15], $0x4000  }
0xef: {  	[sflag:s15] =	ssyncset.done $0x0  }
0xf0: {  	s9 =	rddreg [dreg:$0x11];
	[sflag:s15] =	ssyncadd.s32 $0xFFFFC000  }
0xf1: {  	[spmem:s2] =	stream.indirect.scatter.add.f32 [tilespmem:s13], [sflag:$0x3], $0x80, s9, s12, $0xb8;
	[tilespmem:$0x1D000] =	vst v63  }
0xf2: {  	_ =	swait.ge [sflag:s10], $0x4000  }
0xf3: {  	[sflag:s10] =	ssyncset.done $0x0  }
0xf4: {  	[sflag:s10] =	ssyncadd.s32 $0xFFFFC000  }
0xf5: {  	[tilespmem:s13], [sflag:$0x1] =	stream.indirect.gather [hbm4b:s4+s12], $0x80, s17, s12, $0xb8;
	[tilespmem:$0x1D000] =	vst v63  }
0xf6: {  	_ =	swait.ge [sflag:s16], $0x4000  }
0xf7: {  	[sflag:s16] =	ssyncset.done $0x0  }
0xf8: {  	[sflag:s16] =	ssyncadd.s32 $0xFFFFC000  }
0xf9: {  	[spmem:s2] =	stream.indirect.scatter.add.f32 [tilespmem:s14], [sflag:$0x3], $0x80, s18, s12, $0xb8;
	[tilespmem:$0x1D000] =	vst v63  }
0xfa: {  	_ =	swait.ge [sflag:s10], $0x4000  }
0xfb: {  	[sflag:s10] =	ssyncset.done $0x0  }
0xfc: {  	[sflag:s10] =	ssyncadd.s32 $0xFFFFC000  }
0xfd: {  	[tilespmem:s14], [sflag:$0x2] =	stream.indirect.gather [hbm4b:s4+s12], $0x80, s19, s12, $0xb8;
	[tilespmem:$0x1D000] =	vst v63  }
0xfe: {  	_ =	swait.ge [sflag:s15], $0x4000  }
0xff: {  	[sflag:s15] =	ssyncset.done $0x0  }
0x100: {  	[sflag:s15] =	ssyncadd.s32 $0xFFFFC000  }
0x101: {  	[spmem:s2] =	stream.indirect.scatter.add.f32 [tilespmem:s13], [sflag:$0x3], $0x80, s20, s12, $0xb8;
	[tilespmem:$0x1D000] =	vst v63  }
0x102: {  	_ =	swait.ge [sflag:s10], $0x4000  }
0x103: {  	[sflag:s10] =	ssyncset.done $0x0  }
0x104: {  	[sflag:s10] =	ssyncadd.s32 $0xFFFFC000  }
0x105: {  	[tilespmem:s13], [sflag:$0x1] =	stream.indirect.gather [hbm4b:s4+s12], $0x80, s21, s12, $0xb8;
	[tilespmem:$0x1D000] =	vst v63  }
0x106: {  	_ =	swait.ge [sflag:s16], $0x4000  }
0x107: {  	[sflag:s16] =	ssyncset.done $0x0  }
0x108: {  	[sflag:s16] =	ssyncadd.s32 $0xFFFFC000  }
0x109: {  	[spmem:s2] =	stream.indirect.scatter.add.f32 [tilespmem:s14], [sflag:$0x3], $0x80, s22, s12, $0xb8;
	[tilespmem:$0x1D000] =	vst v63  }
0x10a: {  	_ =	swait.ge [sflag:s10], $0x4000  }
0x10b: {  	[sflag:s10] =	ssyncset.done $0x0  }
0x10c: {  	[sflag:s10] =	ssyncadd.s32 $0xFFFFC000  }
0x10d: {  	[tilespmem:s14], [sflag:$0x2] =	stream.indirect.gather [hbm4b:s4+s12], $0x80, s23, s12, $0xb8;
	[tilespmem:$0x1D000] =	vst v63  }
0x10e: {  	_ =	swait.ge [sflag:s15], $0x4000  }
0x10f: {  	[sflag:s15] =	ssyncset.done $0x0  }
0x110: {  	[sflag:s15] =	ssyncadd.s32 $0xFFFFC000  }
0x111: {  	[spmem:s2] =	stream.indirect.scatter.add.f32 [tilespmem:s13], [sflag:$0x3], $0x80, s24, s12, $0xb8;
	[tilespmem:$0x1D000] =	vst v63  }
0x112: {  	_ =	swait.ge [sflag:s10], $0x4000  }
0x113: {  	[sflag:s10] =	ssyncset.done $0x0  }
0x114: {  	[sflag:s10] =	ssyncadd.s32 $0xFFFFC000  }
0x115: {  	[tilespmem:s13], [sflag:$0x1] =	stream.indirect.gather [hbm4b:s4+s12], $0x80, s25, s12, $0xb8;
	[tilespmem:$0x1D000] =	vst v63  }
0x116: {  	_ =	swait.ge [sflag:s16], $0x4000  }
0x117: {  	[sflag:s16] =	ssyncset.done $0x0  }
0x118: {  	[sflag:s16] =	ssyncadd.s32 $0xFFFFC000  }
0x119: {  	[spmem:s2] =	stream.indirect.scatter.add.f32 [tilespmem:s14], [sflag:$0x3], $0x80, s26, s12, $0xb8;
	[tilespmem:$0x1D000] =	vst v63  }
0x11a: {  	_ =	swait.ge [sflag:s10], $0x4000  }
0x11b: {  	[sflag:s10] =	ssyncset.done $0x0  }
0x11c: {  	[sflag:s10] =	ssyncadd.s32 $0xFFFFC000  }
0x11d: {  	[tilespmem:s14], [sflag:$0x2] =	stream.indirect.gather [hbm4b:s4+s12], $0x80, s28, s12, $0xb8;
	[tilespmem:$0x1D000] =	vst v63  }
0x11e: {  	_ =	swait.ge [sflag:s15], $0x4000  }
0x11f: {  	[sflag:s15] =	ssyncset.done $0x0  }
0x120: {  	[sflag:s15] =	ssyncadd.s32 $0xFFFFC000  }
0x121: {  	[spmem:s2] =	stream.indirect.scatter.add.f32 [tilespmem:s13], [sflag:$0x3], $0x80, s29, s12, $0xb8;
	[tilespmem:$0x1D000] =	vst v63  }
0x122: {  	_ =	swait.ge [sflag:s10], $0x4000  }
0x123: {  	[sflag:s10] =	ssyncset.done $0x0  }
0x124: {  	[sflag:s10] =	ssyncadd.s32 $0xFFFFC000  }
0x125: {  	[tilespmem:s13], [sflag:$0x1] =	stream.indirect.gather [hbm4b:s4+s12], $0x80, s30, s12, $0xb8;
	[tilespmem:$0x1D000] =	vst v63  }
0x126: {  	_ =	swait.ge [sflag:s16], $0x4000  }
0x127: {  	[sflag:s16] =	ssyncset.done $0x0  }
0x128: {  	[sflag:s16] =	ssyncadd.s32 $0xFFFFC000  }
0x129: {  	[spmem:s2] =	stream.indirect.scatter.add.f32 [tilespmem:s14], [sflag:$0x3], $0x80, s31, s12, $0xb8;
	[tilespmem:$0x1D000] =	vst v63  }
0x12a: {  	_ =	swait.ge [sflag:s10], $0x4000  }
0x12b: {  	[sflag:s10] =	ssyncset.done $0x0  }
0x12c: {  	[sflag:s10] =	ssyncadd.s32 $0xFFFFC000  }
0x12d: {  	[tilespmem:s14], [sflag:$0x2] =	stream.indirect.gather [hbm4b:s4+s12], $0x80, s1, s12, $0xb8;
	[tilespmem:$0x1D000] =	vst v63  }
0x12e: {  	_ =	swait.ge [sflag:s15], $0x4000  }
0x12f: {  	[sflag:s15] =	ssyncset.done $0x0  }
0x130: {  	[sflag:s15] =	ssyncadd.s32 $0xFFFFC000  }
0x131: {  	[spmem:s2] =	stream.indirect.scatter.add.f32 [tilespmem:s13], [sflag:$0x3], $0x80, s0, s12, $0xb8;
	[tilespmem:$0x1D000] =	vst v63  }
0x132: {  	_ =	swait.ge [sflag:s10], $0x4000  }
0x133: {  	[sflag:s10] =	ssyncset.done $0x0  }
0x134: {  	[sflag:s10] =	ssyncadd.s32 $0xFFFFC000  }
0x135: {  	p0 =	sne.s32 s6, $0x400;
	_ =	swait.ge [sflag:s16], $0x4000  }
.Ltmp0:
0x136: {  	[sflag:s16] =	ssyncset.done $0x0;
	(pc) =	sbr.rel @p0 .LBB2_2-.Ltmp0, $4  }
0x137: {  	[sflag:s16] =	ssyncadd.s32 $0xFFFFC000  }
0x138: {  	[spmem:s2] =	stream.indirect.scatter.add.f32 [tilespmem:s14], [sflag:$0x3], $0x80, s5, s12, $0xb8;
	[tilespmem:$0x1D000] =	vst v63  }
0x139: {  	s7 =	smov.u32 s6;
	s6 =	sadd.s32 $0x100, s6;
	_ =	swait.ge [sflag:s10], $0x4000  }
0x13a: {  	s8 =	smov.u32 s7;
	s9 =	rddreg [dreg:$0x5];
	[sflag:s10] =	ssyncset.done $0x0  }
0x13b: {  	[sflag:s10] =	ssyncadd.s32 $0xFFFFC000;
	s6 =	sadd.s32 s8, s9  }
0x13c: {  	[tilespmem:s3], [sflag:$0x3] =	stream.linear.gather [hbm4b:s6+s3], $0x800, $0x38;
	[tilespmem:$0x1D000] =	vst v63  }
0x13d: {  	_ =	swait.ge [sflag:s10], $0x800  }
0x13e: {  	s7 =	rddreg [dreg:$0x4];
	[sflag:s10] =	ssyncset.done $0x0  }
0x13f: {  	s6 =	sadd.s32 s8, s7;
	[sflag:s10] =	ssyncadd.s32 $0xFFFFF800  }
0x140: {  	[tilespmem:s11], [sflag:$0x3] =	stream.linear.gather [hbm4b:s6+s3], $0x800, $0x38;
	[tilespmem:$0x1D000] =	vst v63  }
0x141: {  	_ =	swait.ge [sflag:s10], $0x800  }
0x142: {  	[sflag:s10] =	ssyncset.done $0x0  }
0x143: {  	[sflag:s10] =	ssyncadd.s32 $0xFFFFF800  }
0x144: {  	[tilespmem:s13], [sflag:$0x1] =	stream.indirect.gather [hbm4b:s4+s12], $0x80, s3, s12, $0xb8;
	[tilespmem:$0x1D000] =	vst v63  }
0x145: {  	_ = 	snop  }
0x146: {  	[tilespmem:s14], [sflag:$0x2] =	stream.indirect.gather [hbm4b:s4+s12], $0x80, s12, s12, $0xb8;
	[tilespmem:$0x1D000] =	vst v63  }
0x147: {  	_ =	swait.ge [sflag:s15], $0x4000  }
0x148: {  	[sflag:s15] =	ssyncset.done $0x0  }
0x149: {  	[sflag:s15] =	ssyncadd.s32 $0xFFFFC000  }
0x14a: {  	[spmem:s2] =	stream.indirect.scatter.add.f32 [tilespmem:s13], [sflag:$0x3], $0x80, s11, s12, $0xb8;
	[tilespmem:$0x1D000] =	vst v63  }
0x14b: {  	_ =	swait.ge [sflag:s10], $0x4000  }
0x14c: {  	[sflag:s10] =	ssyncset.done $0x0  }
0x14d: {  	s9 =	rddreg [dreg:$0x6];
	[sflag:s10] =	ssyncadd.s32 $0xFFFFC000  }
0x14e: {  	[tilespmem:s13], [sflag:$0x1] =	stream.indirect.gather [hbm4b:s4+s12], $0x80, s9, s12, $0xb8;
	[tilespmem:$0x1D000] =	vst v63  }
0x14f: {  	_ =	swait.ge [sflag:s16], $0x4000  }
0x150: {  	[sflag:s16] =	ssyncset.done $0x0  }
0x151: {  	s7 =	rddreg [dreg:$0x7];
	[sflag:s16] =	ssyncadd.s32 $0xFFFFC000  }
0x152: {  	[spmem:s2] =	stream.indirect.scatter.add.f32 [tilespmem:s14], [sflag:$0x3], $0x80, s7, s12, $0xb8;
	[tilespmem:$0x1D000] =	vst v63  }
0x153: {  	_ =	swait.ge [sflag:s10], $0x4000  }
0x154: {  	[sflag:s10] =	ssyncset.done $0x0  }
0x155: {  	s8 =	rddreg [dreg:$0x8];
	[sflag:s10] =	ssyncadd.s32 $0xFFFFC000  }
0x156: {  	[tilespmem:s14], [sflag:$0x2] =	stream.indirect.gather [hbm4b:s4+s12], $0x80, s8, s12, $0xb8;
	[tilespmem:$0x1D000] =	vst v63  }
0x157: {  	_ =	swait.ge [sflag:s15], $0x4000  }
0x158: {  	[sflag:s15] =	ssyncset.done $0x0  }
0x159: {  	s9 =	rddreg [dreg:$0x9];
	[sflag:s15] =	ssyncadd.s32 $0xFFFFC000  }
0x15a: {  	[spmem:s2] =	stream.indirect.scatter.add.f32 [tilespmem:s13], [sflag:$0x3], $0x80, s9, s12, $0xb8;
	[tilespmem:$0x1D000] =	vst v63  }
0x15b: {  	_ =	swait.ge [sflag:s10], $0x4000  }
0x15c: {  	[sflag:s10] =	ssyncset.done $0x0  }
0x15d: {  	s7 =	rddreg [dreg:$0xa];
	[sflag:s10] =	ssyncadd.s32 $0xFFFFC000  }
0x15e: {  	[tilespmem:s13], [sflag:$0x1] =	stream.indirect.gather [hbm4b:s4+s12], $0x80, s7, s12, $0xb8;
	[tilespmem:$0x1D000] =	vst v63  }
0x15f: {  	_ =	swait.ge [sflag:s16], $0x4000  }
0x160: {  	[sflag:s16] =	ssyncset.done $0x0  }
0x161: {  	s8 =	rddreg [dreg:$0xb];
	[sflag:s16] =	ssyncadd.s32 $0xFFFFC000  }
0x162: {  	[spmem:s2] =	stream.indirect.scatter.add.f32 [tilespmem:s14], [sflag:$0x3], $0x80, s8, s12, $0xb8;
	[tilespmem:$0x1D000] =	vst v63  }
0x163: {  	_ =	swait.ge [sflag:s10], $0x4000  }
0x164: {  	[sflag:s10] =	ssyncset.done $0x0  }
0x165: {  	s9 =	rddreg [dreg:$0xc];
	[sflag:s10] =	ssyncadd.s32 $0xFFFFC000  }
0x166: {  	[tilespmem:s14], [sflag:$0x2] =	stream.indirect.gather [hbm4b:s4+s12], $0x80, s9, s12, $0xb8;
	[tilespmem:$0x1D000] =	vst v63  }
0x167: {  	_ =	swait.ge [sflag:s15], $0x4000  }
0x168: {  	[sflag:s15] =	ssyncset.done $0x0  }
0x169: {  	s7 =	rddreg [dreg:$0xd];
	[sflag:s15] =	ssyncadd.s32 $0xFFFFC000  }
0x16a: {  	[spmem:s2] =	stream.indirect.scatter.add.f32 [tilespmem:s13], [sflag:$0x3], $0x80, s7, s12, $0xb8;
	[tilespmem:$0x1D000] =	vst v63  }
0x16b: {  	_ =	swait.ge [sflag:s10], $0x4000  }
0x16c: {  	[sflag:s10] =	ssyncset.done $0x0  }
0x16d: {  	s8 =	rddreg [dreg:$0xe];
	[sflag:s10] =	ssyncadd.s32 $0xFFFFC000  }
0x16e: {  	[tilespmem:s13], [sflag:$0x1] =	stream.indirect.gather [hbm4b:s4+s12], $0x80, s8, s12, $0xb8;
	[tilespmem:$0x1D000] =	vst v63  }
0x16f: {  	_ =	swait.ge [sflag:s16], $0x4000  }
0x170: {  	[sflag:s16] =	ssyncset.done $0x0  }
0x171: {  	s9 =	rddreg [dreg:$0xf];
	[sflag:s16] =	ssyncadd.s32 $0xFFFFC000  }
0x172: {  	[spmem:s2] =	stream.indirect.scatter.add.f32 [tilespmem:s14], [sflag:$0x3], $0x80, s9, s12, $0xb8;
	[tilespmem:$0x1D000] =	vst v63  }
0x173: {  	_ =	swait.ge [sflag:s10], $0x4000  }
0x174: {  	[sflag:s10] =	ssyncset.done $0x0  }
0x175: {  	s7 =	rddreg [dreg:$0x10];
	[sflag:s10] =	ssyncadd.s32 $0xFFFFC000  }
0x176: {  	[tilespmem:s14], [sflag:$0x2] =	stream.indirect.gather [hbm4b:s4+s12], $0x80, s7, s12, $0xb8;
	[tilespmem:$0x1D000] =	vst v63  }
0x177: {  	_ =	swait.ge [sflag:s15], $0x4000  }
0x178: {  	[sflag:s15] =	ssyncset.done $0x0  }
0x179: {  	s8 =	rddreg [dreg:$0x11];
	[sflag:s15] =	ssyncadd.s32 $0xFFFFC000  }
0x17a: {  	[spmem:s2] =	stream.indirect.scatter.add.f32 [tilespmem:s13], [sflag:$0x3], $0x80, s8, s12, $0xb8;
	[tilespmem:$0x1D000] =	vst v63  }
0x17b: {  	_ =	swait.ge [sflag:s10], $0x4000  }
0x17c: {  	[sflag:s10] =	ssyncset.done $0x0  }
0x17d: {  	[sflag:s10] =	ssyncadd.s32 $0xFFFFC000  }
0x17e: {  	[tilespmem:s13], [sflag:$0x1] =	stream.indirect.gather [hbm4b:s4+s12], $0x80, s17, s12, $0xb8;
	[tilespmem:$0x1D000] =	vst v63  }
0x17f: {  	_ =	swait.ge [sflag:s16], $0x4000  }
0x180: {  	[sflag:s16] =	ssyncset.done $0x0  }
0x181: {  	[sflag:s16] =	ssyncadd.s32 $0xFFFFC000  }
0x182: {  	[spmem:s2] =	stream.indirect.scatter.add.f32 [tilespmem:s14], [sflag:$0x3], $0x80, s18, s12, $0xb8;
	[tilespmem:$0x1D000] =	vst v63  }
0x183: {  	_ =	swait.ge [sflag:s10], $0x4000  }
0x184: {  	[sflag:s10] =	ssyncset.done $0x0  }
0x185: {  	[sflag:s10] =	ssyncadd.s32 $0xFFFFC000  }
0x186: {  	[tilespmem:s14], [sflag:$0x2] =	stream.indirect.gather [hbm4b:s4+s12], $0x80, s19, s12, $0xb8;
	[tilespmem:$0x1D000] =	vst v63  }
0x187: {  	_ =	swait.ge [sflag:s15], $0x4000  }
0x188: {  	[sflag:s15] =	ssyncset.done $0x0  }
0x189: {  	[sflag:s15] =	ssyncadd.s32 $0xFFFFC000  }
0x18a: {  	[spmem:s2] =	stream.indirect.scatter.add.f32 [tilespmem:s13], [sflag:$0x3], $0x80, s20, s12, $0xb8;
	[tilespmem:$0x1D000] =	vst v63  }
0x18b: {  	_ =	swait.ge [sflag:s10], $0x4000  }
0x18c: {  	[sflag:s10] =	ssyncset.done $0x0  }
0x18d: {  	[sflag:s10] =	ssyncadd.s32 $0xFFFFC000  }
0x18e: {  	[tilespmem:s13], [sflag:$0x1] =	stream.indirect.gather [hbm4b:s4+s12], $0x80, s21, s12, $0xb8;
	[tilespmem:$0x1D000] =	vst v63  }
0x18f: {  	_ =	swait.ge [sflag:s16], $0x4000  }
0x190: {  	[sflag:s16] =	ssyncset.done $0x0  }
0x191: {  	[sflag:s16] =	ssyncadd.s32 $0xFFFFC000  }
0x192: {  	[spmem:s2] =	stream.indirect.scatter.add.f32 [tilespmem:s14], [sflag:$0x3], $0x80, s22, s12, $0xb8;
	[tilespmem:$0x1D000] =	vst v63  }
0x193: {  	_ =	swait.ge [sflag:s10], $0x4000  }
0x194: {  	[sflag:s10] =	ssyncset.done $0x0  }
0x195: {  	[sflag:s10] =	ssyncadd.s32 $0xFFFFC000  }
0x196: {  	[tilespmem:s14], [sflag:$0x2] =	stream.indirect.gather [hbm4b:s4+s12], $0x80, s23, s12, $0xb8;
	[tilespmem:$0x1D000] =	vst v63  }
0x197: {  	_ =	swait.ge [sflag:s15], $0x4000  }
0x198: {  	[sflag:s15] =	ssyncset.done $0x0  }
0x199: {  	[sflag:s15] =	ssyncadd.s32 $0xFFFFC000  }
0x19a: {  	[spmem:s2] =	stream.indirect.scatter.add.f32 [tilespmem:s13], [sflag:$0x3], $0x80, s24, s12, $0xb8;
	[tilespmem:$0x1D000] =	vst v63  }
0x19b: {  	_ =	swait.ge [sflag:s10], $0x4000  }
0x19c: {  	[sflag:s10] =	ssyncset.done $0x0  }
0x19d: {  	[sflag:s10] =	ssyncadd.s32 $0xFFFFC000  }
0x19e: {  	[tilespmem:s13], [sflag:$0x1] =	stream.indirect.gather [hbm4b:s4+s12], $0x80, s25, s12, $0xb8;
	[tilespmem:$0x1D000] =	vst v63  }
0x19f: {  	_ =	swait.ge [sflag:s16], $0x4000  }
0x1a0: {  	[sflag:s16] =	ssyncset.done $0x0  }
0x1a1: {  	[sflag:s16] =	ssyncadd.s32 $0xFFFFC000  }
0x1a2: {  	[spmem:s2] =	stream.indirect.scatter.add.f32 [tilespmem:s14], [sflag:$0x3], $0x80, s26, s12, $0xb8;
	[tilespmem:$0x1D000] =	vst v63  }
0x1a3: {  	_ =	swait.ge [sflag:s10], $0x4000  }
0x1a4: {  	[sflag:s10] =	ssyncset.done $0x0  }
0x1a5: {  	[sflag:s10] =	ssyncadd.s32 $0xFFFFC000  }
0x1a6: {  	[tilespmem:s14], [sflag:$0x2] =	stream.indirect.gather [hbm4b:s4+s12], $0x80, s28, s12, $0xb8;
	[tilespmem:$0x1D000] =	vst v63  }
0x1a7: {  	_ =	swait.ge [sflag:s15], $0x4000  }
0x1a8: {  	[sflag:s15] =	ssyncset.done $0x0  }
0x1a9: {  	[sflag:s15] =	ssyncadd.s32 $0xFFFFC000  }
0x1aa: {  	[spmem:s2] =	stream.indirect.scatter.add.f32 [tilespmem:s13], [sflag:$0x3], $0x80, s29, s12, $0xb8;
	[tilespmem:$0x1D000] =	vst v63  }
0x1ab: {  	_ =	swait.ge [sflag:s10], $0x4000  }
0x1ac: {  	[sflag:s10] =	ssyncset.done $0x0  }
0x1ad: {  	[sflag:s10] =	ssyncadd.s32 $0xFFFFC000  }
0x1ae: {  	[tilespmem:s13], [sflag:$0x1] =	stream.indirect.gather [hbm4b:s4+s12], $0x80, s30, s12, $0xb8;
	[tilespmem:$0x1D000] =	vst v63  }
0x1af: {  	_ =	swait.ge [sflag:s16], $0x4000  }
0x1b0: {  	[sflag:s16] =	ssyncset.done $0x0  }
0x1b1: {  	[sflag:s16] =	ssyncadd.s32 $0xFFFFC000  }
0x1b2: {  	[spmem:s2] =	stream.indirect.scatter.add.f32 [tilespmem:s14], [sflag:$0x3], $0x80, s31, s12, $0xb8;
	[tilespmem:$0x1D000] =	vst v63  }
0x1b3: {  	_ =	swait.ge [sflag:s10], $0x4000  }
0x1b4: {  	[sflag:s10] =	ssyncset.done $0x0  }
0x1b5: {  	[sflag:s10] =	ssyncadd.s32 $0xFFFFC000  }
0x1b6: {  	[tilespmem:s14], [sflag:$0x2] =	stream.indirect.gather [hbm4b:s4+s12], $0x80, s1, s12, $0xb8;
	[tilespmem:$0x1D000] =	vst v63  }
0x1b7: {  	_ =	swait.ge [sflag:s15], $0x4000  }
0x1b8: {  	[sflag:s15] =	ssyncset.done $0x0  }
0x1b9: {  	[sflag:s15] =	ssyncadd.s32 $0xFFFFC000  }
0x1ba: {  	[spmem:s2] =	stream.indirect.scatter.add.f32 [tilespmem:s13], [sflag:$0x3], $0x80, s0, s12, $0xb8;
	[tilespmem:$0x1D000] =	vst v63  }
0x1bb: {  	_ =	swait.ge [sflag:s10], $0x4000  }
0x1bc: {  	[sflag:s10] =	ssyncset.done $0x0  }
0x1bd: {  	[sflag:s10] =	ssyncadd.s32 $0xFFFFC000  }
0x1be: {  	_ =	swait.ge [sflag:s16], $0x4000  }
0x1bf: {  	[sflag:s16] =	ssyncset.done $0x0  }
0x1c0: {  	[sflag:s16] =	ssyncadd.s32 $0xFFFFC000  }
0x1c1: {  	[spmem:s2] =	stream.indirect.scatter.add.f32 [tilespmem:s14], [sflag:$0x3], $0x80, s5, s12, $0xb8;
	[tilespmem:$0x1D000] =	vst v63  }
0x1c2: {  	_ =	swait.ge [sflag:s10], $0x4000  }
0x1c3: {  	[sflag:s10] =	ssyncset.done $0x0  }
0x1c4: {  	[sflag:s10] =	ssyncadd.s32 $0xFFFFC000  }
0x1c5: {  	[bflag:$0x0] =	sbarrier.arrive $0xFFFF  }
0x1c6: {  	s7 =	rddreg [dreg:$0x13]  }
0x1c7: {  	s9 =	rddreg [dreg:$0x14]  }
0x1c8: {  	s8 =	rddreg [dreg:$0x16]  }
0x1c9: {  	[hbm:s9], [sflag:s7] =	dma.local [spmem:s8], $0x2800  }
0x1ca: {  	_ =	swait.ge [sflag:s10], $0x2800  }
0x1cb: {  	s6 =	rddreg [dreg:$0x17]  }
0x1cc: {  	s9 =	sadd.s32 $0x1, s6;
	s6 =	rddreg [dreg:$0x15]  }
0x1cd: {  	p0 =	sne.s32 s9, s6  }
.Ltmp1:
0x1ce: {  	_ = 	snop;
	(pc) =	sbr.rel @p0 .LBB2_1-.Ltmp1, $3  }
0x1cf: {  	_ =	sdelay $0x1  }
0x1d0: {  	[sflag:s10] =	ssyncset.done $0x0  }
0x1d1: {  	[sflag:s10] =	ssyncadd.s32 $0xFFFFD800  }
0x1d2: {  	_ =	sfence.sel $0x180000  }
0x1d3: {  	[bflag:$0x0] =	sbarrier.arrive $0xFFFF  }
0x1d4: {  	_ =	strace $0x9000004A  }
0x1d5: {  	s0 =	stileid.u32;
	[bflag:$0x2] =	sbarrier.arrive $0xFFFF  }
0x1d6: {  	p0 =	sne.s32 s0, $0x0;
	s0 =	rddreg [dreg:$0x3]  }
0x1d7: {  	s0 =	sadd.s32 @!p0 $0x100000, s0  }
0x1d8: {  	[sflag:s0] =	ssyncadd.tile.s32 @!p0 $0x1;
	_ =	shalt  }
.Lfunc_end2:
_tile_overlayer_lowered:
.L_overlay_start_2:
0x1d9: {  	(tag) =	ssettag $0x2  }
0x1da: {  	s0 =	rddreg [dreg:$0x0];
	s2 =	stileid.u32  }
0x1db: {  	s1 =	rddreg [dreg:$0x1];
	p0 =	sne.s32 s2, $0x0  }
0x1dc: {  	s3 =	rddreg [dreg:$0x2];
	[bflag:$0x3] =	sbarrier.arrive $0xFFFF;
	s2 =	simm.s32 @!p0 $0x1C03  }
0x1dd: {  	[timem:s3], [sflag:s2] =	dma.local @!p0 [hbm:s0], s1  }
0x1de: {  	s0 =	simm.s32 @!p0 $0x3  }
0x1df: {  	_ =	swait.ge @!p0 [sflag:s0], s1  }
0x1e0: {  	s1 =	ssub.s32 @!p0 $0x0, s1;
	[sflag:s0] =	ssyncset.done @!p0 $0x0  }
0x1e1: {  	[sflag:s0] =	ssyncadd.s32 @!p0 s1  }
0x1e2: {  	[bflag:$0x3] =	sbarrier.arrive $0xFFFF  }
0x1e3: {  	_ =	shalt  }

// kernel: kernel.14.cloned.1.call-start
scs
__scs_entry_jumppad:
0x0: {  	(pc) =	sbr.rel $0x88, $3  }
0x1: {  	(tag) =	ssettag $0x0;
	lr =	simm.s32 $0x1  }
0x2: {  	[smem:$0x3F9B] =	sst lr;
	_ =	strace $0xD0000000  }
0x3: {  	_ = 	snop  }
0x4: {  	_ = 	snop  }
0x5: {  	_ = 	snop  }
0x6: {  	_ = 	snop  }
0x7: {  	_ = 	snop  }
__scs_overlays_trampoline_lowered:
0x8: {  	[smem:$0x3FAA] =	sst s0  }
0x9: {  	[smem:$0x3FAB] =	sst s1  }
0xa: {  	[smem:$0x3FAC] =	sst s2  }
0xb: {  	[smem:$0x3FAD] =	sst s3  }
0xc: {  	[smem:$0x3FAE] =	sst s4  }
0xd: {  	[smem:$0x3FAF] =	sst s5  }
0xe: {  	[smem:$0x3FB0] =	sst s6  }
0xf: {  	[smem:$0x3FB1] =	sst s7  }
0x10: {  	[smem:$0x3FB2] =	sst s8  }
0x11: {  	[smem:$0x3FB3] =	sst s9;
	s0 =	simm.s32 @!p0 $0x0  }
0x12: {  	s1 =	sld [smem:$0x3F99];
	s0 =	simm.s32 @p0 $0x1  }
0x13: {  	[smem:$0x3FB4] =	sst s0;
	s0 =	simm.s32 @!p1 $0x0  }
0x14: {  	s2 =	sld [smem:$0x3F98];
	s0 =	simm.s32 @p1 $0x1  }
0x15: {  	[smem:$0x3FB5] =	sst s0;
	s0 =	simm.s32 @!p2 $0x0  }
0x16: {  	s3 =	sld [smem:$0x3FDB];
	s0 =	simm.s32 @p2 $0x1  }
0x17: {  	s4 =	simm.s32 $0x1BF5;
	[smem:$0x3FB7] =	sst s0  }
0x18: {  	s0 =	sld [smem:$0x3F9A];
	_ =	swait.ge [sflag:s4], $0x0  }
0x19: {  	s7 =	sld [smem:$0x3F9B]  }
0x1a: {  	s8 =	sadd.s32 $0xFFFFE003, lr  }
0x1b: {  	s9 =	sadd.s32 $0xFFFFFEF7, lr;
	s5 =	simm.s32 $0xFFFFFFFF;
	p2 =	slt.u32 s8, $0xFFFFF086  }
0x1c: {  	p1 =	slt.u32 s9, $0xF7A;
	s5 =	simm.s32 @!p2 $0x0  }
0x1d: {  	s5 =	simm.s32 @p1 $0x1;
	p0 =	seq.s32 s7, s2  }
0x1e: {  	s7 =	smul.u32 @!p0 $0xF7A, s2;
	p2 =	seq.s32 @!p0 s5, $0x0  }
0x1f: {  	s9 =	smul.u32 $0xF7A, s1;
	s8 =	simm.s32 @!p0 $0x1BF5;
	p2 =	por !p2, p0  }
0x20: {  	[sflag:s8] =	ssyncset.s32 @!p0 $0xFFFFF086;
	s6 =	sadd.s32 @!p0 s3, s7;
	s7 =	simm.s32 @!p0 $0x108  }
0x21: {  	s3 =	sadd.s32 s3, s9;
	s6 =	sadd.s32 @!p0 $0x88, s6;
	s7 =	simm.s32 @p2 $0x1082  }
0x22: {  	[simem:s7], [sflag:s8] =	dma.local @!p0 [hbm:s6], $0xF7A  }
0x23: {  	s9 =	sor.u32 $0xD0000000, s2;
	s6 =	simm.s32 $0x108;
	_ =	swait.ge @!p0 [sflag:s8], $0x0  }
0x24: {  	s3 =	sadd.s32 $0x88, s3;
	s6 =	simm.s32 @!p1 $0x1082;
	[sflag:s4] =	ssyncset.s32 $0xFFFFF086  }
0x25: {  	[simem:s6], [sflag:s4] =	dma.local [hbm:s3], $0xF7A  }
0x26: {  	[smem:$0x3F9B] =	sst s1;
	(tag) =	ssettag s2;
	_ =	strace s9  }
0x27: {  	s1 =	sld [smem:$0x3FAB]  }
0x28: {  	s2 =	sld [smem:$0x3FAC]  }
0x29: {  	s4 =	sld [smem:$0x3FAE]  }
0x2a: {  	p0 =	seq.s32 s5, $0x0;
	s5 =	sld [smem:$0x3FAF]  }
0x2b: {  	s6 =	sld [smem:$0x3FB0]  }
0x2c: {  	s7 =	sld [smem:$0x3FB1]  }
0x2d: {  	s3 =	simm.s32 $0x108;
	s8 =	sld [smem:$0x3FB2]  }
0x2e: {  	s3 =	simm.s32 @!p0 $0x1082;
	s9 =	sld [smem:$0x3FB3]  }
0x2f: {  	lr =	sadd.s32 s0, s3;
	s0 =	sld [smem:$0x3FAA]  }
0x30: {  	s3 =	sld [smem:$0x3FAD]  }
0x31: {  	[smem:$0x3FB6] =	sst s10  }
0x32: {  	s10 =	sld [smem:$0x3FB4];
	_ =	sdelay $0x3  }
0x33: {  	p0 =	seq.s32 s10, $0x1;
	s10 =	sld [smem:$0x3FB6];
	_ =	sdelay $0x3  }
0x34: {  	[smem:$0x3FB6] =	sst s10  }
0x35: {  	s10 =	sld [smem:$0x3FB5];
	_ =	sdelay $0x3  }
0x36: {  	p1 =	seq.s32 s10, $0x1;
	s10 =	sld [smem:$0x3FB6];
	_ =	sdelay $0x3  }
0x37: {  	[smem:$0x3FB6] =	sst s10  }
0x38: {  	s10 =	sld [smem:$0x3FB7]  }
0x39: {  	_ = 	snop;
	(pc) =	sbr.ind lr, $3  }
0x3a: {  	_ = 	snop  }
0x3b: {  	_ = 	snop  }
0x3c: {  	p2 =	seq.s32 s10, $0x1;
	s10 =	sld [smem:$0x3FB6]  }
0x3d: {  	_ =	shalt  }
0x3e: {  	_ =	shalt  }
0x3f: {  	_ =	shalt  }
0x40: {  	_ =	shalt  }
0x41: {  	_ =	shalt  }
0x42: {  	_ =	shalt  }
0x43: {  	_ =	shalt  }
0x44: {  	_ =	shalt  }
0x45: {  	_ =	shalt  }
0x46: {  	_ =	shalt  }
0x47: {  	_ =	shalt  }
0x48: {  	_ =	shalt  }
0x49: {  	_ =	shalt  }
0x4a: {  	_ =	shalt  }
0x4b: {  	_ =	shalt  }
0x4c: {  	_ =	shalt  }
0x4d: {  	_ =	shalt  }
0x4e: {  	_ =	shalt  }
0x4f: {  	_ =	shalt  }
0x50: {  	_ =	shalt  }
0x51: {  	_ =	shalt  }
0x52: {  	_ =	shalt  }
0x53: {  	_ =	shalt  }
0x54: {  	_ =	shalt  }
0x55: {  	_ =	shalt  }
0x56: {  	_ =	shalt  }
0x57: {  	_ =	shalt  }
0x58: {  	_ =	shalt  }
0x59: {  	_ =	shalt  }
0x5a: {  	_ =	shalt  }
0x5b: {  	_ =	shalt  }
0x5c: {  	_ =	shalt  }
0x5d: {  	_ =	shalt  }
0x5e: {  	_ =	shalt  }
0x5f: {  	_ =	shalt  }
0x60: {  	_ =	shalt  }
0x61: {  	_ =	shalt  }
0x62: {  	_ =	shalt  }
0x63: {  	_ =	shalt  }
0x64: {  	_ =	shalt  }
0x65: {  	_ =	shalt  }
0x66: {  	_ =	shalt  }
0x67: {  	_ =	shalt  }
0x68: {  	_ =	shalt  }
0x69: {  	_ =	shalt  }
0x6a: {  	_ =	shalt  }
0x6b: {  	_ =	shalt  }
0x6c: {  	_ =	shalt  }
0x6d: {  	_ =	shalt  }
0x6e: {  	_ =	shalt  }
0x6f: {  	_ =	shalt  }
0x70: {  	_ =	shalt  }
0x71: {  	_ =	shalt  }
0x72: {  	_ =	shalt  }
0x73: {  	_ =	shalt  }
0x74: {  	_ =	shalt  }
0x75: {  	_ =	shalt  }
0x76: {  	_ =	shalt  }
0x77: {  	_ =	shalt  }
0x78: {  	_ =	shalt  }
0x79: {  	_ =	shalt  }
0x7a: {  	_ =	shalt  }
0x7b: {  	_ =	shalt  }
0x7c: {  	_ =	shalt  }
0x7d: {  	_ =	shalt  }
0x7e: {  	_ =	shalt  }
0x7f: {  	_ =	shalt  }
0x80: {  	_ =	shalt  }
0x81: {  	_ =	shalt  }
0x82: {  	_ =	shalt  }
0x83: {  	_ =	shalt  }
0x84: {  	_ =	shalt  }
0x85: {  	_ =	shalt  }
0x86: {  	_ =	shalt  }
0x87: {  	_ =	shalt  }
.Lfunc_end0:
.L_simem_size_0:
called_computation.2_lowered:
.L_overlay_start_0:
0x88: {  	s2 =	sld [smem:$0x3FD9]  }
0x89: {  	s3 =	sld [smem:$0x3FFE];
	_ =	sdelay $0x1  }
0x8a: {  	s1 =	srdreg.scid  }
0x8b: {  	s0 =	sand.u32 $0x1, s1  }
0x8c: {  	s17 =	sshll.u32 s0, $0xA;
	s2 =	sadd.s32 s3, s2  }
0x8d: {  	s2 =	sadd.s32 s2, s17  }
0x8e: {  	[smem:$0x3FC2] =	sst s2  }
0x8f: {  	_ = 	snop  }
0x90: {  	s2 =	sld [smem:$0x3FD0];
	(tm) =	ssettm $0x1  }
0x91: {  	s18 =	sld [smem:$0x3FFB];
	_ =	sdelay $0x3  }
0x92: {  	_ =	strace s18  }
0x93: {  	s3 =	sld [smem:$0x3FFC];
	_ =	sdelay $0x3  }
0x94: {  	_ =	strace s3  }
0x95: {  	s3 =	sld [smem:$0x3FFD];
	_ =	sdelay $0x3  }
0x96: {  	_ =	strace s3  }
0x97: {  	_ =	strace $0x8FFFFFFF  }
0x98: {  	s19 =	sld [smem:$0x3FDB];
	_ =	sdelay $0x1  }
0x99: {  	s4 =	simm.s32 $_scs_section_size  }
0x9a: {  	s5 =	simm.s32 $_size__tile_overlayer_lowered;
	s6 =	simm.s32 $_tile_overlayer_lowered  }
0x9b: {  	s22 =	simm.s32 $0x1BFF;
	s21 =	sshll.u32 s6, $0x1;
	s3 =	sadd.s32 s4, s19  }
0x9c: {  	s7 =	simm.s32 $0x0;
	s20 =	sshll.u32 s5, $0x1;
	s5 =	sadd.s32 s21, s3  }
0x9d: {  	[timem:s7], [sflag:s22] =	dma.local [hbm:s5], s20  }
0x9e: {  	_ =	swait.ge [sflag:s22], s20  }
0x9f: {  	s4 =	ssub.s32 $0x0, s20;
	[sflag:s22] =	ssyncset.done $0x0  }
0xa0: {  	[sflag:s22] =	ssyncadd.s32 s4;
	_ =	sdelay $0x1  }
0xa1: {  	s23 =	simm.s32 $0x1B8B  }
0xa2: {  	_ =	swait.ge [sflag:s23], $0x1  }
0xa3: {  	[sflag:s23] =	ssyncset.done $0x0  }
0xa4: {  	s25 =	simm.s32 $0x1B8E;
	s24 =	sld [smem:$0x3FFE];
	[sflag:s23] =	ssyncadd.s32 $0xFFFFFFFF  }
0xa5: {  	s26 =	simm.s32 $execute0_lowered;
	[smem:$0x3FD2] =	sst s25  }
0xa6: {  	s5 =	sshll.u32 s26, $0x1;
	_ =	strace $0x8000004C;
	[dreg:$0x1] =	wrdreg $0xFFFFFFFF  }
0xa7: {  	s28 =	simm.s32 $_size_execute0_lowered;
	s3 =	sadd.s32 s3, s5;
	[dreg:$0x0] =	wrdreg $0x0  }
0xa8: {  	s5 =	sshll.u32 s28, $0x1;
	[dreg:$0x2] =	wrdreg s3  }
0xa9: {  	[dreg:$0x3] =	wrdreg s5  }
0xaa: {  	[dreg:$0x4] =	wrdreg $0xC0  }
0xab: {  	_ =	task [dreg:s7], $0x5FFFF  }
0xac: {  	[dreg:$0x1] =	wrdreg $0xFFFFFFFF  }
0xad: {  	[dreg:$0x0] =	wrdreg $0x60  }
0xae: {  	[dreg:$0x2] =	wrdreg s24  }
0xaf: {  	[dreg:$0x3] =	wrdreg s2  }
0xb0: {  	[dreg:$0x4] =	wrdreg $0x90000  }
0xb1: {  	[dreg:$0x5] =	wrdreg $0x9  }
0xb2: {  	_ =	task.clear_ibuf [dreg:s7], $0x6FFFF;
	_ =	strace $0x9000004C  }
0xb3: {  	s29 =	simm.s32 $0x9;
	_ =	strace $0x8000004E  }
0xb4: {  	_ =	swait.ge [sflag:s29], $0x1  }
0xb5: {  	[sflag:s29] =	ssyncadd.s32 $0xFFFFFFFF  }
0xb6: {  	_ =	strace $0x9000004E  }
0xb7: {  	_ =	sfence  }
0xb8: {  	s30 =	sld [smem:$0x0];
	_ =	sdelay $0x2  }
0xb9: {  	s31 =	sshll.u32 s1, $0xD;
	s1 =	sshrl.u32 s1, $0x2  }
0xba: {  	s3 =	sand.u32 $0x4000, s31;
	s1 =	sadd.s32 s1, s30  }
0xbb: {  	s0 =	sor.u32 s3, s0;
	s1 =	sshll.u32 s1, $0x11  }
0xbc: {  	s0 =	sor.u32 s1, s0  }
0xbd: {  	s0 =	sadd.s32 $0x8F2B, s0  }
0xbe: {  	[sflag:s0] =	ssyncadd.remote.s32 $0x1  }
0xbf: {  	_ =	sfence.sel $0xFFFF  }
0xc0: {  	[dreg:$0x0] =	wrdreg $0xFFFFFFFF;
	(pc) =	sbr.abs _section_cstart, $3  }
0xc1: {  	[dreg:$0x1] =	wrdreg $0xFFFFFFFF  }
0xc2: {  	_ =	task.clear_ibuf [dreg:s7], $0x2FFFF;
	_ =	strace $0x9FFFFFFF  }
0xc3: {  	(tm) =	ssettm $0x7FFFFFFF  }
tec
execute0_lowered:
.L_overlay_start_1:
0x0: {  	(tag) =	ssettag $0x1  }
0x1: {  	s0 =	rddreg [dreg:$0x0]  }
0x2: {  	s1 =	rddreg [dreg:$0x1]  }
0x3: {  	s3 =	srdreg.scid;
	s10 =	stileid.u32  }
0x4: {  	s2 =	rddreg [dreg:$0x2];
	s13 =	simm.s32 $0x100;
	s14 =	simm.s32 $0x880  }
0x5: {  	s16 =	simm.s32 $0x180;
	s17 =	simm.s32 $0x900;
	s18 =	simm.s32 $0x200  }
0x6: {  	s20 =	simm.s32 $0x980;
	s5 =	sand.u32 $0x1, s3;
	s3 =	simm.s32 $0x0  }
0x7: {  	s21 =	simm.s32 $0x280;
	s9 =	sadd.s32 $0xC200, s0;
	[smem:$0x7FF] =	sst s3  }
0x8: {  	s22 =	simm.s32 $0xA00;
	_ =	strace $0x8000004D;
	[dreg:$0x12] =	wrdreg s9  }
0x9: {  	s23 =	simm.s32 $0x300;
	s28 =	simm.s32 $0x680;
	[dreg:$0x6] =	wrdreg s13  }
0xa: {  	s29 =	simm.s32 $0xE00;
	s4 =	smul.u32 $0x2800, s10;
	[dreg:$0x7] =	wrdreg s14  }
0xb: {  	s30 =	simm.s32 $0x700;
	s8 =	smul.u32 $0x14000, s10;
	[dreg:$0x8] =	wrdreg s16  }
0xc: {  	s31 =	simm.s32 $0xE80;
	s26 =	smul.u32 $0x50000, s10;
	[dreg:$0x9] =	wrdreg s17  }
0xd: {  	s15 =	sshll.u32 s10, $0x6;
	s10 =	simm.s32 $0x3;
	[dreg:$0xa] =	wrdreg s18  }
0xe: {  	s6 =	smul.u32 $0x140000, s5;
	p0 =	seq.s32 s5, $0x0;
	[dreg:$0xb] =	wrdreg s20  }
0xf: {  	s5 =	ssub.s32 $0x2, s5;
	s7 =	sadd.s32 $0x28000, s4;
	[dreg:$0xc] =	wrdreg s21  }
0x10: {  	s25 =	sshrl.u32 s5, $0x1;
	s12 =	sshrl.u32 s26, $0x2;
	[dreg:$0xd] =	wrdreg s22  }
0x11: {  	[dreg:$0xe] =	wrdreg s23;
	s13 =	simm.s32 $0x1000;
	s14 =	simm.s32 $0x5000  }
0x12: {  	s26 =	simm.s32 $0xB00;
	s16 =	simm.s32 $0x2;
	s17 =	simm.s32 $0x400  }
0x13: {  	s18 =	simm.s32 $0xB80;
	s20 =	simm.s32 $0xC00;
	s21 =	simm.s32 $0x500  }
0x14: {  	s22 =	simm.s32 $0xC80;
	s23 =	simm.s32 $0x580;
	s9 =	simm.s32 $0x0  }
0x15: {  	s7 =	smov.u32 @p0 s4;
	s6 =	sadd.s32 s8, s6;
	s4 =	sadd.s32 $0xEA00, s0  }
0x16: {  	s5 =	ssub.s32 s5, s25;
	s25 =	simm.s32 $0x380;
	[dreg:$0x11] =	wrdreg s26  }
0x17: {  	s26 =	simm.s32 $0xD80;
	s7 =	sshrl.u32 s7, $0x3;
	s6 =	sshrl.u32 s6, $0x3  }
0x18: {  	s19 =	smax.u32 s5, $0x1;
	[dreg:$0x10] =	wrdreg s25;
	s25 =	simm.s32 $0x600  }
0x19: {  	s5 =	simm.s32 $0xF80;
	s24 =	sadd.s32 s7, s0;
	s0 =	sadd.s32 s6, s0  }
0x1a: {  	s1 =	sadd.s32 s7, s1;
	s6 =	sadd.s32 s12, s2;
	[dreg:$0x15] =	wrdreg s19  }
0x1b: {  	s7 =	sor.u32 $0x1C03, s15;
	s12 =	simm.s32 $0x80;
	[dreg:$0x4] =	wrdreg s1  }
0x1c: {  	s15 =	simm.s32 $0x1;
	s11 =	sadd.s32 $0x1A00, s24;
	[dreg:$0x13] =	wrdreg s7  }
0x1d: {  	s19 =	simm.s32 $0x480;
	s0 =	sadd.s32 $0x36A00, s0;
	[dreg:$0x5] =	wrdreg s11  }
0x1e: {  	s8 =	sshrl.u32 s6, $0x3;
	s24 =	simm.s32 $0xA80;
	[dreg:$0x14] =	wrdreg s0  }
0x1f: {  	s1 =	simm.s32 $0x780;
	s11 =	simm.s32 $0x800;
	[dreg:$0xf] =	wrdreg s24  }
0x20: {  	s24 =	simm.s32 $0xD00;
	s0 =	simm.s32 $0xF00;
	[dreg:$0x16] =	wrdreg s8  }
.LBB2_1:
0x21: {  	[dreg:$0x17] =	wrdreg s9  }
0x22: {  	s6 =	rddreg [dreg:$0x12]  }
0x23: {  	[spmem:s8], [sflag:s7] =	dma.local [hbm:s6], $0x2800  }
0x24: {  	_ =	swait.ge [sflag:s10], $0x2800  }
0x25: {  	[sflag:s10] =	ssyncset.done $0x0  }
0x26: {  	[sflag:s10] =	ssyncadd.s32 $0xFFFFD800  }
0x27: {  	[bflag:$0x0] =	sbarrier.arrive $0xFFFF  }
0x28: {  	s8 =	rddreg [dreg:$0x5]  }
0x29: {  	s6 =	sadd.s32 $0x0, s8  }
0x2a: {  	[tilespmem:s3], [sflag:$0x3] =	stream.linear.gather [hbm4b:s6+s3], $0x800, $0x38;
	[tilespmem:$0x1D000] =	vst v63  }
0x2b: {  	_ =	swait.ge [sflag:s10], $0x800  }
0x2c: {  	s9 =	rddreg [dreg:$0x4];
	[sflag:s10] =	ssyncset.done $0x0  }
0x2d: {  	[sflag:s10] =	ssyncadd.s32 $0xFFFFF800;
	s6 =	sadd.s32 $0x0, s9  }
0x2e: {  	[tilespmem:s11], [sflag:$0x3] =	stream.linear.gather [hbm4b:s6+s3], $0x800, $0x38;
	[tilespmem:$0x1D000] =	vst v63  }
0x2f: {  	_ =	swait.ge [sflag:s10], $0x800  }
0x30: {  	[sflag:s10] =	ssyncset.done $0x0  }
0x31: {  	[sflag:s10] =	ssyncadd.s32 $0xFFFFF800  }
0x32: {  	[tilespmem:s13], [sflag:$0x1] =	stream.indirect.gather [hbm4b:s4+s12], $0x80, s3, s12, $0xb8;
	[tilespmem:$0x1D000] =	vst v63  }
0x33: {  	_ = 	snop  }
0x34: {  	[tilespmem:s14], [sflag:$0x2] =	stream.indirect.gather [hbm4b:s4+s12], $0x80, s12, s12, $0xb8;
	[tilespmem:$0x1D000] =	vst v63  }
0x35: {  	_ =	swait.ge [sflag:s15], $0x4000  }
0x36: {  	[sflag:s15] =	ssyncset.done $0x0  }
0x37: {  	[sflag:s15] =	ssyncadd.s32 $0xFFFFC000  }
0x38: {  	[spmem:s2] =	stream.indirect.scatter.add.f32 [tilespmem:s13], [sflag:$0x3], $0x80, s11, s12, $0xb8;
	[tilespmem:$0x1D000] =	vst v63  }
0x39: {  	_ =	swait.ge [sflag:s10], $0x4000  }
0x3a: {  	[sflag:s10] =	ssyncset.done $0x0  }
0x3b: {  	s7 =	rddreg [dreg:$0x6];
	[sflag:s10] =	ssyncadd.s32 $0xFFFFC000  }
0x3c: {  	[tilespmem:s13], [sflag:$0x1] =	stream.indirect.gather [hbm4b:s4+s12], $0x80, s7, s12, $0xb8;
	[tilespmem:$0x1D000] =	vst v63  }
0x3d: {  	_ =	swait.ge [sflag:s16], $0x4000  }
0x3e: {  	[sflag:s16] =	ssyncset.done $0x0  }
0x3f: {  	s8 =	rddreg [dreg:$0x7];
	[sflag:s16] =	ssyncadd.s32 $0xFFFFC000  }
0x40: {  	[spmem:s2] =	stream.indirect.scatter.add.f32 [tilespmem:s14], [sflag:$0x3], $0x80, s8, s12, $0xb8;
	[tilespmem:$0x1D000] =	vst v63  }
0x41: {  	_ =	swait.ge [sflag:s10], $0x4000  }
0x42: {  	[sflag:s10] =	ssyncset.done $0x0  }
0x43: {  	s9 =	rddreg [dreg:$0x8];
	[sflag:s10] =	ssyncadd.s32 $0xFFFFC000  }
0x44: {  	[tilespmem:s14], [sflag:$0x2] =	stream.indirect.gather [hbm4b:s4+s12], $0x80, s9, s12, $0xb8;
	[tilespmem:$0x1D000] =	vst v63  }
0x45: {  	_ =	swait.ge [sflag:s15], $0x4000  }
0x46: {  	[sflag:s15] =	ssyncset.done $0x0  }
0x47: {  	s7 =	rddreg [dreg:$0x9];
	[sflag:s15] =	ssyncadd.s32 $0xFFFFC000  }
0x48: {  	[spmem:s2] =	stream.indirect.scatter.add.f32 [tilespmem:s13], [sflag:$0x3], $0x80, s7, s12, $0xb8;
	[tilespmem:$0x1D000] =	vst v63  }
0x49: {  	_ =	swait.ge [sflag:s10], $0x4000  }
0x4a: {  	[sflag:s10] =	ssyncset.done $0x0  }
0x4b: {  	s8 =	rddreg [dreg:$0xa];
	[sflag:s10] =	ssyncadd.s32 $0xFFFFC000  }
0x4c: {  	[tilespmem:s13], [sflag:$0x1] =	stream.indirect.gather [hbm4b:s4+s12], $0x80, s8, s12, $0xb8;
	[tilespmem:$0x1D000] =	vst v63  }
0x4d: {  	_ =	swait.ge [sflag:s16], $0x4000  }
0x4e: {  	[sflag:s16] =	ssyncset.done $0x0  }
0x4f: {  	s9 =	rddreg [dreg:$0xb];
	[sflag:s16] =	ssyncadd.s32 $0xFFFFC000  }
0x50: {  	[spmem:s2] =	stream.indirect.scatter.add.f32 [tilespmem:s14], [sflag:$0x3], $0x80, s9, s12, $0xb8;
	[tilespmem:$0x1D000] =	vst v63  }
0x51: {  	_ =	swait.ge [sflag:s10], $0x4000  }
0x52: {  	[sflag:s10] =	ssyncset.done $0x0  }
0x53: {  	s7 =	rddreg [dreg:$0xc];
	[sflag:s10] =	ssyncadd.s32 $0xFFFFC000  }
0x54: {  	[tilespmem:s14], [sflag:$0x2] =	stream.indirect.gather [hbm4b:s4+s12], $0x80, s7, s12, $0xb8;
	[tilespmem:$0x1D000] =	vst v63  }
0x55: {  	_ =	swait.ge [sflag:s15], $0x4000  }
0x56: {  	[sflag:s15] =	ssyncset.done $0x0  }
0x57: {  	s8 =	rddreg [dreg:$0xd];
	[sflag:s15] =	ssyncadd.s32 $0xFFFFC000  }
0x58: {  	[spmem:s2] =	stream.indirect.scatter.add.f32 [tilespmem:s13], [sflag:$0x3], $0x80, s8, s12, $0xb8;
	[tilespmem:$0x1D000] =	vst v63  }
0x59: {  	_ =	swait.ge [sflag:s10], $0x4000  }
0x5a: {  	[sflag:s10] =	ssyncset.done $0x0  }
0x5b: {  	s9 =	rddreg [dreg:$0xe];
	[sflag:s10] =	ssyncadd.s32 $0xFFFFC000  }
0x5c: {  	[tilespmem:s13], [sflag:$0x1] =	stream.indirect.gather [hbm4b:s4+s12], $0x80, s9, s12, $0xb8;
	[tilespmem:$0x1D000] =	vst v63  }
0x5d: {  	_ =	swait.ge [sflag:s16], $0x4000  }
0x5e: {  	[sflag:s16] =	ssyncset.done $0x0  }
0x5f: {  	s7 =	rddreg [dreg:$0xf];
	[sflag:s16] =	ssyncadd.s32 $0xFFFFC000  }
0x60: {  	[spmem:s2] =	stream.indirect.scatter.add.f32 [tilespmem:s14], [sflag:$0x3], $0x80, s7, s12, $0xb8;
	[tilespmem:$0x1D000] =	vst v63  }
0x61: {  	_ =	swait.ge [sflag:s10], $0x4000  }
0x62: {  	[sflag:s10] =	ssyncset.done $0x0  }
0x63: {  	s8 =	rddreg [dreg:$0x10];
	[sflag:s10] =	ssyncadd.s32 $0xFFFFC000  }
0x64: {  	[tilespmem:s14], [sflag:$0x2] =	stream.indirect.gather [hbm4b:s4+s12], $0x80, s8, s12, $0xb8;
	[tilespmem:$0x1D000] =	vst v63  }
0x65: {  	_ =	swait.ge [sflag:s15], $0x4000  }
0x66: {  	[sflag:s15] =	ssyncset.done $0x0  }
0x67: {  	s9 =	rddreg [dreg:$0x11];
	[sflag:s15] =	ssyncadd.s32 $0xFFFFC000  }
0x68: {  	[spmem:s2] =	stream.indirect.scatter.add.f32 [tilespmem:s13], [sflag:$0x3], $0x80, s9, s12, $0xb8;
	[tilespmem:$0x1D000] =	vst v63  }
0x69: {  	_ =	swait.ge [sflag:s10], $0x4000  }
0x6a: {  	[sflag:s10] =	ssyncset.done $0x0  }
0x6b: {  	[sflag:s10] =	ssyncadd.s32 $0xFFFFC000  }
0x6c: {  	[tilespmem:s13], [sflag:$0x1] =	stream.indirect.gather [hbm4b:s4+s12], $0x80, s17, s12, $0xb8;
	[tilespmem:$0x1D000] =	vst v63  }
0x6d: {  	_ =	swait.ge [sflag:s16], $0x4000  }
0x6e: {  	[sflag:s16] =	ssyncset.done $0x0  }
0x6f: {  	[sflag:s16] =	ssyncadd.s32 $0xFFFFC000  }
0x70: {  	[spmem:s2] =	stream.indirect.scatter.add.f32 [tilespmem:s14], [sflag:$0x3], $0x80, s18, s12, $0xb8;
	[tilespmem:$0x1D000] =	vst v63  }
0x71: {  	_ =	swait.ge [sflag:s10], $0x4000  }
0x72: {  	[sflag:s10] =	ssyncset.done $0x0  }
0x73: {  	[sflag:s10] =	ssyncadd.s32 $0xFFFFC000  }
0x74: {  	[tilespmem:s14], [sflag:$0x2] =	stream.indirect.gather [hbm4b:s4+s12], $0x80, s19, s12, $0xb8;
	[tilespmem:$0x1D000] =	vst v63  }
0x75: {  	_ =	swait.ge [sflag:s15], $0x4000  }
0x76: {  	[sflag:s15] =	ssyncset.done $0x0  }
0x77: {  	[sflag:s15] =	ssyncadd.s32 $0xFFFFC000  }
0x78: {  	[spmem:s2] =	stream.indirect.scatter.add.f32 [tilespmem:s13], [sflag:$0x3], $0x80, s20, s12, $0xb8;
	[tilespmem:$0x1D000] =	vst v63  }
0x79: {  	_ =	swait.ge [sflag:s10], $0x4000  }
0x7a: {  	[sflag:s10] =	ssyncset.done $0x0  }
0x7b: {  	[sflag:s10] =	ssyncadd.s32 $0xFFFFC000  }
0x7c: {  	[tilespmem:s13], [sflag:$0x1] =	stream.indirect.gather [hbm4b:s4+s12], $0x80, s21, s12, $0xb8;
	[tilespmem:$0x1D000] =	vst v63  }
0x7d: {  	_ =	swait.ge [sflag:s16], $0x4000  }
0x7e: {  	[sflag:s16] =	ssyncset.done $0x0  }
0x7f: {  	[sflag:s16] =	ssyncadd.s32 $0xFFFFC000  }
0x80: {  	[spmem:s2] =	stream.indirect.scatter.add.f32 [tilespmem:s14], [sflag:$0x3], $0x80, s22, s12, $0xb8;
	[tilespmem:$0x1D000] =	vst v63  }
0x81: {  	_ =	swait.ge [sflag:s10], $0x4000  }
0x82: {  	[sflag:s10] =	ssyncset.done $0x0  }
0x83: {  	[sflag:s10] =	ssyncadd.s32 $0xFFFFC000  }
0x84: {  	[tilespmem:s14], [sflag:$0x2] =	stream.indirect.gather [hbm4b:s4+s12], $0x80, s23, s12, $0xb8;
	[tilespmem:$0x1D000] =	vst v63  }
0x85: {  	_ =	swait.ge [sflag:s15], $0x4000  }
0x86: {  	[sflag:s15] =	ssyncset.done $0x0  }
0x87: {  	[sflag:s15] =	ssyncadd.s32 $0xFFFFC000  }
0x88: {  	[spmem:s2] =	stream.indirect.scatter.add.f32 [tilespmem:s13], [sflag:$0x3], $0x80, s24, s12, $0xb8;
	[tilespmem:$0x1D000] =	vst v63  }
0x89: {  	_ =	swait.ge [sflag:s10], $0x4000  }
0x8a: {  	[sflag:s10] =	ssyncset.done $0x0  }
0x8b: {  	[sflag:s10] =	ssyncadd.s32 $0xFFFFC000  }
0x8c: {  	[tilespmem:s13], [sflag:$0x1] =	stream.indirect.gather [hbm4b:s4+s12], $0x80, s25, s12, $0xb8;
	[tilespmem:$0x1D000] =	vst v63  }
0x8d: {  	_ =	swait.ge [sflag:s16], $0x4000  }
0x8e: {  	[sflag:s16] =	ssyncset.done $0x0  }
0x8f: {  	[sflag:s16] =	ssyncadd.s32 $0xFFFFC000  }
0x90: {  	[spmem:s2] =	stream.indirect.scatter.add.f32 [tilespmem:s14], [sflag:$0x3], $0x80, s26, s12, $0xb8;
	[tilespmem:$0x1D000] =	vst v63  }
0x91: {  	_ =	swait.ge [sflag:s10], $0x4000  }
0x92: {  	[sflag:s10] =	ssyncset.done $0x0  }
0x93: {  	[sflag:s10] =	ssyncadd.s32 $0xFFFFC000  }
0x94: {  	[tilespmem:s14], [sflag:$0x2] =	stream.indirect.gather [hbm4b:s4+s12], $0x80, s28, s12, $0xb8;
	[tilespmem:$0x1D000] =	vst v63  }
0x95: {  	_ =	swait.ge [sflag:s15], $0x4000  }
0x96: {  	[sflag:s15] =	ssyncset.done $0x0  }
0x97: {  	[sflag:s15] =	ssyncadd.s32 $0xFFFFC000  }
0x98: {  	[spmem:s2] =	stream.indirect.scatter.add.f32 [tilespmem:s13], [sflag:$0x3], $0x80, s29, s12, $0xb8;
	[tilespmem:$0x1D000] =	vst v63  }
0x99: {  	_ =	swait.ge [sflag:s10], $0x4000  }
0x9a: {  	[sflag:s10] =	ssyncset.done $0x0  }
0x9b: {  	[sflag:s10] =	ssyncadd.s32 $0xFFFFC000  }
0x9c: {  	[tilespmem:s13], [sflag:$0x1] =	stream.indirect.gather [hbm4b:s4+s12], $0x80, s30, s12, $0xb8;
	[tilespmem:$0x1D000] =	vst v63  }
0x9d: {  	_ =	swait.ge [sflag:s16], $0x4000  }
0x9e: {  	[sflag:s16] =	ssyncset.done $0x0  }
0x9f: {  	[sflag:s16] =	ssyncadd.s32 $0xFFFFC000  }
0xa0: {  	[spmem:s2] =	stream.indirect.scatter.add.f32 [tilespmem:s14], [sflag:$0x3], $0x80, s31, s12, $0xb8;
	[tilespmem:$0x1D000] =	vst v63  }
0xa1: {  	_ =	swait.ge [sflag:s10], $0x4000  }
0xa2: {  	[sflag:s10] =	ssyncset.done $0x0  }
0xa3: {  	[sflag:s10] =	ssyncadd.s32 $0xFFFFC000  }
0xa4: {  	[tilespmem:s14], [sflag:$0x2] =	stream.indirect.gather [hbm4b:s4+s12], $0x80, s1, s12, $0xb8;
	[tilespmem:$0x1D000] =	vst v63  }
0xa5: {  	_ =	swait.ge [sflag:s15], $0x4000  }
0xa6: {  	[sflag:s15] =	ssyncset.done $0x0  }
0xa7: {  	[sflag:s15] =	ssyncadd.s32 $0xFFFFC000  }
0xa8: {  	[spmem:s2] =	stream.indirect.scatter.add.f32 [tilespmem:s13], [sflag:$0x3], $0x80, s0, s12, $0xb8;
	[tilespmem:$0x1D000] =	vst v63  }
0xa9: {  	_ =	swait.ge [sflag:s10], $0x4000  }
0xaa: {  	[sflag:s10] =	ssyncset.done $0x0  }
0xab: {  	[sflag:s10] =	ssyncadd.s32 $0xFFFFC000  }
0xac: {  	_ =	swait.ge [sflag:s16], $0x4000  }
0xad: {  	[sflag:s16] =	ssyncset.done $0x0  }
0xae: {  	[sflag:s16] =	ssyncadd.s32 $0xFFFFC000  }
0xaf: {  	[spmem:s2] =	stream.indirect.scatter.add.f32 [tilespmem:s14], [sflag:$0x3], $0x80, s5, s12, $0xb8;
	[tilespmem:$0x1D000] =	vst v63  }
0xb0: {  	s6 =	simm.s32 $0x200;
	_ =	swait.ge [sflag:s10], $0x4000  }
0xb1: {  	s8 =	simm.s32 $0x100;
	s9 =	rddreg [dreg:$0x5];
	[sflag:s10] =	ssyncset.done $0x0  }
.LBB2_2:
0xb2: {  	[sflag:s10] =	ssyncadd.s32 $0xFFFFC000;
	s9 =	sadd.s32 s8, s9  }
0xb3: {  	[tilespmem:s3], [sflag:$0x3] =	stream.linear.gather [hbm4b:s9+s3], $0x800, $0x38;
	[tilespmem:$0x1D000] =	vst v63  }
0xb4: {  	_ =	swait.ge [sflag:s10], $0x800  }
0xb5: {  	s9 =	rddreg [dreg:$0x4];
	[sflag:s10] =	ssyncset.done $0x0  }
0xb6: {  	[sflag:s10] =	ssyncadd.s32 $0xFFFFF800;
	s9 =	sadd.s32 s8, s9  }
0xb7: {  	[tilespmem:s11], [sflag:$0x3] =	stream.linear.gather [hbm4b:s9+s3], $0x800, $0x38;
	[tilespmem:$0x1D000] =	vst v63  }
0xb8: {  	_ =	swait.ge [sflag:s10], $0x800  }
0xb9: {  	[sflag:s10] =	ssyncset.done $0x0  }
0xba: {  	[sflag:s10] =	ssyncadd.s32 $0xFFFFF800  }
0xbb: {  	[tilespmem:s13], [sflag:$0x1] =	stream.indirect.gather [hbm4b:s4+s12], $0x80, s3, s12, $0xb8;
	[tilespmem:$0x1D000] =	vst v63  }
0xbc: {  	_ = 	snop  }
0xbd: {  	[tilespmem:s14], [sflag:$0x2] =	stream.indirect.gather [hbm4b:s4+s12], $0x80, s12, s12, $0xb8;
	[tilespmem:$0x1D000] =	vst v63  }
0xbe: {  	_ =	swait.ge [sflag:s15], $0x4000  }
0xbf: {  	[sflag:s15] =	ssyncset.done $0x0  }
0xc0: {  	[sflag:s15] =	ssyncadd.s32 $0xFFFFC000  }
0xc1: {  	[spmem:s2] =	stream.indirect.scatter.add.f32 [tilespmem:s13], [sflag:$0x3], $0x80, s11, s12, $0xb8;
	[tilespmem:$0x1D000] =	vst v63  }
0xc2: {  	_ =	swait.ge [sflag:s10], $0x4000  }
0xc3: {  	[sflag:s10] =	ssyncset.done $0x0  }
0xc4: {  	s9 =	rddreg [dreg:$0x6];
	[sflag:s10] =	ssyncadd.s32 $0xFFFFC000  }
0xc5: {  	[tilespmem:s13], [sflag:$0x1] =	stream.indirect.gather [hbm4b:s4+s12], $0x80, s9, s12, $0xb8;
	[tilespmem:$0x1D000] =	vst v63  }
0xc6: {  	_ =	swait.ge [sflag:s16], $0x4000  }
0xc7: {  	[sflag:s16] =	ssyncset.done $0x0  }
0xc8: {  	s9 =	rddreg [dreg:$0x7];
	[sflag:s16] =	ssyncadd.s32 $0xFFFFC000  }
0xc9: {  	[spmem:s2] =	stream.indirect.scatter.add.f32 [tilespmem:s14], [sflag:$0x3], $0x80, s9, s12, $0xb8;
	[tilespmem:$0x1D000] =	vst v63  }
0xca: {  	_ =	swait.ge [sflag:s10], $0x4000  }
0xcb: {  	[sflag:s10] =	ssyncset.done $0x0  }
0xcc: {  	s9 =	rddreg [dreg:$0x8];
	[sflag:s10] =	ssyncadd.s32 $0xFFFFC000  }
0xcd: {  	[tilespmem:s14], [sflag:$0x2] =	stream.indirect.gather [hbm4b:s4+s12], $0x80, s9, s12, $0xb8;
	[tilespmem:$0x1D000] =	vst v63  }
0xce: {  	_ =	swait.ge [sflag:s15], $0x4000  }
0xcf: {  	[sflag:s15] =	ssyncset.done $0x0  }
0xd0: {  	s9 =	rddreg [dreg:$0x9];
	[sflag:s15] =	ssyncadd.s32 $0xFFFFC000  }
0xd1: {  	[spmem:s2] =	stream.indirect.scatter.add.f32 [tilespmem:s13], [sflag:$0x3], $0x80, s9, s12, $0xb8;
	[tilespmem:$0x1D000] =	vst v63  }
0xd2: {  	_ =	swait.ge [sflag:s10], $0x4000  }
0xd3: {  	[sflag:s10] =	ssyncset.done $0x0  }
0xd4: {  	s9 =	rddreg [dreg:$0xa];
	[sflag:s10] =	ssyncadd.s32 $0xFFFFC000  }
0xd5: {  	[tilespmem:s13], [sflag:$0x1] =	stream.indirect.gather [hbm4b:s4+s12], $0x80, s9, s12, $0xb8;
	[tilespmem:$0x1D000] =	vst v63  }
0xd6: {  	_ =	swait.ge [sflag:s16], $0x4000  }
0xd7: {  	[sflag:s16] =	ssyncset.done $0x0  }
0xd8: {  	s9 =	rddreg [dreg:$0xb];
	[sflag:s16] =	ssyncadd.s32 $0xFFFFC000  }
0xd9: {  	[spmem:s2] =	stream.indirect.scatter.add.f32 [tilespmem:s14], [sflag:$0x3], $0x80, s9, s12, $0xb8;
	[tilespmem:$0x1D000] =	vst v63  }
0xda: {  	_ =	swait.ge [sflag:s10], $0x4000  }
0xdb: {  	[sflag:s10] =	ssyncset.done $0x0  }
0xdc: {  	s9 =	rddreg [dreg:$0xc];
	[sflag:s10] =	ssyncadd.s32 $0xFFFFC000  }
0xdd: {  	[tilespmem:s14], [sflag:$0x2] =	stream.indirect.gather [hbm4b:s4+s12], $0x80, s9, s12, $0xb8;
	[tilespmem:$0x1D000] =	vst v63  }
0xde: {  	_ =	swait.ge [sflag:s15], $0x4000  }
0xdf: {  	[sflag:s15] =	ssyncset.done $0x0  }
0xe0: {  	s9 =	rddreg [dreg:$0xd];
	[sflag:s15] =	ssyncadd.s32 $0xFFFFC000  }
0xe1: {  	[spmem:s2] =	stream.indirect.scatter.add.f32 [tilespmem:s13], [sflag:$0x3], $0x80, s9, s12, $0xb8;
	[tilespmem:$0x1D000] =	vst v63  }
0xe2: {  	_ =	swait.ge [sflag:s10], $0x4000  }
0xe3: {  	[sflag:s10] =	ssyncset.done $0x0  }
0xe4: {  	s9 =	rddreg [dreg:$0xe];
	[sflag:s10] =	ssyncadd.s32 $0xFFFFC000  }
0xe5: {  	[tilespmem:s13], [sflag:$0x1] =	stream.indirect.gather [hbm4b:s4+s12], $0x80, s9, s12, $0xb8;
	[tilespmem:$0x1D000] =	vst v63  }
0xe6: {  	_ =	swait.ge [sflag:s16], $0x4000  }
0xe7: {  	[sflag:s16] =	ssyncset.done $0x0  }
0xe8: {  	s9 =	rddreg [dreg:$0xf];
	[sflag:s16] =	ssyncadd.s32 $0xFFFFC000  }
0xe9: {  	[spmem:s2] =	stream.indirect.scatter.add.f32 [tilespmem:s14], [sflag:$0x3], $0x80, s9, s12, $0xb8;
	[tilespmem:$0x1D000] =	vst v63  }
0xea: {  	_ =	swait.ge [sflag:s10], $0x4000  }
0xeb: {  	[sflag:s10] =	ssyncset.done $0x0  }
0xec: {  	s9 =	rddreg [dreg:$0x10];
	[sflag:s10] =	ssyncadd.s32 $0xFFFFC000  }
0xed: {  	[tilespmem:s14], [sflag:$0x2] =	stream.indirect.gather [hbm4b:s4+s12], $0x80, s9, s12, $0xb8;
	[tilespmem:$0x1D000] =	vst v63  }
0xee: {  	_ =	swait.ge [sflag:s15], $0x4000  }
0xef: {  	[sflag:s15] =	ssyncset.done $0x0  }
0xf0: {  	s9 =	rddreg [dreg:$0x11];
	[sflag:s15] =	ssyncadd.s32 $0xFFFFC000  }
0xf1: {  	[spmem:s2] =	stream.indirect.scatter.add.f32 [tilespmem:s13], [sflag:$0x3], $0x80, s9, s12, $0xb8;
	[tilespmem:$0x1D000] =	vst v63  }
0xf2: {  	_ =	swait.ge [sflag:s10], $0x4000  }
0xf3: {  	[sflag:s10] =	ssyncset.done $0x0  }
0xf4: {  	[sflag:s10] =	ssyncadd.s32 $0xFFFFC000  }
0xf5: {  	[tilespmem:s13], [sflag:$0x1] =	stream.indirect.gather [hbm4b:s4+s12], $0x80, s17, s12, $0xb8;
	[tilespmem:$0x1D000] =	vst v63  }
0xf6: {  	_ =	swait.ge [sflag:s16], $0x4000  }
0xf7: {  	[sflag:s16] =	ssyncset.done $0x0  }
0xf8: {  	[sflag:s16] =	ssyncadd.s32 $0xFFFFC000  }
0xf9: {  	[spmem:s2] =	stream.indirect.scatter.add.f32 [tilespmem:s14], [sflag:$0x3], $0x80, s18, s12, $0xb8;
	[tilespmem:$0x1D000] =	vst v63  }
0xfa: {  	_ =	swait.ge [sflag:s10], $0x4000  }
0xfb: {  	[sflag:s10] =	ssyncset.done $0x0  }
0xfc: {  	[sflag:s10] =	ssyncadd.s32 $0xFFFFC000  }
0xfd: {  	[tilespmem:s14], [sflag:$0x2] =	stream.indirect.gather [hbm4b:s4+s12], $0x80, s19, s12, $0xb8;
	[tilespmem:$0x1D000] =	vst v63  }
0xfe: {  	_ =	swait.ge [sflag:s15], $0x4000  }
0xff: {  	[sflag:s15] =	ssyncset.done $0x0  }
0x100: {  	[sflag:s15] =	ssyncadd.s32 $0xFFFFC000  }
0x101: {  	[spmem:s2] =	stream.indirect.scatter.add.f32 [tilespmem:s13], [sflag:$0x3], $0x80, s20, s12, $0xb8;
	[tilespmem:$0x1D000] =	vst v63  }
0x102: {  	_ =	swait.ge [sflag:s10], $0x4000  }
0x103: {  	[sflag:s10] =	ssyncset.done $0x0  }
0x104: {  	[sflag:s10] =	ssyncadd.s32 $0xFFFFC000  }
0x105: {  	[tilespmem:s13], [sflag:$0x1] =	stream.indirect.gather [hbm4b:s4+s12], $0x80, s21, s12, $0xb8;
	[tilespmem:$0x1D000] =	vst v63  }
0x106: {  	_ =	swait.ge [sflag:s16], $0x4000  }
0x107: {  	[sflag:s16] =	ssyncset.done $0x0  }
0x108: {  	[sflag:s16] =	ssyncadd.s32 $0xFFFFC000  }
0x109: {  	[spmem:s2] =	stream.indirect.scatter.add.f32 [tilespmem:s14], [sflag:$0x3], $0x80, s22, s12, $0xb8;
	[tilespmem:$0x1D000] =	vst v63  }
0x10a: {  	_ =	swait.ge [sflag:s10], $0x4000  }
0x10b: {  	[sflag:s10] =	ssyncset.done $0x0  }
0x10c: {  	[sflag:s10] =	ssyncadd.s32 $0xFFFFC000  }
0x10d: {  	[tilespmem:s14], [sflag:$0x2] =	stream.indirect.gather [hbm4b:s4+s12], $0x80, s23, s12, $0xb8;
	[tilespmem:$0x1D000] =	vst v63  }
0x10e: {  	_ =	swait.ge [sflag:s15], $0x4000  }
0x10f: {  	[sflag:s15] =	ssyncset.done $0x0  }
0x110: {  	[sflag:s15] =	ssyncadd.s32 $0xFFFFC000  }
0x111: {  	[spmem:s2] =	stream.indirect.scatter.add.f32 [tilespmem:s13], [sflag:$0x3], $0x80, s24, s12, $0xb8;
	[tilespmem:$0x1D000] =	vst v63  }
0x112: {  	_ =	swait.ge [sflag:s10], $0x4000  }
0x113: {  	[sflag:s10] =	ssyncset.done $0x0  }
0x114: {  	[sflag:s10] =	ssyncadd.s32 $0xFFFFC000  }
0x115: {  	[tilespmem:s13], [sflag:$0x1] =	stream.indirect.gather [hbm4b:s4+s12], $0x80, s25, s12, $0xb8;
	[tilespmem:$0x1D000] =	vst v63  }
0x116: {  	_ =	swait.ge [sflag:s16], $0x4000  }
0x117: {  	[sflag:s16] =	ssyncset.done $0x0  }
0x118: {  	[sflag:s16] =	ssyncadd.s32 $0xFFFFC000  }
0x119: {  	[spmem:s2] =	stream.indirect.scatter.add.f32 [tilespmem:s14], [sflag:$0x3], $0x80, s26, s12, $0xb8;
	[tilespmem:$0x1D000] =	vst v63  }
0x11a: {  	_ =	swait.ge [sflag:s10], $0x4000  }
0x11b: {  	[sflag:s10] =	ssyncset.done $0x0  }
0x11c: {  	[sflag:s10] =	ssyncadd.s32 $0xFFFFC000  }
0x11d: {  	[tilespmem:s14], [sflag:$0x2] =	stream.indirect.gather [hbm4b:s4+s12], $0x80, s28, s12, $0xb8;
	[tilespmem:$0x1D000] =	vst v63  }
0x11e: {  	_ =	swait.ge [sflag:s15], $0x4000  }
0x11f: {  	[sflag:s15] =	ssyncset.done $0x0  }
0x120: {  	[sflag:s15] =	ssyncadd.s32 $0xFFFFC000  }
0x121: {  	[spmem:s2] =	stream.indirect.scatter.add.f32 [tilespmem:s13], [sflag:$0x3], $0x80, s29, s12, $0xb8;
	[tilespmem:$0x1D000] =	vst v63  }
0x122: {  	_ =	swait.ge [sflag:s10], $0x4000  }
0x123: {  	[sflag:s10] =	ssyncset.done $0x0  }
0x124: {  	[sflag:s10] =	ssyncadd.s32 $0xFFFFC000  }
0x125: {  	[tilespmem:s13], [sflag:$0x1] =	stream.indirect.gather [hbm4b:s4+s12], $0x80, s30, s12, $0xb8;
	[tilespmem:$0x1D000] =	vst v63  }
0x126: {  	_ =	swait.ge [sflag:s16], $0x4000  }
0x127: {  	[sflag:s16] =	ssyncset.done $0x0  }
0x128: {  	[sflag:s16] =	ssyncadd.s32 $0xFFFFC000  }
0x129: {  	[spmem:s2] =	stream.indirect.scatter.add.f32 [tilespmem:s14], [sflag:$0x3], $0x80, s31, s12, $0xb8;
	[tilespmem:$0x1D000] =	vst v63  }
0x12a: {  	_ =	swait.ge [sflag:s10], $0x4000  }
0x12b: {  	[sflag:s10] =	ssyncset.done $0x0  }
0x12c: {  	[sflag:s10] =	ssyncadd.s32 $0xFFFFC000  }
0x12d: {  	[tilespmem:s14], [sflag:$0x2] =	stream.indirect.gather [hbm4b:s4+s12], $0x80, s1, s12, $0xb8;
	[tilespmem:$0x1D000] =	vst v63  }
0x12e: {  	_ =	swait.ge [sflag:s15], $0x4000  }
0x12f: {  	[sflag:s15] =	ssyncset.done $0x0  }
0x130: {  	[sflag:s15] =	ssyncadd.s32 $0xFFFFC000  }
0x131: {  	[spmem:s2] =	stream.indirect.scatter.add.f32 [tilespmem:s13], [sflag:$0x3], $0x80, s0, s12, $0xb8;
	[tilespmem:$0x1D000] =	vst v63  }
0x132: {  	_ =	swait.ge [sflag:s10], $0x4000  }
0x133: {  	[sflag:s10] =	ssyncset.done $0x0  }
0x134: {  	[sflag:s10] =	ssyncadd.s32 $0xFFFFC000  }
0x135: {  	p0 =	sne.s32 s6, $0x400;
	_ =	swait.ge [sflag:s16], $0x4000  }
.Ltmp0:
0x136: {  	[sflag:s16] =	ssyncset.done $0x0;
	(pc) =	sbr.rel @p0 .LBB2_2-.Ltmp0, $4  }
0x137: {  	[sflag:s16] =	ssyncadd.s32 $0xFFFFC000  }
0x138: {  	[spmem:s2] =	stream.indirect.scatter.add.f32 [tilespmem:s14], [sflag:$0x3], $0x80, s5, s12, $0xb8;
	[tilespmem:$0x1D000] =	vst v63  }
0x139: {  	s7 =	smov.u32 s6;
	s6 =	sadd.s32 $0x100, s6;
	_ =	swait.ge [sflag:s10], $0x4000  }
0x13a: {  	s8 =	smov.u32 s7;
	s9 =	rddreg [dreg:$0x5];
	[sflag:s10] =	ssyncset.done $0x0  }
0x13b: {  	[sflag:s10] =	ssyncadd.s32 $0xFFFFC000;
	s6 =	sadd.s32 s8, s9  }
0x13c: {  	[tilespmem:s3], [sflag:$0x3] =	stream.linear.gather [hbm4b:s6+s3], $0x800, $0x38;
	[tilespmem:$0x1D000] =	vst v63  }
0x13d: {  	_ =	swait.ge [sflag:s10], $0x800  }
0x13e: {  	s7 =	rddreg [dreg:$0x4];
	[sflag:s10] =	ssyncset.done $0x0  }
0x13f: {  	s6 =	sadd.s32 s8, s7;
	[sflag:s10] =	ssyncadd.s32 $0xFFFFF800  }
0x140: {  	[tilespmem:s11], [sflag:$0x3] =	stream.linear.gather [hbm4b:s6+s3], $0x800, $0x38;
	[tilespmem:$0x1D000] =	vst v63  }
0x141: {  	_ =	swait.ge [sflag:s10], $0x800  }
0x142: {  	[sflag:s10] =	ssyncset.done $0x0  }
0x143: {  	[sflag:s10] =	ssyncadd.s32 $0xFFFFF800  }
0x144: {  	[tilespmem:s13], [sflag:$0x1] =	stream.indirect.gather [hbm4b:s4+s12], $0x80, s3, s12, $0xb8;
	[tilespmem:$0x1D000] =	vst v63  }
0x145: {  	_ = 	snop  }
0x146: {  	[tilespmem:s14], [sflag:$0x2] =	stream.indirect.gather [hbm4b:s4+s12], $0x80, s12, s12, $0xb8;
	[tilespmem:$0x1D000] =	vst v63  }
0x147: {  	_ =	swait.ge [sflag:s15], $0x4000  }
0x148: {  	[sflag:s15] =	ssyncset.done $0x0  }
0x149: {  	[sflag:s15] =	ssyncadd.s32 $0xFFFFC000  }
0x14a: {  	[spmem:s2] =	stream.indirect.scatter.add.f32 [tilespmem:s13], [sflag:$0x3], $0x80, s11, s12, $0xb8;
	[tilespmem:$0x1D000] =	vst v63  }
0x14b: {  	_ =	swait.ge [sflag:s10], $0x4000  }
0x14c: {  	[sflag:s10] =	ssyncset.done $0x0  }
0x14d: {  	s9 =	rddreg [dreg:$0x6];
	[sflag:s10] =	ssyncadd.s32 $0xFFFFC000  }
0x14e: {  	[tilespmem:s13], [sflag:$0x1] =	stream.indirect.gather [hbm4b:s4+s12], $0x80, s9, s12, $0xb8;
	[tilespmem:$0x1D000] =	vst v63  }
0x14f: {  	_ =	swait.ge [sflag:s16], $0x4000  }
0x150: {  	[sflag:s16] =	ssyncset.done $0x0  }
0x151: {  	s7 =	rddreg [dreg:$0x7];
	[sflag:s16] =	ssyncadd.s32 $0xFFFFC000  }
0x152: {  	[spmem:s2] =	stream.indirect.scatter.add.f32 [tilespmem:s14], [sflag:$0x3], $0x80, s7, s12, $0xb8;
	[tilespmem:$0x1D000] =	vst v63  }
0x153: {  	_ =	swait.ge [sflag:s10], $0x4000  }
0x154: {  	[sflag:s10] =	ssyncset.done $0x0  }
0x155: {  	s8 =	rddreg [dreg:$0x8];
	[sflag:s10] =	ssyncadd.s32 $0xFFFFC000  }
0x156: {  	[tilespmem:s14], [sflag:$0x2] =	stream.indirect.gather [hbm4b:s4+s12], $0x80, s8, s12, $0xb8;
	[tilespmem:$0x1D000] =	vst v63  }
0x157: {  	_ =	swait.ge [sflag:s15], $0x4000  }
0x158: {  	[sflag:s15] =	ssyncset.done $0x0  }
0x159: {  	s9 =	rddreg [dreg:$0x9];
	[sflag:s15] =	ssyncadd.s32 $0xFFFFC000  }
0x15a: {  	[spmem:s2] =	stream.indirect.scatter.add.f32 [tilespmem:s13], [sflag:$0x3], $0x80, s9, s12, $0xb8;
	[tilespmem:$0x1D000] =	vst v63  }
0x15b: {  	_ =	swait.ge [sflag:s10], $0x4000  }
0x15c: {  	[sflag:s10] =	ssyncset.done $0x0  }
0x15d: {  	s7 =	rddreg [dreg:$0xa];
	[sflag:s10] =	ssyncadd.s32 $0xFFFFC000  }
0x15e: {  	[tilespmem:s13], [sflag:$0x1] =	stream.indirect.gather [hbm4b:s4+s12], $0x80, s7, s12, $0xb8;
	[tilespmem:$0x1D000] =	vst v63  }
0x15f: {  	_ =	swait.ge [sflag:s16], $0x4000  }
0x160: {  	[sflag:s16] =	ssyncset.done $0x0  }
0x161: {  	s8 =	rddreg [dreg:$0xb];
	[sflag:s16] =	ssyncadd.s32 $0xFFFFC000  }
0x162: {  	[spmem:s2] =	stream.indirect.scatter.add.f32 [tilespmem:s14], [sflag:$0x3], $0x80, s8, s12, $0xb8;
	[tilespmem:$0x1D000] =	vst v63  }
0x163: {  	_ =	swait.ge [sflag:s10], $0x4000  }
0x164: {  	[sflag:s10] =	ssyncset.done $0x0  }
0x165: {  	s9 =	rddreg [dreg:$0xc];
	[sflag:s10] =	ssyncadd.s32 $0xFFFFC000  }
0x166: {  	[tilespmem:s14], [sflag:$0x2] =	stream.indirect.gather [hbm4b:s4+s12], $0x80, s9, s12, $0xb8;
	[tilespmem:$0x1D000] =	vst v63  }
0x167: {  	_ =	swait.ge [sflag:s15], $0x4000  }
0x168: {  	[sflag:s15] =	ssyncset.done $0x0  }
0x169: {  	s7 =	rddreg [dreg:$0xd];
	[sflag:s15] =	ssyncadd.s32 $0xFFFFC000  }
0x16a: {  	[spmem:s2] =	stream.indirect.scatter.add.f32 [tilespmem:s13], [sflag:$0x3], $0x80, s7, s12, $0xb8;
	[tilespmem:$0x1D000] =	vst v63  }
0x16b: {  	_ =	swait.ge [sflag:s10], $0x4000  }
0x16c: {  	[sflag:s10] =	ssyncset.done $0x0  }
0x16d: {  	s8 =	rddreg [dreg:$0xe];
	[sflag:s10] =	ssyncadd.s32 $0xFFFFC000  }
0x16e: {  	[tilespmem:s13], [sflag:$0x1] =	stream.indirect.gather [hbm4b:s4+s12], $0x80, s8, s12, $0xb8;
	[tilespmem:$0x1D000] =	vst v63  }
0x16f: {  	_ =	swait.ge [sflag:s16], $0x4000  }
0x170: {  	[sflag:s16] =	ssyncset.done $0x0  }
0x171: {  	s9 =	rddreg [dreg:$0xf];
	[sflag:s16] =	ssyncadd.s32 $0xFFFFC000  }
0x172: {  	[spmem:s2] =	stream.indirect.scatter.add.f32 [tilespmem:s14], [sflag:$0x3], $0x80, s9, s12, $0xb8;
	[tilespmem:$0x1D000] =	vst v63  }
0x173: {  	_ =	swait.ge [sflag:s10], $0x4000  }
0x174: {  	[sflag:s10] =	ssyncset.done $0x0  }
0x175: {  	s7 =	rddreg [dreg:$0x10];
	[sflag:s10] =	ssyncadd.s32 $0xFFFFC000  }
0x176: {  	[tilespmem:s14], [sflag:$0x2] =	stream.indirect.gather [hbm4b:s4+s12], $0x80, s7, s12, $0xb8;
	[tilespmem:$0x1D000] =	vst v63  }
0x177: {  	_ =	swait.ge [sflag:s15], $0x4000  }
0x178: {  	[sflag:s15] =	ssyncset.done $0x0  }
0x179: {  	s8 =	rddreg [dreg:$0x11];
	[sflag:s15] =	ssyncadd.s32 $0xFFFFC000  }
0x17a: {  	[spmem:s2] =	stream.indirect.scatter.add.f32 [tilespmem:s13], [sflag:$0x3], $0x80, s8, s12, $0xb8;
	[tilespmem:$0x1D000] =	vst v63  }
0x17b: {  	_ =	swait.ge [sflag:s10], $0x4000  }
0x17c: {  	[sflag:s10] =	ssyncset.done $0x0  }
0x17d: {  	[sflag:s10] =	ssyncadd.s32 $0xFFFFC000  }
0x17e: {  	[tilespmem:s13], [sflag:$0x1] =	stream.indirect.gather [hbm4b:s4+s12], $0x80, s17, s12, $0xb8;
	[tilespmem:$0x1D000] =	vst v63  }
0x17f: {  	_ =	swait.ge [sflag:s16], $0x4000  }
0x180: {  	[sflag:s16] =	ssyncset.done $0x0  }
0x181: {  	[sflag:s16] =	ssyncadd.s32 $0xFFFFC000  }
0x182: {  	[spmem:s2] =	stream.indirect.scatter.add.f32 [tilespmem:s14], [sflag:$0x3], $0x80, s18, s12, $0xb8;
	[tilespmem:$0x1D000] =	vst v63  }
0x183: {  	_ =	swait.ge [sflag:s10], $0x4000  }
0x184: {  	[sflag:s10] =	ssyncset.done $0x0  }
0x185: {  	[sflag:s10] =	ssyncadd.s32 $0xFFFFC000  }
0x186: {  	[tilespmem:s14], [sflag:$0x2] =	stream.indirect.gather [hbm4b:s4+s12], $0x80, s19, s12, $0xb8;
	[tilespmem:$0x1D000] =	vst v63  }
0x187: {  	_ =	swait.ge [sflag:s15], $0x4000  }
0x188: {  	[sflag:s15] =	ssyncset.done $0x0  }
0x189: {  	[sflag:s15] =	ssyncadd.s32 $0xFFFFC000  }
0x18a: {  	[spmem:s2] =	stream.indirect.scatter.add.f32 [tilespmem:s13], [sflag:$0x3], $0x80, s20, s12, $0xb8;
	[tilespmem:$0x1D000] =	vst v63  }
0x18b: {  	_ =	swait.ge [sflag:s10], $0x4000  }
0x18c: {  	[sflag:s10] =	ssyncset.done $0x0  }
0x18d: {  	[sflag:s10] =	ssyncadd.s32 $0xFFFFC000  }
0x18e: {  	[tilespmem:s13], [sflag:$0x1] =	stream.indirect.gather [hbm4b:s4+s12], $0x80, s21, s12, $0xb8;
	[tilespmem:$0x1D000] =	vst v63  }
0x18f: {  	_ =	swait.ge [sflag:s16], $0x4000  }
0x190: {  	[sflag:s16] =	ssyncset.done $0x0  }
0x191: {  	[sflag:s16] =	ssyncadd.s32 $0xFFFFC000  }
0x192: {  	[spmem:s2] =	stream.indirect.scatter.add.f32 [tilespmem:s14], [sflag:$0x3], $0x80, s22, s12, $0xb8;
	[tilespmem:$0x1D000] =	vst v63  }
0x193: {  	_ =	swait.ge [sflag:s10], $0x4000  }
0x194: {  	[sflag:s10] =	ssyncset.done $0x0  }
0x195: {  	[sflag:s10] =	ssyncadd.s32 $0xFFFFC000  }
0x196: {  	[tilespmem:s14], [sflag:$0x2] =	stream.indirect.gather [hbm4b:s4+s12], $0x80, s23, s12, $0xb8;
	[tilespmem:$0x1D000] =	vst v63  }
0x197: {  	_ =	swait.ge [sflag:s15], $0x4000  }
0x198: {  	[sflag:s15] =	ssyncset.done $0x0  }
0x199: {  	[sflag:s15] =	ssyncadd.s32 $0xFFFFC000  }
0x19a: {  	[spmem:s2] =	stream.indirect.scatter.add.f32 [tilespmem:s13], [sflag:$0x3], $0x80, s24, s12, $0xb8;
	[tilespmem:$0x1D000] =	vst v63  }
0x19b: {  	_ =	swait.ge [sflag:s10], $0x4000  }
0x19c: {  	[sflag:s10] =	ssyncset.done $0x0  }
0x19d: {  	[sflag:s10] =	ssyncadd.s32 $0xFFFFC000  }
0x19e: {  	[tilespmem:s13], [sflag:$0x1] =	stream.indirect.gather [hbm4b:s4+s12], $0x80, s25, s12, $0xb8;
	[tilespmem:$0x1D000] =	vst v63  }
0x19f: {  	_ =	swait.ge [sflag:s16], $0x4000  }
0x1a0: {  	[sflag:s16] =	ssyncset.done $0x0  }
0x1a1: {  	[sflag:s16] =	ssyncadd.s32 $0xFFFFC000  }
0x1a2: {  	[spmem:s2] =	stream.indirect.scatter.add.f32 [tilespmem:s14], [sflag:$0x3], $0x80, s26, s12, $0xb8;
	[tilespmem:$0x1D000] =	vst v63  }
0x1a3: {  	_ =	swait.ge [sflag:s10], $0x4000  }
0x1a4: {  	[sflag:s10] =	ssyncset.done $0x0  }
0x1a5: {  	[sflag:s10] =	ssyncadd.s32 $0xFFFFC000  }
0x1a6: {  	[tilespmem:s14], [sflag:$0x2] =	stream.indirect.gather [hbm4b:s4+s12], $0x80, s28, s12, $0xb8;
	[tilespmem:$0x1D000] =	vst v63  }
0x1a7: {  	_ =	swait.ge [sflag:s15], $0x4000  }
0x1a8: {  	[sflag:s15] =	ssyncset.done $0x0  }
0x1a9: {  	[sflag:s15] =	ssyncadd.s32 $0xFFFFC000  }
0x1aa: {  	[spmem:s2] =	stream.indirect.scatter.add.f32 [tilespmem:s13], [sflag:$0x3], $0x80, s29, s12, $0xb8;
	[tilespmem:$0x1D000] =	vst v63  }
0x1ab: {  	_ =	swait.ge [sflag:s10], $0x4000  }
0x1ac: {  	[sflag:s10] =	ssyncset.done $0x0  }
0x1ad: {  	[sflag:s10] =	ssyncadd.s32 $0xFFFFC000  }
0x1ae: {  	[tilespmem:s13], [sflag:$0x1] =	stream.indirect.gather [hbm4b:s4+s12], $0x80, s30, s12, $0xb8;
	[tilespmem:$0x1D000] =	vst v63  }
0x1af: {  	_ =	swait.ge [sflag:s16], $0x4000  }
0x1b0: {  	[sflag:s16] =	ssyncset.done $0x0  }
0x1b1: {  	[sflag:s16] =	ssyncadd.s32 $0xFFFFC000  }
0x1b2: {  	[spmem:s2] =	stream.indirect.scatter.add.f32 [tilespmem:s14], [sflag:$0x3], $0x80, s31, s12, $0xb8;
	[tilespmem:$0x1D000] =	vst v63  }
0x1b3: {  	_ =	swait.ge [sflag:s10], $0x4000  }
0x1b4: {  	[sflag:s10] =	ssyncset.done $0x0  }
0x1b5: {  	[sflag:s10] =	ssyncadd.s32 $0xFFFFC000  }
0x1b6: {  	[tilespmem:s14], [sflag:$0x2] =	stream.indirect.gather [hbm4b:s4+s12], $0x80, s1, s12, $0xb8;
	[tilespmem:$0x1D000] =	vst v63  }
0x1b7: {  	_ =	swait.ge [sflag:s15], $0x4000  }
0x1b8: {  	[sflag:s15] =	ssyncset.done $0x0  }
0x1b9: {  	[sflag:s15] =	ssyncadd.s32 $0xFFFFC000  }
0x1ba: {  	[spmem:s2] =	stream.indirect.scatter.add.f32 [tilespmem:s13], [sflag:$0x3], $0x80, s0, s12, $0xb8;
	[tilespmem:$0x1D000] =	vst v63  }
0x1bb: {  	_ =	swait.ge [sflag:s10], $0x4000  }
0x1bc: {  	[sflag:s10] =	ssyncset.done $0x0  }
0x1bd: {  	[sflag:s10] =	ssyncadd.s32 $0xFFFFC000  }
0x1be: {  	_ =	swait.ge [sflag:s16], $0x4000  }
0x1bf: {  	[sflag:s16] =	ssyncset.done $0x0  }
0x1c0: {  	[sflag:s16] =	ssyncadd.s32 $0xFFFFC000  }
0x1c1: {  	[spmem:s2] =	stream.indirect.scatter.add.f32 [tilespmem:s14], [sflag:$0x3], $0x80, s5, s12, $0xb8;
	[tilespmem:$0x1D000] =	vst v63  }
0x1c2: {  	_ =	swait.ge [sflag:s10], $0x4000  }
0x1c3: {  	[sflag:s10] =	ssyncset.done $0x0  }
0x1c4: {  	[sflag:s10] =	ssyncadd.s32 $0xFFFFC000  }
0x1c5: {  	[bflag:$0x0] =	sbarrier.arrive $0xFFFF  }
0x1c6: {  	s7 =	rddreg [dreg:$0x13]  }
0x1c7: {  	s9 =	rddreg [dreg:$0x14]  }
0x1c8: {  	s8 =	rddreg [dreg:$0x16]  }
0x1c9: {  	[hbm:s9], [sflag:s7] =	dma.local [spmem:s8], $0x2800  }
0x1ca: {  	_ =	swait.ge [sflag:s10], $0x2800  }
0x1cb: {  	s6 =	rddreg [dreg:$0x17]  }
0x1cc: {  	s9 =	sadd.s32 $0x1, s6;
	s6 =	rddreg [dreg:$0x15]  }
0x1cd: {  	p0 =	sne.s32 s9, s6  }
.Ltmp1:
0x1ce: {  	_ = 	snop;
	(pc) =	sbr.rel @p0 .LBB2_1-.Ltmp1, $3  }
0x1cf: {  	_ =	sdelay $0x1  }
0x1d0: {  	[sflag:s10] =	ssyncset.done $0x0  }
0x1d1: {  	[sflag:s10] =	ssyncadd.s32 $0xFFFFD800  }
0x1d2: {  	_ =	sfence.sel $0x180000  }
0x1d3: {  	[bflag:$0x0] =	sbarrier.arrive $0xFFFF  }
0x1d4: {  	_ =	strace $0x9000004D  }
0x1d5: {  	s0 =	stileid.u32;
	[bflag:$0x2] =	sbarrier.arrive $0xFFFF  }
0x1d6: {  	p0 =	sne.s32 s0, $0x0;
	s0 =	rddreg [dreg:$0x3]  }
0x1d7: {  	s0 =	sadd.s32 @!p0 $0x100000, s0  }
0x1d8: {  	[sflag:s0] =	ssyncadd.tile.s32 @!p0 $0x1;
	_ =	shalt  }
.Lfunc_end2:
_tile_overlayer_lowered:
.L_overlay_start_2:
0x1d9: {  	(tag) =	ssettag $0x2  }
0x1da: {  	s0 =	rddreg [dreg:$0x0];
	s2 =	stileid.u32  }
0x1db: {  	s1 =	rddreg [dreg:$0x1];
	p0 =	sne.s32 s2, $0x0  }
0x1dc: {  	s3 =	rddreg [dreg:$0x2];
	[bflag:$0x3] =	sbarrier.arrive $0xFFFF;
	s2 =	simm.s32 @!p0 $0x1C03  }
0x1dd: {  	[timem:s3], [sflag:s2] =	dma.local @!p0 [hbm:s0], s1  }
0x1de: {  	s0 =	simm.s32 @!p0 $0x3  }
0x1df: {  	_ =	swait.ge @!p0 [sflag:s0], s1  }
0x1e0: {  	s1 =	ssub.s32 @!p0 $0x0, s1;
	[sflag:s0] =	ssyncset.done @!p0 $0x0  }
0x1e1: {  	[sflag:s0] =	ssyncadd.s32 @!p0 s1  }
0x1e2: {  	[bflag:$0x3] =	sbarrier.arrive $0xFFFF  }
0x1e3: {  	_ =	shalt  }

// kernel: kernel.8.cloned.1.call-start
scs
__scs_entry_jumppad:
0x0: {  	(pc) =	sbr.rel $0x88, $3  }
0x1: {  	(tag) =	ssettag $0x0;
	lr =	simm.s32 $0x1  }
0x2: {  	[smem:$0x3F9B] =	sst lr;
	_ =	strace $0xD0000000  }
0x3: {  	_ = 	snop  }
0x4: {  	_ = 	snop  }
0x5: {  	_ = 	snop  }
0x6: {  	_ = 	snop  }
0x7: {  	_ = 	snop  }
__scs_overlays_trampoline_lowered:
0x8: {  	[smem:$0x3FAA] =	sst s0  }
0x9: {  	[smem:$0x3FAB] =	sst s1  }
0xa: {  	[smem:$0x3FAC] =	sst s2  }
0xb: {  	[smem:$0x3FAD] =	sst s3  }
0xc: {  	[smem:$0x3FAE] =	sst s4  }
0xd: {  	[smem:$0x3FAF] =	sst s5  }
0xe: {  	[smem:$0x3FB0] =	sst s6  }
0xf: {  	[smem:$0x3FB1] =	sst s7  }
0x10: {  	[smem:$0x3FB2] =	sst s8  }
0x11: {  	[smem:$0x3FB3] =	sst s9;
	s0 =	simm.s32 @!p0 $0x0  }
0x12: {  	s1 =	sld [smem:$0x3F99];
	s0 =	simm.s32 @p0 $0x1  }
0x13: {  	[smem:$0x3FB4] =	sst s0;
	s0 =	simm.s32 @!p1 $0x0  }
0x14: {  	s2 =	sld [smem:$0x3F98];
	s0 =	simm.s32 @p1 $0x1  }
0x15: {  	[smem:$0x3FB5] =	sst s0;
	s0 =	simm.s32 @!p2 $0x0  }
0x16: {  	s3 =	sld [smem:$0x3FDB];
	s0 =	simm.s32 @p2 $0x1  }
0x17: {  	s4 =	simm.s32 $0x1BF5;
	[smem:$0x3FB7] =	sst s0  }
0x18: {  	s0 =	sld [smem:$0x3F9A];
	_ =	swait.ge [sflag:s4], $0x0  }
0x19: {  	s7 =	sld [smem:$0x3F9B]  }
0x1a: {  	s8 =	sadd.s32 $0xFFFFE003, lr  }
0x1b: {  	s9 =	sadd.s32 $0xFFFFFEF7, lr;
	s5 =	simm.s32 $0xFFFFFFFF;
	p2 =	slt.u32 s8, $0xFFFFF086  }
0x1c: {  	p1 =	slt.u32 s9, $0xF7A;
	s5 =	simm.s32 @!p2 $0x0  }
0x1d: {  	s5 =	simm.s32 @p1 $0x1;
	p0 =	seq.s32 s7, s2  }
0x1e: {  	s7 =	smul.u32 @!p0 $0xF7A, s2;
	p2 =	seq.s32 @!p0 s5, $0x0  }
0x1f: {  	s9 =	smul.u32 $0xF7A, s1;
	s8 =	simm.s32 @!p0 $0x1BF5;
	p2 =	por !p2, p0  }
0x20: {  	[sflag:s8] =	ssyncset.s32 @!p0 $0xFFFFF086;
	s6 =	sadd.s32 @!p0 s3, s7;
	s7 =	simm.s32 @!p0 $0x108  }
0x21: {  	s3 =	sadd.s32 s3, s9;
	s6 =	sadd.s32 @!p0 $0x88, s6;
	s7 =	simm.s32 @p2 $0x1082  }
0x22: {  	[simem:s7], [sflag:s8] =	dma.local @!p0 [hbm:s6], $0xF7A  }
0x23: {  	s9 =	sor.u32 $0xD0000000, s2;
	s6 =	simm.s32 $0x108;
	_ =	swait.ge @!p0 [sflag:s8], $0x0  }
0x24: {  	s3 =	sadd.s32 $0x88, s3;
	s6 =	simm.s32 @!p1 $0x1082;
	[sflag:s4] =	ssyncset.s32 $0xFFFFF086  }
0x25: {  	[simem:s6], [sflag:s4] =	dma.local [hbm:s3], $0xF7A  }
0x26: {  	[smem:$0x3F9B] =	sst s1;
	(tag) =	ssettag s2;
	_ =	strace s9  }
0x27: {  	s1 =	sld [smem:$0x3FAB]  }
0x28: {  	s2 =	sld [smem:$0x3FAC]  }
0x29: {  	s4 =	sld [smem:$0x3FAE]  }
0x2a: {  	p0 =	seq.s32 s5, $0x0;
	s5 =	sld [smem:$0x3FAF]  }
0x2b: {  	s6 =	sld [smem:$0x3FB0]  }
0x2c: {  	s7 =	sld [smem:$0x3FB1]  }
0x2d: {  	s3 =	simm.s32 $0x108;
	s8 =	sld [smem:$0x3FB2]  }
0x2e: {  	s3 =	simm.s32 @!p0 $0x1082;
	s9 =	sld [smem:$0x3FB3]  }
0x2f: {  	lr =	sadd.s32 s0, s3;
	s0 =	sld [smem:$0x3FAA]  }
0x30: {  	s3 =	sld [smem:$0x3FAD]  }
0x31: {  	[smem:$0x3FB6] =	sst s10  }
0x32: {  	s10 =	sld [smem:$0x3FB4];
	_ =	sdelay $0x3  }
0x33: {  	p0 =	seq.s32 s10, $0x1;
	s10 =	sld [smem:$0x3FB6];
	_ =	sdelay $0x3  }
0x34: {  	[smem:$0x3FB6] =	sst s10  }
0x35: {  	s10 =	sld [smem:$0x3FB5];
	_ =	sdelay $0x3  }
0x36: {  	p1 =	seq.s32 s10, $0x1;
	s10 =	sld [smem:$0x3FB6];
	_ =	sdelay $0x3  }
0x37: {  	[smem:$0x3FB6] =	sst s10  }
0x38: {  	s10 =	sld [smem:$0x3FB7]  }
0x39: {  	_ = 	snop;
	(pc) =	sbr.ind lr, $3  }
0x3a: {  	_ = 	snop  }
0x3b: {  	_ = 	snop  }
0x3c: {  	p2 =	seq.s32 s10, $0x1;
	s10 =	sld [smem:$0x3FB6]  }
0x3d: {  	_ =	shalt  }
0x3e: {  	_ =	shalt  }
0x3f: {  	_ =	shalt  }
0x40: {  	_ =	shalt  }
0x41: {  	_ =	shalt  }
0x42: {  	_ =	shalt  }
0x43: {  	_ =	shalt  }
0x44: {  	_ =	shalt  }
0x45: {  	_ =	shalt  }
0x46: {  	_ =	shalt  }
0x47: {  	_ =	shalt  }
0x48: {  	_ =	shalt  }
0x49: {  	_ =	shalt  }
0x4a: {  	_ =	shalt  }
0x4b: {  	_ =	shalt  }
0x4c: {  	_ =	shalt  }
0x4d: {  	_ =	shalt  }
0x4e: {  	_ =	shalt  }
0x4f: {  	_ =	shalt  }
0x50: {  	_ =	shalt  }
0x51: {  	_ =	shalt  }
0x52: {  	_ =	shalt  }
0x53: {  	_ =	shalt  }
0x54: {  	_ =	shalt  }
0x55: {  	_ =	shalt  }
0x56: {  	_ =	shalt  }
0x57: {  	_ =	shalt  }
0x58: {  	_ =	shalt  }
0x59: {  	_ =	shalt  }
0x5a: {  	_ =	shalt  }
0x5b: {  	_ =	shalt  }
0x5c: {  	_ =	shalt  }
0x5d: {  	_ =	shalt  }
0x5e: {  	_ =	shalt  }
0x5f: {  	_ =	shalt  }
0x60: {  	_ =	shalt  }
0x61: {  	_ =	shalt  }
0x62: {  	_ =	shalt  }
0x63: {  	_ =	shalt  }
0x64: {  	_ =	shalt  }
0x65: {  	_ =	shalt  }
0x66: {  	_ =	shalt  }
0x67: {  	_ =	shalt  }
0x68: {  	_ =	shalt  }
0x69: {  	_ =	shalt  }
0x6a: {  	_ =	shalt  }
0x6b: {  	_ =	shalt  }
0x6c: {  	_ =	shalt  }
0x6d: {  	_ =	shalt  }
0x6e: {  	_ =	shalt  }
0x6f: {  	_ =	shalt  }
0x70: {  	_ =	shalt  }
0x71: {  	_ =	shalt  }
0x72: {  	_ =	shalt  }
0x73: {  	_ =	shalt  }
0x74: {  	_ =	shalt  }
0x75: {  	_ =	shalt  }
0x76: {  	_ =	shalt  }
0x77: {  	_ =	shalt  }
0x78: {  	_ =	shalt  }
0x79: {  	_ =	shalt  }
0x7a: {  	_ =	shalt  }
0x7b: {  	_ =	shalt  }
0x7c: {  	_ =	shalt  }
0x7d: {  	_ =	shalt  }
0x7e: {  	_ =	shalt  }
0x7f: {  	_ =	shalt  }
0x80: {  	_ =	shalt  }
0x81: {  	_ =	shalt  }
0x82: {  	_ =	shalt  }
0x83: {  	_ =	shalt  }
0x84: {  	_ =	shalt  }
0x85: {  	_ =	shalt  }
0x86: {  	_ =	shalt  }
0x87: {  	_ =	shalt  }
.Lfunc_end0:
.L_simem_size_0:
called_computation_lowered:
.L_overlay_start_0:
0x88: {  	s2 =	sld [smem:$0x3FD9]  }
0x89: {  	s3 =	sld [smem:$0x3FFE];
	_ =	sdelay $0x1  }
0x8a: {  	s1 =	srdreg.scid  }
0x8b: {  	s0 =	sand.u32 $0x1, s1  }
0x8c: {  	s17 =	sshll.u32 s0, $0xA;
	s2 =	sadd.s32 s3, s2  }
0x8d: {  	s2 =	sadd.s32 s2, s17  }
0x8e: {  	[smem:$0x3FC2] =	sst s2  }
0x8f: {  	_ = 	snop  }
0x90: {  	s2 =	sld [smem:$0x3FD0];
	(tm) =	ssettm $0x1  }
0x91: {  	s18 =	sld [smem:$0x3FFB];
	_ =	sdelay $0x3  }
0x92: {  	_ =	strace s18  }
0x93: {  	s3 =	sld [smem:$0x3FFC];
	_ =	sdelay $0x3  }
0x94: {  	_ =	strace s3  }
0x95: {  	s3 =	sld [smem:$0x3FFD];
	_ =	sdelay $0x3  }
0x96: {  	_ =	strace s3  }
0x97: {  	_ =	strace $0x8FFFFFFF  }
0x98: {  	s19 =	sld [smem:$0x3FDB];
	_ =	sdelay $0x1  }
0x99: {  	s4 =	simm.s32 $_scs_section_size  }
0x9a: {  	s5 =	simm.s32 $_size__tile_overlayer_lowered;
	s6 =	simm.s32 $_tile_overlayer_lowered  }
0x9b: {  	s22 =	simm.s32 $0x1BFF;
	s21 =	sshll.u32 s6, $0x1;
	s3 =	sadd.s32 s4, s19  }
0x9c: {  	s7 =	simm.s32 $0x0;
	s20 =	sshll.u32 s5, $0x1;
	s5 =	sadd.s32 s21, s3  }
0x9d: {  	[timem:s7], [sflag:s22] =	dma.local [hbm:s5], s20  }
0x9e: {  	_ =	swait.ge [sflag:s22], s20  }
0x9f: {  	s4 =	ssub.s32 $0x0, s20;
	[sflag:s22] =	ssyncset.done $0x0  }
0xa0: {  	[sflag:s22] =	ssyncadd.s32 s4;
	_ =	sdelay $0x1  }
0xa1: {  	s23 =	simm.s32 $0x1B8B  }
0xa2: {  	_ =	swait.ge [sflag:s23], $0x1  }
0xa3: {  	[sflag:s23] =	ssyncset.done $0x0  }
0xa4: {  	s25 =	simm.s32 $0x1B8E;
	s24 =	sld [smem:$0x3FFE];
	[sflag:s23] =	ssyncadd.s32 $0xFFFFFFFF  }
0xa5: {  	s26 =	simm.s32 $execute0_lowered;
	[smem:$0x3FD2] =	sst s25  }
0xa6: {  	s5 =	sshll.u32 s26, $0x1;
	_ =	strace $0x80000046;
	[dreg:$0x1] =	wrdreg $0xFFFFFFFF  }
0xa7: {  	s28 =	simm.s32 $_size_execute0_lowered;
	s3 =	sadd.s32 s3, s5;
	[dreg:$0x0] =	wrdreg $0x0  }
0xa8: {  	s5 =	sshll.u32 s28, $0x1;
	[dreg:$0x2] =	wrdreg s3  }
0xa9: {  	[dreg:$0x3] =	wrdreg s5  }
0xaa: {  	[dreg:$0x4] =	wrdreg $0xC0  }
0xab: {  	_ =	task [dreg:s7], $0x5FFFF  }
0xac: {  	[dreg:$0x1] =	wrdreg $0xFFFFFFFF  }
0xad: {  	[dreg:$0x0] =	wrdreg $0x60  }
0xae: {  	[dreg:$0x2] =	wrdreg s2  }
0xaf: {  	[dreg:$0x3] =	wrdreg s24  }
0xb0: {  	[dreg:$0x4] =	wrdreg $0x54000  }
0xb1: {  	[dreg:$0x5] =	wrdreg $0x9  }
0xb2: {  	_ =	task.clear_ibuf [dreg:s7], $0x6FFFF;
	_ =	strace $0x90000046  }
0xb3: {  	s29 =	simm.s32 $0x9;
	_ =	strace $0x80000048  }
0xb4: {  	_ =	swait.ge [sflag:s29], $0x1  }
0xb5: {  	[sflag:s29] =	ssyncadd.s32 $0xFFFFFFFF  }
0xb6: {  	_ =	strace $0x90000048  }
0xb7: {  	_ =	sfence  }
0xb8: {  	s30 =	sld [smem:$0x0];
	_ =	sdelay $0x2  }
0xb9: {  	s31 =	sshll.u32 s1, $0xD;
	s1 =	sshrl.u32 s1, $0x2  }
0xba: {  	s3 =	sand.u32 $0x4000, s31;
	s1 =	sadd.s32 s1, s30  }
0xbb: {  	s0 =	sor.u32 s3, s0;
	s1 =	sshll.u32 s1, $0x11  }
0xbc: {  	s0 =	sor.u32 s1, s0  }
0xbd: {  	s0 =	sadd.s32 $0x8F2B, s0  }
0xbe: {  	[sflag:s0] =	ssyncadd.remote.s32 $0x1  }
0xbf: {  	_ =	sfence.sel $0xFFFF  }
0xc0: {  	[dreg:$0x0] =	wrdreg $0xFFFFFFFF;
	(pc) =	sbr.abs _section_cstart, $3  }
0xc1: {  	[dreg:$0x1] =	wrdreg $0xFFFFFFFF  }
0xc2: {  	_ =	task.clear_ibuf [dreg:s7], $0x2FFFF;
	_ =	strace $0x9FFFFFFF  }
0xc3: {  	(tm) =	ssettm $0x7FFFFFFF  }
tec
execute0_lowered:
.L_overlay_start_1:
0x0: {  	(tag) =	ssettag $0x1  }
0x1: {  	s6 =	rddreg [dreg:$0x0]  }
0x2: {  	s7 =	rddreg [dreg:$0x1]  }
0x3: {  	s1 =	rddreg [dreg:$0x2];
	s2 =	srdreg.scid  }
0x4: {  	s0 =	rddreg [dreg:$0x3];
	s3 =	simm.s32 $0x0;
	s14 =	simm.s32 $0x80  }
0x5: {  	s15 =	simm.s32 $0x0;
	s8 =	sand.u32 $0x1, s2;
	s2 =	stileid.u32  }
0x6: {  	[smem:$0x7FF] =	sst s3;
	s4 =	sadd.s32 $0xBA00, s7;
	s5 =	smul.u32 $0x140000, s8  }
0x7: {  	s9 =	smul.u32 $0x14000, s2;
	_ =	strace $0x80000047;
	s10 =	sshll.u32 s8, $0x4  }
0x8: {  	s26 =	ssub.s32 $0x2, s8;
	s28 =	smul.u32 $0x50000, s2;
	s10 =	sor.u32 s2, s10  }
0x9: {  	s31 =	sshll.u32 s2, $0x6;
	s12 =	sshrl.u32 s26, $0x1;
	s11 =	smul.u32 $0x2800, s10  }
0xa: {  	s9 =	sadd.s32 s9, s5;
	s5 =	sadd.s32 $0xC200, s7;
	s10 =	smul.u32 $0x500, s10  }
0xb: {  	s12 =	ssub.s32 s26, s12;
	s29 =	sshrl.u32 s28, $0x2;
	s9 =	sshrl.u32 s9, $0x3  }
0xc: {  	s13 =	sadd.s32 s29, s1;
	s9 =	sadd.s32 s9, s7;
	s11 =	sshrl.u32 s11, $0x3  }
0xd: {  	s13 =	sshrl.u32 s13, $0x3;
	s30 =	sadd.s32 s6, s11;
	s6 =	sadd.s32 s6, s10  }
0xe: {  	s8 =	sadd.s32 $0xEA00, s9;
	s9 =	smax.u32 s12, $0x1;
	s10 =	simm.s32 $0x1400  }
0xf: {  	s11 =	simm.s32 $0x1;
	s12 =	sor.u32 $0x1C01, s31;
	s7 =	sadd.s32 $0x280, s30  }
.LBB2_1:
0x10: {  	[tilespmem:s10], [sflag:$0x1] =	stream.linear.gather [hbm4b:s4+s3], $0x4000, $0x38;
	[tilespmem:$0x19400] =	vst v63  }
0x11: {  	_ =	swait.ge [sflag:s11], $0x4000  }
0x12: {  	[sflag:s11] =	ssyncset.done $0x0  }
0x13: {  	[sflag:s11] =	ssyncadd.s32 $0xFFFFC000  }
0x14: {  	[spmem:s13], [sflag:s12] =	dma.local [hbm:s5], $0x2800  }
0x15: {  	_ =	swait.ge [sflag:s11], $0x2800  }
0x16: {  	[sflag:s11] =	ssyncset.done $0x0  }
0x17: {  	[sflag:s11] =	ssyncadd.s32 $0xFFFFD800  }
0x18: {  	[bflag:$0x0] =	sbarrier.arrive $0xFFFF  }
0x19: {  	[tilespmem:s3], [sflag:$0x1] =	stream.linear.gather [hbm4b:s6+s3], $0x1400, $0x38;
	[tilespmem:$0x19400] =	vst v63  }
0x1a: {  	_ =	swait.ge [sflag:s11], $0x1400  }
0x1b: {  	[sflag:s11] =	ssyncset.done $0x0  }
0x1c: {  	s16 =	simm.s32 $0x0;
	[sflag:s11] =	ssyncadd.s32 $0xFFFFEC00  }
0x1d: {  	[spmem:s1] =	stream.indirect.scatter.add.f32 [tilespmem:s10], [sflag:$0x1], $0x80, s16, s14, $0xb8;
	[tilespmem:$0x19400] =	vst v63  }
0x1e: {  	_ =	swait.ge [sflag:s11], $0x4000  }
0x1f: {  	s16 =	simm.s32 $0x200;
	[sflag:s11] =	ssyncset.done $0x0  }
.LBB2_2:
0x20: {  	s17 =	sshra.s32 s16, $0x2;
	[sflag:s11] =	ssyncadd.s32 $0xFFFFC000;
	p0 =	sne.s32 s16, $0x4E00  }
0x21: {  	[spmem:s1] =	stream.indirect.scatter.add.f32 [tilespmem:s10], [sflag:$0x1], $0x80, s17, s14, $0xb8;
	[tilespmem:$0x19400] =	vst v63  }
.Ltmp0:
0x22: {  	_ = 	snop;
	(pc) =	sbr.rel @p0 .LBB2_2-.Ltmp0, $4  }
0x23: {  	_ = 	snop  }
0x24: {  	s16 =	sadd.s32 $0x200, s16  }
0x25: {  	_ =	swait.ge [sflag:s11], $0x4000  }
0x26: {  	[sflag:s11] =	ssyncset.done $0x0  }
0x27: {  	[sflag:s11] =	ssyncadd.s32 $0xFFFFC000;
	s16 =	simm.s32 $0x0  }
0x28: {  	[tilespmem:s16], [sflag:$0x1] =	stream.linear.gather [hbm4b:s7+s16], $0x1400, $0x38;
	[tilespmem:$0x19400] =	vst v63  }
0x29: {  	_ =	swait.ge [sflag:s11], $0x1400  }
0x2a: {  	[sflag:s11] =	ssyncset.done $0x0  }
0x2b: {  	s31 =	simm.s32 $0x0;
	[sflag:s11] =	ssyncadd.s32 $0xFFFFEC00  }
0x2c: {  	[spmem:s1] =	stream.indirect.scatter.add.f32 [tilespmem:s10], [sflag:$0x1], $0x80, s31, s14, $0xb8;
	[tilespmem:$0x19400] =	vst v63  }
0x2d: {  	_ =	swait.ge [sflag:s11], $0x4000  }
0x2e: {  	s16 =	simm.s32 $0x200;
	[sflag:s11] =	ssyncset.done $0x0  }
.LBB2_4:
0x2f: {  	s17 =	sshra.s32 s16, $0x2;
	[sflag:s11] =	ssyncadd.s32 $0xFFFFC000;
	p0 =	sne.s32 s16, $0x4E00  }
0x30: {  	[spmem:s1] =	stream.indirect.scatter.add.f32 [tilespmem:s10], [sflag:$0x1], $0x80, s17, s14, $0xb8;
	[tilespmem:$0x19400] =	vst v63  }
.Ltmp1:
0x31: {  	_ = 	snop;
	(pc) =	sbr.rel @p0 .LBB2_4-.Ltmp1, $4  }
0x32: {  	_ = 	snop  }
0x33: {  	s16 =	sadd.s32 $0x200, s16  }
0x34: {  	_ =	swait.ge [sflag:s11], $0x4000  }
0x35: {  	[sflag:s11] =	ssyncset.done $0x0  }
0x36: {  	s15 =	sadd.s32 $0x1, s15  }
0x37: {  	[sflag:s11] =	ssyncadd.s32 $0xFFFFC000;
	p0 =	sne.s32 s15, s9  }
.Ltmp2:
0x38: {  	[bflag:$0x0] =	sbarrier.arrive $0xFFFF;
	(pc) =	sbr.rel @p0 .LBB2_1-.Ltmp2, $4  }
0x39: {  	[hbm:s8], [sflag:s12] =	dma.local [spmem:s13], $0x2800  }
0x3a: {  	_ =	swait.ge [sflag:s11], $0x2800  }
0x3b: {  	[sflag:s11] =	ssyncset.done $0x0  }
0x3c: {  	[sflag:s11] =	ssyncadd.s32 $0xFFFFD800  }
0x3d: {  	_ =	sfence.sel $0x180000  }
0x3e: {  	[bflag:$0x0] =	sbarrier.arrive $0xFFFF  }
0x3f: {  	p0 =	sne.s32 s2, $0x0;
	_ =	strace $0x90000047  }
0x40: {  	s0 =	sadd.s32 @!p0 $0x100000, s0;
	[bflag:$0x2] =	sbarrier.arrive $0xFFFF  }
0x41: {  	[sflag:s0] =	ssyncadd.tile.s32 @!p0 $0x1;
	_ =	shalt  }
.Lfunc_end2:
_tile_overlayer_lowered:
.L_overlay_start_2:
0x42: {  	(tag) =	ssettag $0x2  }
0x43: {  	s0 =	rddreg [dreg:$0x0];
	s2 =	stileid.u32  }
0x44: {  	s1 =	rddreg [dreg:$0x1];
	p0 =	sne.s32 s2, $0x0  }
0x45: {  	s3 =	rddreg [dreg:$0x2];
	[bflag:$0x3] =	sbarrier.arrive $0xFFFF;
	s2 =	simm.s32 @!p0 $0x1C01  }
0x46: {  	[timem:s3], [sflag:s2] =	dma.local @!p0 [hbm:s0], s1  }
0x47: {  	s0 =	simm.s32 @!p0 $0x1  }
0x48: {  	_ =	swait.ge @!p0 [sflag:s0], s1  }
0x49: {  	s1 =	ssub.s32 @!p0 $0x0, s1;
	[sflag:s0] =	ssyncset.done @!p0 $0x0  }
0x4a: {  	[sflag:s0] =	ssyncadd.s32 @!p0 s1  }
0x4b: {  	[bflag:$0x3] =	sbarrier.arrive $0xFFFF  }
0x4c: {  	_ =	shalt  }

</sc_bundles>
